<compile_context>
chip_gen: v7x
topology: tpu7x:2x2x1
jax: 0.10.2.dev20260603
libtpu: 0.0.44.dev20260713+nightly
codegen_flags: <defaults>
</compile_context>

<pallas_src>
import functools

import jax
import jax.numpy as jnp
from jax import lax
from jax.experimental import pallas as pl
from jax.experimental.pallas import tpu as pltpu
from jax.experimental.pallas import tpu_sc as plsc

NC = 2
NS = 16
L = 16
NW = NC * NS

B = 16384
D = 32
BPW = B // NW
CHUNK = 128
NCHUNK = BPW // CHUNK
GROUPS = BPW // L


def _dot_branch(u_rows, i_rows, ub_v, ib_v, out_v):
    lanes = lax.iota(jnp.int32, L)

    def group(g, carry):
        b0 = pl.multiple_of(g * L, L)
        rows = b0 + lanes
        acc = ub_v[pl.ds(b0, L)] + ib_v[pl.ds(b0, L)]
        for d in range(D):
            cols = (lanes + d) & (D - 1)
            acc = acc + (plsc.load_gather(u_rows, [rows, cols])
                         * plsc.load_gather(i_rows, [rows, cols]))
        out_v[pl.ds(b0, L)] = acc
        return carry

    lax.fori_loop(0, GROUPS, group, 0)


def _mf_body(user_h, item_h, uneg_h, ineg_h, ul_h, il_h, ub_h, ib_h,
             pos_h, neg_h,
             u_idx, i_idx, un_idx, in_idx,
             u_rows, i_rows, un_rows, in_rows,
             ub_v, ib_v, unb_v, inb_v,
             pos_v, neg_v, sem_pos, sem_neg):
    c = lax.axis_index("c")
    s = lax.axis_index("s")
    wid = s * NC + c
    base = pl.multiple_of(wid * BPW, BPW)

    for k in range(NCHUNK):
        off = pl.multiple_of(base + k * CHUNK, CHUNK)
        pltpu.sync_copy(user_h.at[pl.ds(off, CHUNK)], u_idx.at[k])
        pltpu.sync_copy(item_h.at[pl.ds(off, CHUNK)], i_idx.at[k])
        pltpu.sync_copy(uneg_h.at[pl.ds(off, CHUNK)], un_idx.at[k])
        pltpu.sync_copy(ineg_h.at[pl.ds(off, CHUNK)], in_idx.at[k])

    pos_cps = []
    neg_cps = []
    for k in range(NCHUNK):
        r = pl.ds(k * CHUNK, CHUNK)
        pos_cps.append(pltpu.async_copy(ul_h.at[u_idx.at[k]], u_rows.at[r], sem_pos))
        pos_cps.append(pltpu.async_copy(il_h.at[i_idx.at[k]], i_rows.at[r], sem_pos))
        pos_cps.append(pltpu.async_copy(ub_h.at[u_idx.at[k]], ub_v.at[r], sem_pos))
        pos_cps.append(pltpu.async_copy(ib_h.at[i_idx.at[k]], ib_v.at[r], sem_pos))
    for k in range(NCHUNK):
        r = pl.ds(k * CHUNK, CHUNK)
        neg_cps.append(pltpu.async_copy(ul_h.at[un_idx.at[k]], un_rows.at[r], sem_neg))
        neg_cps.append(pltpu.async_copy(il_h.at[in_idx.at[k]], in_rows.at[r], sem_neg))
        neg_cps.append(pltpu.async_copy(ub_h.at[un_idx.at[k]], unb_v.at[r], sem_neg))
        neg_cps.append(pltpu.async_copy(ib_h.at[in_idx.at[k]], inb_v.at[r], sem_neg))

    for cp in pos_cps:
        cp.wait()
    _dot_branch(u_rows, i_rows, ub_v, ib_v, pos_v)
    for cp in neg_cps:
        cp.wait()
    _dot_branch(un_rows, in_rows, unb_v, inb_v, neg_v)

    pltpu.sync_copy(pos_v, pos_h.at[pl.ds(base, BPW)])
    pltpu.sync_copy(neg_v, neg_h.at[pl.ds(base, BPW)])


@functools.partial(
    pl.kernel,
    out_type=(jax.ShapeDtypeStruct((B,), jnp.float32),
              jax.ShapeDtypeStruct((B,), jnp.float32)),
    mesh=plsc.VectorSubcoreMesh(core_axis_name="c", subcore_axis_name="s"),
    scratch_types=[
        pltpu.VMEM((NCHUNK, CHUNK), jnp.int32),
        pltpu.VMEM((NCHUNK, CHUNK), jnp.int32),
        pltpu.VMEM((NCHUNK, CHUNK), jnp.int32),
        pltpu.VMEM((NCHUNK, CHUNK), jnp.int32),
        pltpu.VMEM((BPW, D), jnp.float32),
        pltpu.VMEM((BPW, D), jnp.float32),
        pltpu.VMEM((BPW, D), jnp.float32),
        pltpu.VMEM((BPW, D), jnp.float32),
        pltpu.VMEM((BPW,), jnp.float32),
        pltpu.VMEM((BPW,), jnp.float32),
        pltpu.VMEM((BPW,), jnp.float32),
        pltpu.VMEM((BPW,), jnp.float32),
        pltpu.VMEM((BPW,), jnp.float32),
        pltpu.VMEM((BPW,), jnp.float32),
        pltpu.SemaphoreType.DMA,
        pltpu.SemaphoreType.DMA,
    ],
    compiler_params=pltpu.CompilerParams(needs_layout_passes=False,
                                         use_tc_tiling_on_sc=False),
)
def _mf_sc(*refs):
    _mf_body(*refs)


def kernel(user, item, user_neg, item_neg, user_latent, item_latent,
           user_biases, item_biases):
    ub = user_biases.reshape(-1)
    ib = item_biases.reshape(-1)
    return _mf_sc(user.astype(jnp.int32), item.astype(jnp.int32),
                  user_neg.astype(jnp.int32), item_neg.astype(jnp.int32),
                  user_latent, item_latent, ub, ib)

# --- scband reference (transcript-rebuilt; emitter-appended) ---
"""Pipeline reference for scband-mf-78812649881852 (READ-ONLY COPY).

The authoritative reference and input builder live on the scoring server;
editing this copy changes nothing except your own understanding.
"""

import jax, jax.numpy as jnp
import numpy as np

USER_NUM = 1000000
ITEM_NUM = 1000000
LATENT_DIM = 32
BATCH = 16384


def setup_inputs(seed: int = 0) -> dict:
    key = jax.random.key(seed)
    k1, k2, k3, k4, k5, k6, k7, k8 = jax.random.split(key, 8)
    user = jax.random.randint(k1, (BATCH,), 0, USER_NUM, dtype=jnp.int64 if jax.config.jax_enable_x64 else jnp.int32)
    item = jax.random.randint(k2, (BATCH,), 0, ITEM_NUM, dtype=jnp.int64 if jax.config.jax_enable_x64 else jnp.int32)
    user_neg = jax.random.randint(k3, (BATCH,), 0, USER_NUM, dtype=jnp.int64 if jax.config.jax_enable_x64 else jnp.int32)
    item_neg = jax.random.randint(k4, (BATCH,), 0, ITEM_NUM, dtype=jnp.int64 if jax.config.jax_enable_x64 else jnp.int32)
    user_latent = jax.random.normal(k5, (USER_NUM, LATENT_DIM), dtype=jnp.float32)
    item_latent = jax.random.normal(k6, (ITEM_NUM, LATENT_DIM), dtype=jnp.float32)
    user_biases = jax.random.normal(k7, (USER_NUM, 1), dtype=jnp.float32)
    item_biases = jax.random.normal(k8, (ITEM_NUM, 1), dtype=jnp.float32)
    return {
        "user": user,
        "item": item,
        "user_neg": user_neg,
        "item_neg": item_neg,
        "user_latent": user_latent,
        "item_latent": item_latent,
        "user_biases": user_biases,
        "item_biases": item_biases,
    }


def reference(user, item, user_neg, item_neg, user_latent, item_latent, user_biases, item_biases):
    # positive branch
    u = jnp.take(user_latent, user, axis=0)
    i = jnp.take(item_latent, item, axis=0)
    pos_score = jnp.take(user_biases, user, axis=0) + jnp.take(item_biases, item, axis=0)
    pos_score = jnp.squeeze(pos_score)
    pos_score = pos_score + (u * i).sum(1)
    # negative branch
    n_u = jnp.take(user_latent, user_neg, axis=0)
    n_i = jnp.take(item_latent, item_neg, axis=0)
    neg_score = jnp.take(user_biases, user_neg, axis=0) + jnp.take(item_biases, item_neg, axis=0)
    neg_score = jnp.squeeze(neg_score)
    neg_score = neg_score + (n_u * n_i).sum(1)
    return (pos_score, neg_score)

if __name__ == "__main__":
    import jax
    _d = setup_inputs()
    print(jax.jit(kernel)(*tuple(_d.values())))

</pallas_src>

<mosaic_0001>
#map = affine_map<(d0, d1) -> (0)>
#map1 = affine_map<(d0, d1) -> (0, 0)>
module attributes {stable_mosaic.version = 14 : i64} {
  func.func @_mf_sc(%arg0: i32, %arg1: i32, %arg2: memref<16384xi32, #tpu.memory_space<hbm>>, %arg3: memref<16384xi32, #tpu.memory_space<hbm>>, %arg4: memref<16384xi32, #tpu.memory_space<hbm>>, %arg5: memref<16384xi32, #tpu.memory_space<hbm>>, %arg6: memref<1000000x32xf32, #tpu.memory_space<hbm>>, %arg7: memref<1000000x32xf32, #tpu.memory_space<hbm>>, %arg8: memref<1000000xf32, #tpu.memory_space<hbm>>, %arg9: memref<1000000xf32, #tpu.memory_space<hbm>>, %arg10: memref<16384xf32, #tpu.memory_space<hbm>>, %arg11: memref<16384xf32, #tpu.memory_space<hbm>>, %arg12: memref<4x128xi32, #tpu.memory_space<vmem>>, %arg13: memref<4x128xi32, #tpu.memory_space<vmem>>, %arg14: memref<4x128xi32, #tpu.memory_space<vmem>>, %arg15: memref<4x128xi32, #tpu.memory_space<vmem>>, %arg16: memref<512x32xf32, #tpu.memory_space<vmem>>, %arg17: memref<512x32xf32, #tpu.memory_space<vmem>>, %arg18: memref<512x32xf32, #tpu.memory_space<vmem>>, %arg19: memref<512x32xf32, #tpu.memory_space<vmem>>, %arg20: memref<512xf32, #tpu.memory_space<vmem>>, %arg21: memref<512xf32, #tpu.memory_space<vmem>>, %arg22: memref<512xf32, #tpu.memory_space<vmem>>, %arg23: memref<512xf32, #tpu.memory_space<vmem>>, %arg24: memref<512xf32, #tpu.memory_space<vmem>>, %arg25: memref<512xf32, #tpu.memory_space<vmem>>, %arg26: memref<!tpu.dma_semaphore, #tpu.memory_space<semaphore_mem>>, %arg27: memref<!tpu.dma_semaphore, #tpu.memory_space<semaphore_mem>>) attributes {dimension_semantics = [#tpu.dimension_semantics<core_parallel>, #tpu.dimension_semantics<subcore_parallel>], iteration_bounds = array<i64: 2, 16>, scalar_prefetch = 0 : i64, scratch_operands = 16 : i64, tpu.core_type = #tpu.core_type<sc_vector_subcore>, window_params = [{transform_indices = #map}, {transform_indices = #map}, {transform_indices = #map}, {transform_indices = #map}, {transform_indices = #map1}, {transform_indices = #map1}, {transform_indices = #map}, {transform_indices = #map}, {transform_indices = #map}, {transform_indices = #map}]} {
    %mul3A = arith.constant 2 : i32
    %mul3A_0 = arith.muli %arg1, %mul3A : i32
    %add3A = arith.addi %mul3A_0, %arg0 : i32
    %mul3A_1 = arith.constant 512 : i32
    %mul3A_2 = arith.muli %add3A, %mul3A_1 : i32
    %multiple_of3A = tpu.assume_multiple %mul3A_2, 512 : i32
    %add3A_3 = arith.constant 0 : i32
    %add3A_4 = arith.addi %multiple_of3A, %add3A_3 : i32
    %multiple_of3A_5 = tpu.assume_multiple %add3A_4, 128 : i32
    %run_scoped3A = arith.constant 0 : i32
    "tpu.region"() ({
      %run_scoped3A_616 = tpu.sem_alloc : memref<!tpu.dma_semaphore, #tpu.memory_space<semaphore_mem>>
      %dma_start3A_617 = arith.constant 0 : i32
      %dma_start3A_618 = tpu.memref_slice %arg12[%run_scoped3A, %dma_start3A_617] : memref<4x128xi32, #tpu.memory_space<vmem>> -> memref<1x128xi32, #tpu.memory_space<vmem>>
      %dma_start3A_619 = tpu.memref_squeeze %dma_start3A_618 : memref<1x128xi32, #tpu.memory_space<vmem>> -> memref<128xi32, #tpu.memory_space<vmem>>
      %dma_start3A_620 = tpu.memref_slice %arg2[%multiple_of3A_5] : memref<16384xi32, #tpu.memory_space<hbm>> -> memref<128xi32, #tpu.memory_space<hbm>>
      %dma_start3A_621 = arith.constant 0 : i32
      %dma_start3A_622 = tpu.memref_slice %arg12[%run_scoped3A, %dma_start3A_621] : memref<4x128xi32, #tpu.memory_space<vmem>> -> memref<1x128xi32, #tpu.memory_space<vmem>>
      %dma_start3A_623 = tpu.memref_squeeze %dma_start3A_622 : memref<1x128xi32, #tpu.memory_space<vmem>> -> memref<128xi32, #tpu.memory_space<vmem>>
      %dma_start3A_624 = tpu.memref_slice %arg2[%multiple_of3A_5] : memref<16384xi32, #tpu.memory_space<hbm>> -> memref<128xi32, #tpu.memory_space<hbm>>
      tpu.enqueue_dma source(%dma_start3A_624 : memref<128xi32, #tpu.memory_space<hbm>>) target(%dma_start3A_623 : memref<128xi32, #tpu.memory_space<vmem>>) target_semaphore(%run_scoped3A_616 : memref<!tpu.dma_semaphore, #tpu.memory_space<semaphore_mem>>)
      %dma_wait3A_625 = arith.constant 0 : i32
      %dma_wait3A_626 = tpu.memref_slice %arg12[%run_scoped3A, %dma_wait3A_625] : memref<4x128xi32, #tpu.memory_space<vmem>> -> memref<1x128xi32, #tpu.memory_space<vmem>>
      %dma_wait3A_627 = tpu.memref_squeeze %dma_wait3A_626 : memref<1x128xi32, #tpu.memory_space<vmem>> -> memref<128xi32, #tpu.memory_space<vmem>>
      %dma_wait3A_628 = tpu.memref_slice %arg2[%multiple_of3A_5] : memref<16384xi32, #tpu.memory_space<hbm>> -> memref<128xi32, #tpu.memory_space<hbm>>
      %dma_wait3A_629 = arith.constant 0 : i32
      %dma_wait3A_630 = tpu.memref_slice %arg12[%run_scoped3A, %dma_wait3A_629] : memref<4x128xi32, #tpu.memory_space<vmem>> -> memref<1x128xi32, #tpu.memory_space<vmem>>
      %dma_wait3A_631 = tpu.memref_squeeze %dma_wait3A_630 : memref<1x128xi32, #tpu.memory_space<vmem>> -> memref<128xi32, #tpu.memory_space<vmem>>
      %dma_wait3A_632 = tpu.memref_slice %arg2[%multiple_of3A_5] : memref<16384xi32, #tpu.memory_space<hbm>> -> memref<128xi32, #tpu.memory_space<hbm>>
      tpu.wait_dma2 semaphore(%run_scoped3A_616 : memref<!tpu.dma_semaphore, #tpu.memory_space<semaphore_mem>>) src(%dma_wait3A_632 : memref<128xi32, #tpu.memory_space<hbm>>) dst(%dma_wait3A_631 : memref<128xi32, #tpu.memory_space<vmem>>)
      tpu.yield
    }) : () -> ()
    %run_scoped3A_6 = arith.constant 0 : i32
    "tpu.region"() ({
      %run_scoped3A_616 = tpu.sem_alloc : memref<!tpu.dma_semaphore, #tpu.memory_space<semaphore_mem>>
      %dma_start3A_617 = arith.constant 0 : i32
      %dma_start3A_618 = tpu.memref_slice %arg13[%run_scoped3A_6, %dma_start3A_617] : memref<4x128xi32, #tpu.memory_space<vmem>> -> memref<1x128xi32, #tpu.memory_space<vmem>>
      %dma_start3A_619 = tpu.memref_squeeze %dma_start3A_618 : memref<1x128xi32, #tpu.memory_space<vmem>> -> memref<128xi32, #tpu.memory_space<vmem>>
      %dma_start3A_620 = tpu.memref_slice %arg3[%multiple_of3A_5] : memref<16384xi32, #tpu.memory_space<hbm>> -> memref<128xi32, #tpu.memory_space<hbm>>
      %dma_start3A_621 = arith.constant 0 : i32
      %dma_start3A_622 = tpu.memref_slice %arg13[%run_scoped3A_6, %dma_start3A_621] : memref<4x128xi32, #tpu.memory_space<vmem>> -> memref<1x128xi32, #tpu.memory_space<vmem>>
      %dma_start3A_623 = tpu.memref_squeeze %dma_start3A_622 : memref<1x128xi32, #tpu.memory_space<vmem>> -> memref<128xi32, #tpu.memory_space<vmem>>
      %dma_start3A_624 = tpu.memref_slice %arg3[%multiple_of3A_5] : memref<16384xi32, #tpu.memory_space<hbm>> -> memref<128xi32, #tpu.memory_space<hbm>>
      tpu.enqueue_dma source(%dma_start3A_624 : memref<128xi32, #tpu.memory_space<hbm>>) target(%dma_start3A_623 : memref<128xi32, #tpu.memory_space<vmem>>) target_semaphore(%run_scoped3A_616 : memref<!tpu.dma_semaphore, #tpu.memory_space<semaphore_mem>>)
      %dma_wait3A_625 = arith.constant 0 : i32
      %dma_wait3A_626 = tpu.memref_slice %arg13[%run_scoped3A_6, %dma_wait3A_625] : memref<4x128xi32, #tpu.memory_space<vmem>> -> memref<1x128xi32, #tpu.memory_space<vmem>>
      %dma_wait3A_627 = tpu.memref_squeeze %dma_wait3A_626 : memref<1x128xi32, #tpu.memory_space<vmem>> -> memref<128xi32, #tpu.memory_space<vmem>>
      %dma_wait3A_628 = tpu.memref_slice %arg3[%multiple_of3A_5] : memref<16384xi32, #tpu.memory_space<hbm>> -> memref<128xi32, #tpu.memory_space<hbm>>
      %dma_wait3A_629 = arith.constant 0 : i32
      %dma_wait3A_630 = tpu.memref_slice %arg13[%run_scoped3A_6, %dma_wait3A_629] : memref<4x128xi32, #tpu.memory_space<vmem>> -> memref<1x128xi32, #tpu.memory_space<vmem>>
      %dma_wait3A_631 = tpu.memref_squeeze %dma_wait3A_630 : memref<1x128xi32, #tpu.memory_space<vmem>> -> memref<128xi32, #tpu.memory_space<vmem>>
      %dma_wait3A_632 = tpu.memref_slice %arg3[%multiple_of3A_5] : memref<16384xi32, #tpu.memory_space<hbm>> -> memref<128xi32, #tpu.memory_space<hbm>>
      tpu.wait_dma2 semaphore(%run_scoped3A_616 : memref<!tpu.dma_semaphore, #tpu.memory_space<semaphore_mem>>) src(%dma_wait3A_632 : memref<128xi32, #tpu.memory_space<hbm>>) dst(%dma_wait3A_631 : memref<128xi32, #tpu.memory_space<vmem>>)
      tpu.yield
    }) : () -> ()
    %run_scoped3A_7 = arith.constant 0 : i32
    "tpu.region"() ({
      %run_scoped3A_616 = tpu.sem_alloc : memref<!tpu.dma_semaphore, #tpu.memory_space<semaphore_mem>>
      %dma_start3A_617 = arith.constant 0 : i32
      %dma_start3A_618 = tpu.memref_slice %arg14[%run_scoped3A_7, %dma_start3A_617] : memref<4x128xi32, #tpu.memory_space<vmem>> -> memref<1x128xi32, #tpu.memory_space<vmem>>
      %dma_start3A_619 = tpu.memref_squeeze %dma_start3A_618 : memref<1x128xi32, #tpu.memory_space<vmem>> -> memref<128xi32, #tpu.memory_space<vmem>>
      %dma_start3A_620 = tpu.memref_slice %arg4[%multiple_of3A_5] : memref<16384xi32, #tpu.memory_space<hbm>> -> memref<128xi32, #tpu.memory_space<hbm>>
      %dma_start3A_621 = arith.constant 0 : i32
      %dma_start3A_622 = tpu.memref_slice %arg14[%run_scoped3A_7, %dma_start3A_621] : memref<4x128xi32, #tpu.memory_space<vmem>> -> memref<1x128xi32, #tpu.memory_space<vmem>>
      %dma_start3A_623 = tpu.memref_squeeze %dma_start3A_622 : memref<1x128xi32, #tpu.memory_space<vmem>> -> memref<128xi32, #tpu.memory_space<vmem>>
      %dma_start3A_624 = tpu.memref_slice %arg4[%multiple_of3A_5] : memref<16384xi32, #tpu.memory_space<hbm>> -> memref<128xi32, #tpu.memory_space<hbm>>
      tpu.enqueue_dma source(%dma_start3A_624 : memref<128xi32, #tpu.memory_space<hbm>>) target(%dma_start3A_623 : memref<128xi32, #tpu.memory_space<vmem>>) target_semaphore(%run_scoped3A_616 : memref<!tpu.dma_semaphore, #tpu.memory_space<semaphore_mem>>)
      %dma_wait3A_625 = arith.constant 0 : i32
      %dma_wait3A_626 = tpu.memref_slice %arg14[%run_scoped3A_7, %dma_wait3A_625] : memref<4x128xi32, #tpu.memory_space<vmem>> -> memref<1x128xi32, #tpu.memory_space<vmem>>
      %dma_wait3A_627 = tpu.memref_squeeze %dma_wait3A_626 : memref<1x128xi32, #tpu.memory_space<vmem>> -> memref<128xi32, #tpu.memory_space<vmem>>
      %dma_wait3A_628 = tpu.memref_slice %arg4[%multiple_of3A_5] : memref<16384xi32, #tpu.memory_space<hbm>> -> memref<128xi32, #tpu.memory_space<hbm>>
      %dma_wait3A_629 = arith.constant 0 : i32
      %dma_wait3A_630 = tpu.memref_slice %arg14[%run_scoped3A_7, %dma_wait3A_629] : memref<4x128xi32, #tpu.memory_space<vmem>> -> memref<1x128xi32, #tpu.memory_space<vmem>>
      %dma_wait3A_631 = tpu.memref_squeeze %dma_wait3A_630 : memref<1x128xi32, #tpu.memory_space<vmem>> -> memref<128xi32, #tpu.memory_space<vmem>>
      %dma_wait3A_632 = tpu.memref_slice %arg4[%multiple_of3A_5] : memref<16384xi32, #tpu.memory_space<hbm>> -> memref<128xi32, #tpu.memory_space<hbm>>
      tpu.wait_dma2 semaphore(%run_scoped3A_616 : memref<!tpu.dma_semaphore, #tpu.memory_space<semaphore_mem>>) src(%dma_wait3A_632 : memref<128xi32, #tpu.memory_space<hbm>>) dst(%dma_wait3A_631 : memref<128xi32, #tpu.memory_space<vmem>>)
      tpu.yield
    }) : () -> ()
    %run_scoped3A_8 = arith.constant 0 : i32
    "tpu.region"() ({
      %run_scoped3A_616 = tpu.sem_alloc : memref<!tpu.dma_semaphore, #tpu.memory_space<semaphore_mem>>
      %dma_start3A_617 = arith.constant 0 : i32
      %dma_start3A_618 = tpu.memref_slice %arg15[%run_scoped3A_8, %dma_start3A_617] : memref<4x128xi32, #tpu.memory_space<vmem>> -> memref<1x128xi32, #tpu.memory_space<vmem>>
      %dma_start3A_619 = tpu.memref_squeeze %dma_start3A_618 : memref<1x128xi32, #tpu.memory_space<vmem>> -> memref<128xi32, #tpu.memory_space<vmem>>
      %dma_start3A_620 = tpu.memref_slice %arg5[%multiple_of3A_5] : memref<16384xi32, #tpu.memory_space<hbm>> -> memref<128xi32, #tpu.memory_space<hbm>>
      %dma_start3A_621 = arith.constant 0 : i32
      %dma_start3A_622 = tpu.memref_slice %arg15[%run_scoped3A_8, %dma_start3A_621] : memref<4x128xi32, #tpu.memory_space<vmem>> -> memref<1x128xi32, #tpu.memory_space<vmem>>
      %dma_start3A_623 = tpu.memref_squeeze %dma_start3A_622 : memref<1x128xi32, #tpu.memory_space<vmem>> -> memref<128xi32, #tpu.memory_space<vmem>>
      %dma_start3A_624 = tpu.memref_slice %arg5[%multiple_of3A_5] : memref<16384xi32, #tpu.memory_space<hbm>> -> memref<128xi32, #tpu.memory_space<hbm>>
      tpu.enqueue_dma source(%dma_start3A_624 : memref<128xi32, #tpu.memory_space<hbm>>) target(%dma_start3A_623 : memref<128xi32, #tpu.memory_space<vmem>>) target_semaphore(%run_scoped3A_616 : memref<!tpu.dma_semaphore, #tpu.memory_space<semaphore_mem>>)
      %dma_wait3A_625 = arith.constant 0 : i32
      %dma_wait3A_626 = tpu.memref_slice %arg15[%run_scoped3A_8, %dma_wait3A_625] : memref<4x128xi32, #tpu.memory_space<vmem>> -> memref<1x128xi32, #tpu.memory_space<vmem>>
      %dma_wait3A_627 = tpu.memref_squeeze %dma_wait3A_626 : memref<1x128xi32, #tpu.memory_space<vmem>> -> memref<128xi32, #tpu.memory_space<vmem>>
      %dma_wait3A_628 = tpu.memref_slice %arg5[%multiple_of3A_5] : memref<16384xi32, #tpu.memory_space<hbm>> -> memref<128xi32, #tpu.memory_space<hbm>>
      %dma_wait3A_629 = arith.constant 0 : i32
      %dma_wait3A_630 = tpu.memref_slice %arg15[%run_scoped3A_8, %dma_wait3A_629] : memref<4x128xi32, #tpu.memory_space<vmem>> -> memref<1x128xi32, #tpu.memory_space<vmem>>
      %dma_wait3A_631 = tpu.memref_squeeze %dma_wait3A_630 : memref<1x128xi32, #tpu.memory_space<vmem>> -> memref<128xi32, #tpu.memory_space<vmem>>
      %dma_wait3A_632 = tpu.memref_slice %arg5[%multiple_of3A_5] : memref<16384xi32, #tpu.memory_space<hbm>> -> memref<128xi32, #tpu.memory_space<hbm>>
      tpu.wait_dma2 semaphore(%run_scoped3A_616 : memref<!tpu.dma_semaphore, #tpu.memory_space<semaphore_mem>>) src(%dma_wait3A_632 : memref<128xi32, #tpu.memory_space<hbm>>) dst(%dma_wait3A_631 : memref<128xi32, #tpu.memory_space<vmem>>)
      tpu.yield
    }) : () -> ()
    %add3A_9 = arith.constant 128 : i32
    %add3A_10 = arith.addi %multiple_of3A, %add3A_9 : i32
    %multiple_of3A_11 = tpu.assume_multiple %add3A_10, 128 : i32
    %run_scoped3A_12 = arith.constant 1 : i32
    "tpu.region"() ({
      %run_scoped3A_616 = tpu.sem_alloc : memref<!tpu.dma_semaphore, #tpu.memory_space<semaphore_mem>>
      %dma_start3A_617 = arith.constant 0 : i32
      %dma_start3A_618 = tpu.memref_slice %arg12[%run_scoped3A_12, %dma_start3A_617] : memref<4x128xi32, #tpu.memory_space<vmem>> -> memref<1x128xi32, #tpu.memory_space<vmem>>
      %dma_start3A_619 = tpu.memref_squeeze %dma_start3A_618 : memref<1x128xi32, #tpu.memory_space<vmem>> -> memref<128xi32, #tpu.memory_space<vmem>>
      %dma_start3A_620 = tpu.memref_slice %arg2[%multiple_of3A_11] : memref<16384xi32, #tpu.memory_space<hbm>> -> memref<128xi32, #tpu.memory_space<hbm>>
      %dma_start3A_621 = arith.constant 0 : i32
      %dma_start3A_622 = tpu.memref_slice %arg12[%run_scoped3A_12, %dma_start3A_621] : memref<4x128xi32, #tpu.memory_space<vmem>> -> memref<1x128xi32, #tpu.memory_space<vmem>>
      %dma_start3A_623 = tpu.memref_squeeze %dma_start3A_622 : memref<1x128xi32, #tpu.memory_space<vmem>> -> memref<128xi32, #tpu.memory_space<vmem>>
      %dma_start3A_624 = tpu.memref_slice %arg2[%multiple_of3A_11] : memref<16384xi32, #tpu.memory_space<hbm>> -> memref<128xi32, #tpu.memory_space<hbm>>
      tpu.enqueue_dma source(%dma_start3A_624 : memref<128xi32, #tpu.memory_space<hbm>>) target(%dma_start3A_623 : memref<128xi32, #tpu.memory_space<vmem>>) target_semaphore(%run_scoped3A_616 : memref<!tpu.dma_semaphore, #tpu.memory_space<semaphore_mem>>)
      %dma_wait3A_625 = arith.constant 0 : i32
      %dma_wait3A_626 = tpu.memref_slice %arg12[%run_scoped3A_12, %dma_wait3A_625] : memref<4x128xi32, #tpu.memory_space<vmem>> -> memref<1x128xi32, #tpu.memory_space<vmem>>
      %dma_wait3A_627 = tpu.memref_squeeze %dma_wait3A_626 : memref<1x128xi32, #tpu.memory_space<vmem>> -> memref<128xi32, #tpu.memory_space<vmem>>
      %dma_wait3A_628 = tpu.memref_slice %arg2[%multiple_of3A_11] : memref<16384xi32, #tpu.memory_space<hbm>> -> memref<128xi32, #tpu.memory_space<hbm>>
      %dma_wait3A_629 = arith.constant 0 : i32
      %dma_wait3A_630 = tpu.memref_slice %arg12[%run_scoped3A_12, %dma_wait3A_629] : memref<4x128xi32, #tpu.memory_space<vmem>> -> memref<1x128xi32, #tpu.memory_space<vmem>>
      %dma_wait3A_631 = tpu.memref_squeeze %dma_wait3A_630 : memref<1x128xi32, #tpu.memory_space<vmem>> -> memref<128xi32, #tpu.memory_space<vmem>>
      %dma_wait3A_632 = tpu.memref_slice %arg2[%multiple_of3A_11] : memref<16384xi32, #tpu.memory_space<hbm>> -> memref<128xi32, #tpu.memory_space<hbm>>
      tpu.wait_dma2 semaphore(%run_scoped3A_616 : memref<!tpu.dma_semaphore, #tpu.memory_space<semaphore_mem>>) src(%dma_wait3A_632 : memref<128xi32, #tpu.memory_space<hbm>>) dst(%dma_wait3A_631 : memref<128xi32, #tpu.memory_space<vmem>>)
      tpu.yield
    }) : () -> ()
    %run_scoped3A_13 = arith.constant 1 : i32
    "tpu.region"() ({
      %run_scoped3A_616 = tpu.sem_alloc : memref<!tpu.dma_semaphore, #tpu.memory_space<semaphore_mem>>
      %dma_start3A_617 = arith.constant 0 : i32
      %dma_start3A_618 = tpu.memref_slice %arg13[%run_scoped3A_13, %dma_start3A_617] : memref<4x128xi32, #tpu.memory_space<vmem>> -> memref<1x128xi32, #tpu.memory_space<vmem>>
      %dma_start3A_619 = tpu.memref_squeeze %dma_start3A_618 : memref<1x128xi32, #tpu.memory_space<vmem>> -> memref<128xi32, #tpu.memory_space<vmem>>
      %dma_start3A_620 = tpu.memref_slice %arg3[%multiple_of3A_11] : memref<16384xi32, #tpu.memory_space<hbm>> -> memref<128xi32, #tpu.memory_space<hbm>>
      %dma_start3A_621 = arith.constant 0 : i32
      %dma_start3A_622 = tpu.memref_slice %arg13[%run_scoped3A_13, %dma_start3A_621] : memref<4x128xi32, #tpu.memory_space<vmem>> -> memref<1x128xi32, #tpu.memory_space<vmem>>
      %dma_start3A_623 = tpu.memref_squeeze %dma_start3A_622 : memref<1x128xi32, #tpu.memory_space<vmem>> -> memref<128xi32, #tpu.memory_space<vmem>>
      %dma_start3A_624 = tpu.memref_slice %arg3[%multiple_of3A_11] : memref<16384xi32, #tpu.memory_space<hbm>> -> memref<128xi32, #tpu.memory_space<hbm>>
      tpu.enqueue_dma source(%dma_start3A_624 : memref<128xi32, #tpu.memory_space<hbm>>) target(%dma_start3A_623 : memref<128xi32, #tpu.memory_space<vmem>>) target_semaphore(%run_scoped3A_616 : memref<!tpu.dma_semaphore, #tpu.memory_space<semaphore_mem>>)
      %dma_wait3A_625 = arith.constant 0 : i32
      %dma_wait3A_626 = tpu.memref_slice %arg13[%run_scoped3A_13, %dma_wait3A_625] : memref<4x128xi32, #tpu.memory_space<vmem>> -> memref<1x128xi32, #tpu.memory_space<vmem>>
      %dma_wait3A_627 = tpu.memref_squeeze %dma_wait3A_626 : memref<1x128xi32, #tpu.memory_space<vmem>> -> memref<128xi32, #tpu.memory_space<vmem>>
      %dma_wait3A_628 = tpu.memref_slice %arg3[%multiple_of3A_11] : memref<16384xi32, #tpu.memory_space<hbm>> -> memref<128xi32, #tpu.memory_space<hbm>>
      %dma_wait3A_629 = arith.constant 0 : i32
      %dma_wait3A_630 = tpu.memref_slice %arg13[%run_scoped3A_13, %dma_wait3A_629] : memref<4x128xi32, #tpu.memory_space<vmem>> -> memref<1x128xi32, #tpu.memory_space<vmem>>
      %dma_wait3A_631 = tpu.memref_squeeze %dma_wait3A_630 : memref<1x128xi32, #tpu.memory_space<vmem>> -> memref<128xi32, #tpu.memory_space<vmem>>
      %dma_wait3A_632 = tpu.memref_slice %arg3[%multiple_of3A_11] : memref<16384xi32, #tpu.memory_space<hbm>> -> memref<128xi32, #tpu.memory_space<hbm>>
      tpu.wait_dma2 semaphore(%run_scoped3A_616 : memref<!tpu.dma_semaphore, #tpu.memory_space<semaphore_mem>>) src(%dma_wait3A_632 : memref<128xi32, #tpu.memory_space<hbm>>) dst(%dma_wait3A_631 : memref<128xi32, #tpu.memory_space<vmem>>)
      tpu.yield
    }) : () -> ()
    %run_scoped3A_14 = arith.constant 1 : i32
    "tpu.region"() ({
      %run_scoped3A_616 = tpu.sem_alloc : memref<!tpu.dma_semaphore, #tpu.memory_space<semaphore_mem>>
      %dma_start3A_617 = arith.constant 0 : i32
      %dma_start3A_618 = tpu.memref_slice %arg14[%run_scoped3A_14, %dma_start3A_617] : memref<4x128xi32, #tpu.memory_space<vmem>> -> memref<1x128xi32, #tpu.memory_space<vmem>>
      %dma_start3A_619 = tpu.memref_squeeze %dma_start3A_618 : memref<1x128xi32, #tpu.memory_space<vmem>> -> memref<128xi32, #tpu.memory_space<vmem>>
      %dma_start3A_620 = tpu.memref_slice %arg4[%multiple_of3A_11] : memref<16384xi32, #tpu.memory_space<hbm>> -> memref<128xi32, #tpu.memory_space<hbm>>
      %dma_start3A_621 = arith.constant 0 : i32
      %dma_start3A_622 = tpu.memref_slice %arg14[%run_scoped3A_14, %dma_start3A_621] : memref<4x128xi32, #tpu.memory_space<vmem>> -> memref<1x128xi32, #tpu.memory_space<vmem>>
      %dma_start3A_623 = tpu.memref_squeeze %dma_start3A_622 : memref<1x128xi32, #tpu.memory_space<vmem>> -> memref<128xi32, #tpu.memory_space<vmem>>
      %dma_start3A_624 = tpu.memref_slice %arg4[%multiple_of3A_11] : memref<16384xi32, #tpu.memory_space<hbm>> -> memref<128xi32, #tpu.memory_space<hbm>>
      tpu.enqueue_dma source(%dma_start3A_624 : memref<128xi32, #tpu.memory_space<hbm>>) target(%dma_start3A_623 : memref<128xi32, #tpu.memory_space<vmem>>) target_semaphore(%run_scoped3A_616 : memref<!tpu.dma_semaphore, #tpu.memory_space<semaphore_mem>>)
      %dma_wait3A_625 = arith.constant 0 : i32
      %dma_wait3A_626 = tpu.memref_slice %arg14[%run_scoped3A_14, %dma_wait3A_625] : memref<4x128xi32, #tpu.memory_space<vmem>> -> memref<1x128xi32, #tpu.memory_space<vmem>>
      %dma_wait3A_627 = tpu.memref_squeeze %dma_wait3A_626 : memref<1x128xi32, #tpu.memory_space<vmem>> -> memref<128xi32, #tpu.memory_space<vmem>>
      %dma_wait3A_628 = tpu.memref_slice %arg4[%multiple_of3A_11] : memref<16384xi32, #tpu.memory_space<hbm>> -> memref<128xi32, #tpu.memory_space<hbm>>
      %dma_wait3A_629 = arith.constant 0 : i32
      %dma_wait3A_630 = tpu.memref_slice %arg14[%run_scoped3A_14, %dma_wait3A_629] : memref<4x128xi32, #tpu.memory_space<vmem>> -> memref<1x128xi32, #tpu.memory_space<vmem>>
      %dma_wait3A_631 = tpu.memref_squeeze %dma_wait3A_630 : memref<1x128xi32, #tpu.memory_space<vmem>> -> memref<128xi32, #tpu.memory_space<vmem>>
      %dma_wait3A_632 = tpu.memref_slice %arg4[%multiple_of3A_11] : memref<16384xi32, #tpu.memory_space<hbm>> -> memref<128xi32, #tpu.memory_space<hbm>>
      tpu.wait_dma2 semaphore(%run_scoped3A_616 : memref<!tpu.dma_semaphore, #tpu.memory_space<semaphore_mem>>) src(%dma_wait3A_632 : memref<128xi32, #tpu.memory_space<hbm>>) dst(%dma_wait3A_631 : memref<128xi32, #tpu.memory_space<vmem>>)
      tpu.yield
    }) : () -> ()
    %run_scoped3A_15 = arith.constant 1 : i32
    "tpu.region"() ({
      %run_scoped3A_616 = tpu.sem_alloc : memref<!tpu.dma_semaphore, #tpu.memory_space<semaphore_mem>>
      %dma_start3A_617 = arith.constant 0 : i32
      %dma_start3A_618 = tpu.memref_slice %arg15[%run_scoped3A_15, %dma_start3A_617] : memref<4x128xi32, #tpu.memory_space<vmem>> -> memref<1x128xi32, #tpu.memory_space<vmem>>
      %dma_start3A_619 = tpu.memref_squeeze %dma_start3A_618 : memref<1x128xi32, #tpu.memory_space<vmem>> -> memref<128xi32, #tpu.memory_space<vmem>>
      %dma_start3A_620 = tpu.memref_slice %arg5[%multiple_of3A_11] : memref<16384xi32, #tpu.memory_space<hbm>> -> memref<128xi32, #tpu.memory_space<hbm>>
      %dma_start3A_621 = arith.constant 0 : i32
      %dma_start3A_622 = tpu.memref_slice %arg15[%run_scoped3A_15, %dma_start3A_621] : memref<4x128xi32, #tpu.memory_space<vmem>> -> memref<1x128xi32, #tpu.memory_space<vmem>>
      %dma_start3A_623 = tpu.memref_squeeze %dma_start3A_622 : memref<1x128xi32, #tpu.memory_space<vmem>> -> memref<128xi32, #tpu.memory_space<vmem>>
      %dma_start3A_624 = tpu.memref_slice %arg5[%multiple_of3A_11] : memref<16384xi32, #tpu.memory_space<hbm>> -> memref<128xi32, #tpu.memory_space<hbm>>
      tpu.enqueue_dma source(%dma_start3A_624 : memref<128xi32, #tpu.memory_space<hbm>>) target(%dma_start3A_623 : memref<128xi32, #tpu.memory_space<vmem>>) target_semaphore(%run_scoped3A_616 : memref<!tpu.dma_semaphore, #tpu.memory_space<semaphore_mem>>)
      %dma_wait3A_625 = arith.constant 0 : i32
      %dma_wait3A_626 = tpu.memref_slice %arg15[%run_scoped3A_15, %dma_wait3A_625] : memref<4x128xi32, #tpu.memory_space<vmem>> -> memref<1x128xi32, #tpu.memory_space<vmem>>
      %dma_wait3A_627 = tpu.memref_squeeze %dma_wait3A_626 : memref<1x128xi32, #tpu.memory_space<vmem>> -> memref<128xi32, #tpu.memory_space<vmem>>
      %dma_wait3A_628 = tpu.memref_slice %arg5[%multiple_of3A_11] : memref<16384xi32, #tpu.memory_space<hbm>> -> memref<128xi32, #tpu.memory_space<hbm>>
      %dma_wait3A_629 = arith.constant 0 : i32
      %dma_wait3A_630 = tpu.memref_slice %arg15[%run_scoped3A_15, %dma_wait3A_629] : memref<4x128xi32, #tpu.memory_space<vmem>> -> memref<1x128xi32, #tpu.memory_space<vmem>>
      %dma_wait3A_631 = tpu.memref_squeeze %dma_wait3A_630 : memref<1x128xi32, #tpu.memory_space<vmem>> -> memref<128xi32, #tpu.memory_space<vmem>>
      %dma_wait3A_632 = tpu.memref_slice %arg5[%multiple_of3A_11] : memref<16384xi32, #tpu.memory_space<hbm>> -> memref<128xi32, #tpu.memory_space<hbm>>
      tpu.wait_dma2 semaphore(%run_scoped3A_616 : memref<!tpu.dma_semaphore, #tpu.memory_space<semaphore_mem>>) src(%dma_wait3A_632 : memref<128xi32, #tpu.memory_space<hbm>>) dst(%dma_wait3A_631 : memref<128xi32, #tpu.memory_space<vmem>>)
      tpu.yield
    }) : () -> ()
    %add3A_16 = arith.constant 256 : i32
    %add3A_17 = arith.addi %multiple_of3A, %add3A_16 : i32
    %multiple_of3A_18 = tpu.assume_multiple %add3A_17, 128 : i32
    %run_scoped3A_19 = arith.constant 2 : i32
    "tpu.region"() ({
      %run_scoped3A_616 = tpu.sem_alloc : memref<!tpu.dma_semaphore, #tpu.memory_space<semaphore_mem>>
      %dma_start3A_617 = arith.constant 0 : i32
      %dma_start3A_618 = tpu.memref_slice %arg12[%run_scoped3A_19, %dma_start3A_617] : memref<4x128xi32, #tpu.memory_space<vmem>> -> memref<1x128xi32, #tpu.memory_space<vmem>>
      %dma_start3A_619 = tpu.memref_squeeze %dma_start3A_618 : memref<1x128xi32, #tpu.memory_space<vmem>> -> memref<128xi32, #tpu.memory_space<vmem>>
      %dma_start3A_620 = tpu.memref_slice %arg2[%multiple_of3A_18] : memref<16384xi32, #tpu.memory_space<hbm>> -> memref<128xi32, #tpu.memory_space<hbm>>
      %dma_start3A_621 = arith.constant 0 : i32
      %dma_start3A_622 = tpu.memref_slice %arg12[%run_scoped3A_19, %dma_start3A_621] : memref<4x128xi32, #tpu.memory_space<vmem>> -> memref<1x128xi32, #tpu.memory_space<vmem>>
      %dma_start3A_623 = tpu.memref_squeeze %dma_start3A_622 : memref<1x128xi32, #tpu.memory_space<vmem>> -> memref<128xi32, #tpu.memory_space<vmem>>
      %dma_start3A_624 = tpu.memref_slice %arg2[%multiple_of3A_18] : memref<16384xi32, #tpu.memory_space<hbm>> -> memref<128xi32, #tpu.memory_space<hbm>>
      tpu.enqueue_dma source(%dma_start3A_624 : memref<128xi32, #tpu.memory_space<hbm>>) target(%dma_start3A_623 : memref<128xi32, #tpu.memory_space<vmem>>) target_semaphore(%run_scoped3A_616 : memref<!tpu.dma_semaphore, #tpu.memory_space<semaphore_mem>>)
      %dma_wait3A_625 = arith.constant 0 : i32
      %dma_wait3A_626 = tpu.memref_slice %arg12[%run_scoped3A_19, %dma_wait3A_625] : memref<4x128xi32, #tpu.memory_space<vmem>> -> memref<1x128xi32, #tpu.memory_space<vmem>>
      %dma_wait3A_627 = tpu.memref_squeeze %dma_wait3A_626 : memref<1x128xi32, #tpu.memory_space<vmem>> -> memref<128xi32, #tpu.memory_space<vmem>>
      %dma_wait3A_628 = tpu.memref_slice %arg2[%multiple_of3A_18] : memref<16384xi32, #tpu.memory_space<hbm>> -> memref<128xi32, #tpu.memory_space<hbm>>
      %dma_wait3A_629 = arith.constant 0 : i32
      %dma_wait3A_630 = tpu.memref_slice %arg12[%run_scoped3A_19, %dma_wait3A_629] : memref<4x128xi32, #tpu.memory_space<vmem>> -> memref<1x128xi32, #tpu.memory_space<vmem>>
      %dma_wait3A_631 = tpu.memref_squeeze %dma_wait3A_630 : memref<1x128xi32, #tpu.memory_space<vmem>> -> memref<128xi32, #tpu.memory_space<vmem>>
      %dma_wait3A_632 = tpu.memref_slice %arg2[%multiple_of3A_18] : memref<16384xi32, #tpu.memory_space<hbm>> -> memref<128xi32, #tpu.memory_space<hbm>>
      tpu.wait_dma2 semaphore(%run_scoped3A_616 : memref<!tpu.dma_semaphore, #tpu.memory_space<semaphore_mem>>) src(%dma_wait3A_632 : memref<128xi32, #tpu.memory_space<hbm>>) dst(%dma_wait3A_631 : memref<128xi32, #tpu.memory_space<vmem>>)
      tpu.yield
    }) : () -> ()
    %run_scoped3A_20 = arith.constant 2 : i32
    "tpu.region"() ({
      %run_scoped3A_616 = tpu.sem_alloc : memref<!tpu.dma_semaphore, #tpu.memory_space<semaphore_mem>>
      %dma_start3A_617 = arith.constant 0 : i32
      %dma_start3A_618 = tpu.memref_slice %arg13[%run_scoped3A_20, %dma_start3A_617] : memref<4x128xi32, #tpu.memory_space<vmem>> -> memref<1x128xi32, #tpu.memory_space<vmem>>
      %dma_start3A_619 = tpu.memref_squeeze %dma_start3A_618 : memref<1x128xi32, #tpu.memory_space<vmem>> -> memref<128xi32, #tpu.memory_space<vmem>>
      %dma_start3A_620 = tpu.memref_slice %arg3[%multiple_of3A_18] : memref<16384xi32, #tpu.memory_space<hbm>> -> memref<128xi32, #tpu.memory_space<hbm>>
      %dma_start3A_621 = arith.constant 0 : i32
      %dma_start3A_622 = tpu.memref_slice %arg13[%run_scoped3A_20, %dma_start3A_621] : memref<4x128xi32, #tpu.memory_space<vmem>> -> memref<1x128xi32, #tpu.memory_space<vmem>>
      %dma_start3A_623 = tpu.memref_squeeze %dma_start3A_622 : memref<1x128xi32, #tpu.memory_space<vmem>> -> memref<128xi32, #tpu.memory_space<vmem>>
      %dma_start3A_624 = tpu.memref_slice %arg3[%multiple_of3A_18] : memref<16384xi32, #tpu.memory_space<hbm>> -> memref<128xi32, #tpu.memory_space<hbm>>
      tpu.enqueue_dma source(%dma_start3A_624 : memref<128xi32, #tpu.memory_space<hbm>>) target(%dma_start3A_623 : memref<128xi32, #tpu.memory_space<vmem>>) target_semaphore(%run_scoped3A_616 : memref<!tpu.dma_semaphore, #tpu.memory_space<semaphore_mem>>)
      %dma_wait3A_625 = arith.constant 0 : i32
      %dma_wait3A_626 = tpu.memref_slice %arg13[%run_scoped3A_20, %dma_wait3A_625] : memref<4x128xi32, #tpu.memory_space<vmem>> -> memref<1x128xi32, #tpu.memory_space<vmem>>
      %dma_wait3A_627 = tpu.memref_squeeze %dma_wait3A_626 : memref<1x128xi32, #tpu.memory_space<vmem>> -> memref<128xi32, #tpu.memory_space<vmem>>
      %dma_wait3A_628 = tpu.memref_slice %arg3[%multiple_of3A_18] : memref<16384xi32, #tpu.memory_space<hbm>> -> memref<128xi32, #tpu.memory_space<hbm>>
      %dma_wait3A_629 = arith.constant 0 : i32
      %dma_wait3A_630 = tpu.memref_slice %arg13[%run_scoped3A_20, %dma_wait3A_629] : memref<4x128xi32, #tpu.memory_space<vmem>> -> memref<1x128xi32, #tpu.memory_space<vmem>>
      %dma_wait3A_631 = tpu.memref_squeeze %dma_wait3A_630 : memref<1x128xi32, #tpu.memory_space<vmem>> -> memref<128xi32, #tpu.memory_space<vmem>>
      %dma_wait3A_632 = tpu.memref_slice %arg3[%multiple_of3A_18] : memref<16384xi32, #tpu.memory_space<hbm>> -> memref<128xi32, #tpu.memory_space<hbm>>
      tpu.wait_dma2 semaphore(%run_scoped3A_616 : memref<!tpu.dma_semaphore, #tpu.memory_space<semaphore_mem>>) src(%dma_wait3A_632 : memref<128xi32, #tpu.memory_space<hbm>>) dst(%dma_wait3A_631 : memref<128xi32, #tpu.memory_space<vmem>>)
      tpu.yield
    }) : () -> ()
    %run_scoped3A_21 = arith.constant 2 : i32
    "tpu.region"() ({
      %run_scoped3A_616 = tpu.sem_alloc : memref<!tpu.dma_semaphore, #tpu.memory_space<semaphore_mem>>
      %dma_start3A_617 = arith.constant 0 : i32
      %dma_start3A_618 = tpu.memref_slice %arg14[%run_scoped3A_21, %dma_start3A_617] : memref<4x128xi32, #tpu.memory_space<vmem>> -> memref<1x128xi32, #tpu.memory_space<vmem>>
      %dma_start3A_619 = tpu.memref_squeeze %dma_start3A_618 : memref<1x128xi32, #tpu.memory_space<vmem>> -> memref<128xi32, #tpu.memory_space<vmem>>
      %dma_start3A_620 = tpu.memref_slice %arg4[%multiple_of3A_18] : memref<16384xi32, #tpu.memory_space<hbm>> -> memref<128xi32, #tpu.memory_space<hbm>>
      %dma_start3A_621 = arith.constant 0 : i32
      %dma_start3A_622 = tpu.memref_slice %arg14[%run_scoped3A_21, %dma_start3A_621] : memref<4x128xi32, #tpu.memory_space<vmem>> -> memref<1x128xi32, #tpu.memory_space<vmem>>
      %dma_start3A_623 = tpu.memref_squeeze %dma_start3A_622 : memref<1x128xi32, #tpu.memory_space<vmem>> -> memref<128xi32, #tpu.memory_space<vmem>>
      %dma_start3A_624 = tpu.memref_slice %arg4[%multiple_of3A_18] : memref<16384xi32, #tpu.memory_space<hbm>> -> memref<128xi32, #tpu.memory_space<hbm>>
      tpu.enqueue_dma source(%dma_start3A_624 : memref<128xi32, #tpu.memory_space<hbm>>) target(%dma_start3A_623 : memref<128xi32, #tpu.memory_space<vmem>>) target_semaphore(%run_scoped3A_616 : memref<!tpu.dma_semaphore, #tpu.memory_space<semaphore_mem>>)
      %dma_wait3A_625 = arith.constant 0 : i32
      %dma_wait3A_626 = tpu.memref_slice %arg14[%run_scoped3A_21, %dma_wait3A_625] : memref<4x128xi32, #tpu.memory_space<vmem>> -> memref<1x128xi32, #tpu.memory_space<vmem>>
      %dma_wait3A_627 = tpu.memref_squeeze %dma_wait3A_626 : memref<1x128xi32, #tpu.memory_space<vmem>> -> memref<128xi32, #tpu.memory_space<vmem>>
      %dma_wait3A_628 = tpu.memref_slice %arg4[%multiple_of3A_18] : memref<16384xi32, #tpu.memory_space<hbm>> -> memref<128xi32, #tpu.memory_space<hbm>>
      %dma_wait3A_629 = arith.constant 0 : i32
      %dma_wait3A_630 = tpu.memref_slice %arg14[%run_scoped3A_21, %dma_wait3A_629] : memref<4x128xi32, #tpu.memory_space<vmem>> -> memref<1x128xi32, #tpu.memory_space<vmem>>
      %dma_wait3A_631 = tpu.memref_squeeze %dma_wait3A_630 : memref<1x128xi32, #tpu.memory_space<vmem>> -> memref<128xi32, #tpu.memory_space<vmem>>
      %dma_wait3A_632 = tpu.memref_slice %arg4[%multiple_of3A_18] : memref<16384xi32, #tpu.memory_space<hbm>> -> memref<128xi32, #tpu.memory_space<hbm>>
      tpu.wait_dma2 semaphore(%run_scoped3A_616 : memref<!tpu.dma_semaphore, #tpu.memory_space<semaphore_mem>>) src(%dma_wait3A_632 : memref<128xi32, #tpu.memory_space<hbm>>) dst(%dma_wait3A_631 : memref<128xi32, #tpu.memory_space<vmem>>)
      tpu.yield
    }) : () -> ()
    %run_scoped3A_22 = arith.constant 2 : i32
    "tpu.region"() ({
      %run_scoped3A_616 = tpu.sem_alloc : memref<!tpu.dma_semaphore, #tpu.memory_space<semaphore_mem>>
      %dma_start3A_617 = arith.constant 0 : i32
      %dma_start3A_618 = tpu.memref_slice %arg15[%run_scoped3A_22, %dma_start3A_617] : memref<4x128xi32, #tpu.memory_space<vmem>> -> memref<1x128xi32, #tpu.memory_space<vmem>>
      %dma_start3A_619 = tpu.memref_squeeze %dma_start3A_618 : memref<1x128xi32, #tpu.memory_space<vmem>> -> memref<128xi32, #tpu.memory_space<vmem>>
      %dma_start3A_620 = tpu.memref_slice %arg5[%multiple_of3A_18] : memref<16384xi32, #tpu.memory_space<hbm>> -> memref<128xi32, #tpu.memory_space<hbm>>
      %dma_start3A_621 = arith.constant 0 : i32
      %dma_start3A_622 = tpu.memref_slice %arg15[%run_scoped3A_22, %dma_start3A_621] : memref<4x128xi32, #tpu.memory_space<vmem>> -> memref<1x128xi32, #tpu.memory_space<vmem>>
      %dma_start3A_623 = tpu.memref_squeeze %dma_start3A_622 : memref<1x128xi32, #tpu.memory_space<vmem>> -> memref<128xi32, #tpu.memory_space<vmem>>
      %dma_start3A_624 = tpu.memref_slice %arg5[%multiple_of3A_18] : memref<16384xi32, #tpu.memory_space<hbm>> -> memref<128xi32, #tpu.memory_space<hbm>>
      tpu.enqueue_dma source(%dma_start3A_624 : memref<128xi32, #tpu.memory_space<hbm>>) target(%dma_start3A_623 : memref<128xi32, #tpu.memory_space<vmem>>) target_semaphore(%run_scoped3A_616 : memref<!tpu.dma_semaphore, #tpu.memory_space<semaphore_mem>>)
      %dma_wait3A_625 = arith.constant 0 : i32
      %dma_wait3A_626 = tpu.memref_slice %arg15[%run_scoped3A_22, %dma_wait3A_625] : memref<4x128xi32, #tpu.memory_space<vmem>> -> memref<1x128xi32, #tpu.memory_space<vmem>>
      %dma_wait3A_627 = tpu.memref_squeeze %dma_wait3A_626 : memref<1x128xi32, #tpu.memory_space<vmem>> -> memref<128xi32, #tpu.memory_space<vmem>>
      %dma_wait3A_628 = tpu.memref_slice %arg5[%multiple_of3A_18] : memref<16384xi32, #tpu.memory_space<hbm>> -> memref<128xi32, #tpu.memory_space<hbm>>
      %dma_wait3A_629 = arith.constant 0 : i32
      %dma_wait3A_630 = tpu.memref_slice %arg15[%run_scoped3A_22, %dma_wait3A_629] : memref<4x128xi32, #tpu.memory_space<vmem>> -> memref<1x128xi32, #tpu.memory_space<vmem>>
      %dma_wait3A_631 = tpu.memref_squeeze %dma_wait3A_630 : memref<1x128xi32, #tpu.memory_space<vmem>> -> memref<128xi32, #tpu.memory_space<vmem>>
      %dma_wait3A_632 = tpu.memref_slice %arg5[%multiple_of3A_18] : memref<16384xi32, #tpu.memory_space<hbm>> -> memref<128xi32, #tpu.memory_space<hbm>>
      tpu.wait_dma2 semaphore(%run_scoped3A_616 : memref<!tpu.dma_semaphore, #tpu.memory_space<semaphore_mem>>) src(%dma_wait3A_632 : memref<128xi32, #tpu.memory_space<hbm>>) dst(%dma_wait3A_631 : memref<128xi32, #tpu.memory_space<vmem>>)
      tpu.yield
    }) : () -> ()
    %add3A_23 = arith.constant 384 : i32
    %add3A_24 = arith.addi %multiple_of3A, %add3A_23 : i32
    %multiple_of3A_25 = tpu.assume_multiple %add3A_24, 128 : i32
    %run_scoped3A_26 = arith.constant 3 : i32
    "tpu.region"() ({
      %run_scoped3A_616 = tpu.sem_alloc : memref<!tpu.dma_semaphore, #tpu.memory_space<semaphore_mem>>
      %dma_start3A_617 = arith.constant 0 : i32
      %dma_start3A_618 = tpu.memref_slice %arg12[%run_scoped3A_26, %dma_start3A_617] : memref<4x128xi32, #tpu.memory_space<vmem>> -> memref<1x128xi32, #tpu.memory_space<vmem>>
      %dma_start3A_619 = tpu.memref_squeeze %dma_start3A_618 : memref<1x128xi32, #tpu.memory_space<vmem>> -> memref<128xi32, #tpu.memory_space<vmem>>
      %dma_start3A_620 = tpu.memref_slice %arg2[%multiple_of3A_25] : memref<16384xi32, #tpu.memory_space<hbm>> -> memref<128xi32, #tpu.memory_space<hbm>>
      %dma_start3A_621 = arith.constant 0 : i32
      %dma_start3A_622 = tpu.memref_slice %arg12[%run_scoped3A_26, %dma_start3A_621] : memref<4x128xi32, #tpu.memory_space<vmem>> -> memref<1x128xi32, #tpu.memory_space<vmem>>
      %dma_start3A_623 = tpu.memref_squeeze %dma_start3A_622 : memref<1x128xi32, #tpu.memory_space<vmem>> -> memref<128xi32, #tpu.memory_space<vmem>>
      %dma_start3A_624 = tpu.memref_slice %arg2[%multiple_of3A_25] : memref<16384xi32, #tpu.memory_space<hbm>> -> memref<128xi32, #tpu.memory_space<hbm>>
      tpu.enqueue_dma source(%dma_start3A_624 : memref<128xi32, #tpu.memory_space<hbm>>) target(%dma_start3A_623 : memref<128xi32, #tpu.memory_space<vmem>>) target_semaphore(%run_scoped3A_616 : memref<!tpu.dma_semaphore, #tpu.memory_space<semaphore_mem>>)
      %dma_wait3A_625 = arith.constant 0 : i32
      %dma_wait3A_626 = tpu.memref_slice %arg12[%run_scoped3A_26, %dma_wait3A_625] : memref<4x128xi32, #tpu.memory_space<vmem>> -> memref<1x128xi32, #tpu.memory_space<vmem>>
      %dma_wait3A_627 = tpu.memref_squeeze %dma_wait3A_626 : memref<1x128xi32, #tpu.memory_space<vmem>> -> memref<128xi32, #tpu.memory_space<vmem>>
      %dma_wait3A_628 = tpu.memref_slice %arg2[%multiple_of3A_25] : memref<16384xi32, #tpu.memory_space<hbm>> -> memref<128xi32, #tpu.memory_space<hbm>>
      %dma_wait3A_629 = arith.constant 0 : i32
      %dma_wait3A_630 = tpu.memref_slice %arg12[%run_scoped3A_26, %dma_wait3A_629] : memref<4x128xi32, #tpu.memory_space<vmem>> -> memref<1x128xi32, #tpu.memory_space<vmem>>
      %dma_wait3A_631 = tpu.memref_squeeze %dma_wait3A_630 : memref<1x128xi32, #tpu.memory_space<vmem>> -> memref<128xi32, #tpu.memory_space<vmem>>
      %dma_wait3A_632 = tpu.memref_slice %arg2[%multiple_of3A_25] : memref<16384xi32, #tpu.memory_space<hbm>> -> memref<128xi32, #tpu.memory_space<hbm>>
      tpu.wait_dma2 semaphore(%run_scoped3A_616 : memref<!tpu.dma_semaphore, #tpu.memory_space<semaphore_mem>>) src(%dma_wait3A_632 : memref<128xi32, #tpu.memory_space<hbm>>) dst(%dma_wait3A_631 : memref<128xi32, #tpu.memory_space<vmem>>)
      tpu.yield
    }) : () -> ()
    %run_scoped3A_27 = arith.constant 3 : i32
    "tpu.region"() ({
      %run_scoped3A_616 = tpu.sem_alloc : memref<!tpu.dma_semaphore, #tpu.memory_space<semaphore_mem>>
      %dma_start3A_617 = arith.constant 0 : i32
      %dma_start3A_618 = tpu.memref_slice %arg13[%run_scoped3A_27, %dma_start3A_617] : memref<4x128xi32, #tpu.memory_space<vmem>> -> memref<1x128xi32, #tpu.memory_space<vmem>>
      %dma_start3A_619 = tpu.memref_squeeze %dma_start3A_618 : memref<1x128xi32, #tpu.memory_space<vmem>> -> memref<128xi32, #tpu.memory_space<vmem>>
      %dma_start3A_620 = tpu.memref_slice %arg3[%multiple_of3A_25] : memref<16384xi32, #tpu.memory_space<hbm>> -> memref<128xi32, #tpu.memory_space<hbm>>
      %dma_start3A_621 = arith.constant 0 : i32
      %dma_start3A_622 = tpu.memref_slice %arg13[%run_scoped3A_27, %dma_start3A_621] : memref<4x128xi32, #tpu.memory_space<vmem>> -> memref<1x128xi32, #tpu.memory_space<vmem>>
      %dma_start3A_623 = tpu.memref_squeeze %dma_start3A_622 : memref<1x128xi32, #tpu.memory_space<vmem>> -> memref<128xi32, #tpu.memory_space<vmem>>
      %dma_start3A_624 = tpu.memref_slice %arg3[%multiple_of3A_25] : memref<16384xi32, #tpu.memory_space<hbm>> -> memref<128xi32, #tpu.memory_space<hbm>>
      tpu.enqueue_dma source(%dma_start3A_624 : memref<128xi32, #tpu.memory_space<hbm>>) target(%dma_start3A_623 : memref<128xi32, #tpu.memory_space<vmem>>) target_semaphore(%run_scoped3A_616 : memref<!tpu.dma_semaphore, #tpu.memory_space<semaphore_mem>>)
      %dma_wait3A_625 = arith.constant 0 : i32
      %dma_wait3A_626 = tpu.memref_slice %arg13[%run_scoped3A_27, %dma_wait3A_625] : memref<4x128xi32, #tpu.memory_space<vmem>> -> memref<1x128xi32, #tpu.memory_space<vmem>>
      %dma_wait3A_627 = tpu.memref_squeeze %dma_wait3A_626 : memref<1x128xi32, #tpu.memory_space<vmem>> -> memref<128xi32, #tpu.memory_space<vmem>>
      %dma_wait3A_628 = tpu.memref_slice %arg3[%multiple_of3A_25] : memref<16384xi32, #tpu.memory_space<hbm>> -> memref<128xi32, #tpu.memory_space<hbm>>
      %dma_wait3A_629 = arith.constant 0 : i32
      %dma_wait3A_630 = tpu.memref_slice %arg13[%run_scoped3A_27, %dma_wait3A_629] : memref<4x128xi32, #tpu.memory_space<vmem>> -> memref<1x128xi32, #tpu.memory_space<vmem>>
      %dma_wait3A_631 = tpu.memref_squeeze %dma_wait3A_630 : memref<1x128xi32, #tpu.memory_space<vmem>> -> memref<128xi32, #tpu.memory_space<vmem>>
      %dma_wait3A_632 = tpu.memref_slice %arg3[%multiple_of3A_25] : memref<16384xi32, #tpu.memory_space<hbm>> -> memref<128xi32, #tpu.memory_space<hbm>>
      tpu.wait_dma2 semaphore(%run_scoped3A_616 : memref<!tpu.dma_semaphore, #tpu.memory_space<semaphore_mem>>) src(%dma_wait3A_632 : memref<128xi32, #tpu.memory_space<hbm>>) dst(%dma_wait3A_631 : memref<128xi32, #tpu.memory_space<vmem>>)
      tpu.yield
    }) : () -> ()
    %run_scoped3A_28 = arith.constant 3 : i32
    "tpu.region"() ({
      %run_scoped3A_616 = tpu.sem_alloc : memref<!tpu.dma_semaphore, #tpu.memory_space<semaphore_mem>>
      %dma_start3A_617 = arith.constant 0 : i32
      %dma_start3A_618 = tpu.memref_slice %arg14[%run_scoped3A_28, %dma_start3A_617] : memref<4x128xi32, #tpu.memory_space<vmem>> -> memref<1x128xi32, #tpu.memory_space<vmem>>
      %dma_start3A_619 = tpu.memref_squeeze %dma_start3A_618 : memref<1x128xi32, #tpu.memory_space<vmem>> -> memref<128xi32, #tpu.memory_space<vmem>>
      %dma_start3A_620 = tpu.memref_slice %arg4[%multiple_of3A_25] : memref<16384xi32, #tpu.memory_space<hbm>> -> memref<128xi32, #tpu.memory_space<hbm>>
      %dma_start3A_621 = arith.constant 0 : i32
      %dma_start3A_622 = tpu.memref_slice %arg14[%run_scoped3A_28, %dma_start3A_621] : memref<4x128xi32, #tpu.memory_space<vmem>> -> memref<1x128xi32, #tpu.memory_space<vmem>>
      %dma_start3A_623 = tpu.memref_squeeze %dma_start3A_622 : memref<1x128xi32, #tpu.memory_space<vmem>> -> memref<128xi32, #tpu.memory_space<vmem>>
      %dma_start3A_624 = tpu.memref_slice %arg4[%multiple_of3A_25] : memref<16384xi32, #tpu.memory_space<hbm>> -> memref<128xi32, #tpu.memory_space<hbm>>
      tpu.enqueue_dma source(%dma_start3A_624 : memref<128xi32, #tpu.memory_space<hbm>>) target(%dma_start3A_623 : memref<128xi32, #tpu.memory_space<vmem>>) target_semaphore(%run_scoped3A_616 : memref<!tpu.dma_semaphore, #tpu.memory_space<semaphore_mem>>)
      %dma_wait3A_625 = arith.constant 0 : i32
      %dma_wait3A_626 = tpu.memref_slice %arg14[%run_scoped3A_28, %dma_wait3A_625] : memref<4x128xi32, #tpu.memory_space<vmem>> -> memref<1x128xi32, #tpu.memory_space<vmem>>
      %dma_wait3A_627 = tpu.memref_squeeze %dma_wait3A_626 : memref<1x128xi32, #tpu.memory_space<vmem>> -> memref<128xi32, #tpu.memory_space<vmem>>
      %dma_wait3A_628 = tpu.memref_slice %arg4[%multiple_of3A_25] : memref<16384xi32, #tpu.memory_space<hbm>> -> memref<128xi32, #tpu.memory_space<hbm>>
      %dma_wait3A_629 = arith.constant 0 : i32
      %dma_wait3A_630 = tpu.memref_slice %arg14[%run_scoped3A_28, %dma_wait3A_629] : memref<4x128xi32, #tpu.memory_space<vmem>> -> memref<1x128xi32, #tpu.memory_space<vmem>>
      %dma_wait3A_631 = tpu.memref_squeeze %dma_wait3A_630 : memref<1x128xi32, #tpu.memory_space<vmem>> -> memref<128xi32, #tpu.memory_space<vmem>>
      %dma_wait3A_632 = tpu.memref_slice %arg4[%multiple_of3A_25] : memref<16384xi32, #tpu.memory_space<hbm>> -> memref<128xi32, #tpu.memory_space<hbm>>
      tpu.wait_dma2 semaphore(%run_scoped3A_616 : memref<!tpu.dma_semaphore, #tpu.memory_space<semaphore_mem>>) src(%dma_wait3A_632 : memref<128xi32, #tpu.memory_space<hbm>>) dst(%dma_wait3A_631 : memref<128xi32, #tpu.memory_space<vmem>>)
      tpu.yield
    }) : () -> ()
    %run_scoped3A_29 = arith.constant 3 : i32
    "tpu.region"() ({
      %run_scoped3A_616 = tpu.sem_alloc : memref<!tpu.dma_semaphore, #tpu.memory_space<semaphore_mem>>
      %dma_start3A_617 = arith.constant 0 : i32
      %dma_start3A_618 = tpu.memref_slice %arg15[%run_scoped3A_29, %dma_start3A_617] : memref<4x128xi32, #tpu.memory_space<vmem>> -> memref<1x128xi32, #tpu.memory_space<vmem>>
      %dma_start3A_619 = tpu.memref_squeeze %dma_start3A_618 : memref<1x128xi32, #tpu.memory_space<vmem>> -> memref<128xi32, #tpu.memory_space<vmem>>
      %dma_start3A_620 = tpu.memref_slice %arg5[%multiple_of3A_25] : memref<16384xi32, #tpu.memory_space<hbm>> -> memref<128xi32, #tpu.memory_space<hbm>>
      %dma_start3A_621 = arith.constant 0 : i32
      %dma_start3A_622 = tpu.memref_slice %arg15[%run_scoped3A_29, %dma_start3A_621] : memref<4x128xi32, #tpu.memory_space<vmem>> -> memref<1x128xi32, #tpu.memory_space<vmem>>
      %dma_start3A_623 = tpu.memref_squeeze %dma_start3A_622 : memref<1x128xi32, #tpu.memory_space<vmem>> -> memref<128xi32, #tpu.memory_space<vmem>>
      %dma_start3A_624 = tpu.memref_slice %arg5[%multiple_of3A_25] : memref<16384xi32, #tpu.memory_space<hbm>> -> memref<128xi32, #tpu.memory_space<hbm>>
      tpu.enqueue_dma source(%dma_start3A_624 : memref<128xi32, #tpu.memory_space<hbm>>) target(%dma_start3A_623 : memref<128xi32, #tpu.memory_space<vmem>>) target_semaphore(%run_scoped3A_616 : memref<!tpu.dma_semaphore, #tpu.memory_space<semaphore_mem>>)
      %dma_wait3A_625 = arith.constant 0 : i32
      %dma_wait3A_626 = tpu.memref_slice %arg15[%run_scoped3A_29, %dma_wait3A_625] : memref<4x128xi32, #tpu.memory_space<vmem>> -> memref<1x128xi32, #tpu.memory_space<vmem>>
      %dma_wait3A_627 = tpu.memref_squeeze %dma_wait3A_626 : memref<1x128xi32, #tpu.memory_space<vmem>> -> memref<128xi32, #tpu.memory_space<vmem>>
      %dma_wait3A_628 = tpu.memref_slice %arg5[%multiple_of3A_25] : memref<16384xi32, #tpu.memory_space<hbm>> -> memref<128xi32, #tpu.memory_space<hbm>>
      %dma_wait3A_629 = arith.constant 0 : i32
      %dma_wait3A_630 = tpu.memref_slice %arg15[%run_scoped3A_29, %dma_wait3A_629] : memref<4x128xi32, #tpu.memory_space<vmem>> -> memref<1x128xi32, #tpu.memory_space<vmem>>
      %dma_wait3A_631 = tpu.memref_squeeze %dma_wait3A_630 : memref<1x128xi32, #tpu.memory_space<vmem>> -> memref<128xi32, #tpu.memory_space<vmem>>
      %dma_wait3A_632 = tpu.memref_slice %arg5[%multiple_of3A_25] : memref<16384xi32, #tpu.memory_space<hbm>> -> memref<128xi32, #tpu.memory_space<hbm>>
      tpu.wait_dma2 semaphore(%run_scoped3A_616 : memref<!tpu.dma_semaphore, #tpu.memory_space<semaphore_mem>>) src(%dma_wait3A_632 : memref<128xi32, #tpu.memory_space<hbm>>) dst(%dma_wait3A_631 : memref<128xi32, #tpu.memory_space<vmem>>)
      tpu.yield
    }) : () -> ()
    %dma_start3A = arith.constant 0 : i32
    %dma_start3A_30 = arith.constant 0 : i32
    %dma_start3A_31 = arith.constant 0 : i32
    %dma_start3A_32 = tpu.memref_slice %arg16[%dma_start3A_30, %dma_start3A_31] : memref<512x32xf32, #tpu.memory_space<vmem>> -> memref<128x32xf32, #tpu.memory_space<vmem>>
    %dma_start3A_33 = arith.constant 0 : i32
    %dma_start3A_34 = tpu.memref_slice %arg12[%dma_start3A, %dma_start3A_33] : memref<4x128xi32, #tpu.memory_space<vmem>> -> memref<1x128xi32, #tpu.memory_space<vmem>>
    %dma_start3A_35 = tpu.memref_squeeze %dma_start3A_34 : memref<1x128xi32, #tpu.memory_space<vmem>> -> memref<128xi32, #tpu.memory_space<vmem>>
    %dma_start3A_36 = arith.constant 0 : i32
    %dma_start3A_37 = arith.constant 0 : i32
    %dma_start3A_38 = tpu.memref_slice %arg6[%dma_start3A_36, %dma_start3A_37] : memref<1000000x32xf32, #tpu.memory_space<hbm>> -> memref<1000000x32xf32, #tpu.memory_space<hbm>>
    tpu.enqueue_indirect_dma source(%dma_start3A_38 : memref<1000000x32xf32, #tpu.memory_space<hbm>>) target(%dma_start3A_32 : memref<128x32xf32, #tpu.memory_space<vmem>>) offsets(%dma_start3A_35 : memref<128xi32, #tpu.memory_space<vmem>>) semaphore(%arg26 : memref<!tpu.dma_semaphore, #tpu.memory_space<semaphore_mem>>)
    %dma_start3A_39 = arith.constant 0 : i32
    %dma_start3A_40 = arith.constant 0 : i32
    %dma_start3A_41 = arith.constant 0 : i32
    %dma_start3A_42 = tpu.memref_slice %arg17[%dma_start3A_40, %dma_start3A_41] : memref<512x32xf32, #tpu.memory_space<vmem>> -> memref<128x32xf32, #tpu.memory_space<vmem>>
    %dma_start3A_43 = arith.constant 0 : i32
    %dma_start3A_44 = tpu.memref_slice %arg13[%dma_start3A_39, %dma_start3A_43] : memref<4x128xi32, #tpu.memory_space<vmem>> -> memref<1x128xi32, #tpu.memory_space<vmem>>
    %dma_start3A_45 = tpu.memref_squeeze %dma_start3A_44 : memref<1x128xi32, #tpu.memory_space<vmem>> -> memref<128xi32, #tpu.memory_space<vmem>>
    %dma_start3A_46 = arith.constant 0 : i32
    %dma_start3A_47 = arith.constant 0 : i32
    %dma_start3A_48 = tpu.memref_slice %arg7[%dma_start3A_46, %dma_start3A_47] : memref<1000000x32xf32, #tpu.memory_space<hbm>> -> memref<1000000x32xf32, #tpu.memory_space<hbm>>
    tpu.enqueue_indirect_dma source(%dma_start3A_48 : memref<1000000x32xf32, #tpu.memory_space<hbm>>) target(%dma_start3A_42 : memref<128x32xf32, #tpu.memory_space<vmem>>) offsets(%dma_start3A_45 : memref<128xi32, #tpu.memory_space<vmem>>) semaphore(%arg26 : memref<!tpu.dma_semaphore, #tpu.memory_space<semaphore_mem>>)
    %dma_start3A_49 = arith.constant 0 : i32
    %dma_start3A_50 = arith.constant 0 : i32
    %dma_start3A_51 = tpu.memref_slice %arg20[%dma_start3A_50] : memref<512xf32, #tpu.memory_space<vmem>> -> memref<128xf32, #tpu.memory_space<vmem>>
    %dma_start3A_52 = arith.constant 0 : i32
    %dma_start3A_53 = tpu.memref_slice %arg12[%dma_start3A_49, %dma_start3A_52] : memref<4x128xi32, #tpu.memory_space<vmem>> -> memref<1x128xi32, #tpu.memory_space<vmem>>
    %dma_start3A_54 = tpu.memref_squeeze %dma_start3A_53 : memref<1x128xi32, #tpu.memory_space<vmem>> -> memref<128xi32, #tpu.memory_space<vmem>>
    %dma_start3A_55 = arith.constant 0 : i32
    %dma_start3A_56 = tpu.memref_slice %arg8[%dma_start3A_55] : memref<1000000xf32, #tpu.memory_space<hbm>> -> memref<1000000xf32, #tpu.memory_space<hbm>>
    tpu.enqueue_indirect_dma source(%dma_start3A_56 : memref<1000000xf32, #tpu.memory_space<hbm>>) target(%dma_start3A_51 : memref<128xf32, #tpu.memory_space<vmem>>) offsets(%dma_start3A_54 : memref<128xi32, #tpu.memory_space<vmem>>) semaphore(%arg26 : memref<!tpu.dma_semaphore, #tpu.memory_space<semaphore_mem>>)
    %dma_start3A_57 = arith.constant 0 : i32
    %dma_start3A_58 = arith.constant 0 : i32
    %dma_start3A_59 = tpu.memref_slice %arg21[%dma_start3A_58] : memref<512xf32, #tpu.memory_space<vmem>> -> memref<128xf32, #tpu.memory_space<vmem>>
    %dma_start3A_60 = arith.constant 0 : i32
    %dma_start3A_61 = tpu.memref_slice %arg13[%dma_start3A_57, %dma_start3A_60] : memref<4x128xi32, #tpu.memory_space<vmem>> -> memref<1x128xi32, #tpu.memory_space<vmem>>
    %dma_start3A_62 = tpu.memref_squeeze %dma_start3A_61 : memref<1x128xi32, #tpu.memory_space<vmem>> -> memref<128xi32, #tpu.memory_space<vmem>>
    %dma_start3A_63 = arith.constant 0 : i32
    %dma_start3A_64 = tpu.memref_slice %arg9[%dma_start3A_63] : memref<1000000xf32, #tpu.memory_space<hbm>> -> memref<1000000xf32, #tpu.memory_space<hbm>>
    tpu.enqueue_indirect_dma source(%dma_start3A_64 : memref<1000000xf32, #tpu.memory_space<hbm>>) target(%dma_start3A_59 : memref<128xf32, #tpu.memory_space<vmem>>) offsets(%dma_start3A_62 : memref<128xi32, #tpu.memory_space<vmem>>) semaphore(%arg26 : memref<!tpu.dma_semaphore, #tpu.memory_space<semaphore_mem>>)
    %dma_start3A_65 = arith.constant 1 : i32
    %dma_start3A_66 = arith.constant 128 : i32
    %dma_start3A_67 = arith.constant 0 : i32
    %dma_start3A_68 = tpu.memref_slice %arg16[%dma_start3A_66, %dma_start3A_67] : memref<512x32xf32, #tpu.memory_space<vmem>> -> memref<128x32xf32, #tpu.memory_space<vmem>>
    %dma_start3A_69 = arith.constant 0 : i32
    %dma_start3A_70 = tpu.memref_slice %arg12[%dma_start3A_65, %dma_start3A_69] : memref<4x128xi32, #tpu.memory_space<vmem>> -> memref<1x128xi32, #tpu.memory_space<vmem>>
    %dma_start3A_71 = tpu.memref_squeeze %dma_start3A_70 : memref<1x128xi32, #tpu.memory_space<vmem>> -> memref<128xi32, #tpu.memory_space<vmem>>
    %dma_start3A_72 = arith.constant 0 : i32
    %dma_start3A_73 = arith.constant 0 : i32
    %dma_start3A_74 = tpu.memref_slice %arg6[%dma_start3A_72, %dma_start3A_73] : memref<1000000x32xf32, #tpu.memory_space<hbm>> -> memref<1000000x32xf32, #tpu.memory_space<hbm>>
    tpu.enqueue_indirect_dma source(%dma_start3A_74 : memref<1000000x32xf32, #tpu.memory_space<hbm>>) target(%dma_start3A_68 : memref<128x32xf32, #tpu.memory_space<vmem>>) offsets(%dma_start3A_71 : memref<128xi32, #tpu.memory_space<vmem>>) semaphore(%arg26 : memref<!tpu.dma_semaphore, #tpu.memory_space<semaphore_mem>>)
    %dma_start3A_75 = arith.constant 1 : i32
    %dma_start3A_76 = arith.constant 128 : i32
    %dma_start3A_77 = arith.constant 0 : i32
    %dma_start3A_78 = tpu.memref_slice %arg17[%dma_start3A_76, %dma_start3A_77] : memref<512x32xf32, #tpu.memory_space<vmem>> -> memref<128x32xf32, #tpu.memory_space<vmem>>
    %dma_start3A_79 = arith.constant 0 : i32
    %dma_start3A_80 = tpu.memref_slice %arg13[%dma_start3A_75, %dma_start3A_79] : memref<4x128xi32, #tpu.memory_space<vmem>> -> memref<1x128xi32, #tpu.memory_space<vmem>>
    %dma_start3A_81 = tpu.memref_squeeze %dma_start3A_80 : memref<1x128xi32, #tpu.memory_space<vmem>> -> memref<128xi32, #tpu.memory_space<vmem>>
    %dma_start3A_82 = arith.constant 0 : i32
    %dma_start3A_83 = arith.constant 0 : i32
    %dma_start3A_84 = tpu.memref_slice %arg7[%dma_start3A_82, %dma_start3A_83] : memref<1000000x32xf32, #tpu.memory_space<hbm>> -> memref<1000000x32xf32, #tpu.memory_space<hbm>>
    tpu.enqueue_indirect_dma source(%dma_start3A_84 : memref<1000000x32xf32, #tpu.memory_space<hbm>>) target(%dma_start3A_78 : memref<128x32xf32, #tpu.memory_space<vmem>>) offsets(%dma_start3A_81 : memref<128xi32, #tpu.memory_space<vmem>>) semaphore(%arg26 : memref<!tpu.dma_semaphore, #tpu.memory_space<semaphore_mem>>)
    %dma_start3A_85 = arith.constant 1 : i32
    %dma_start3A_86 = arith.constant 128 : i32
    %dma_start3A_87 = tpu.memref_slice %arg20[%dma_start3A_86] : memref<512xf32, #tpu.memory_space<vmem>> -> memref<128xf32, #tpu.memory_space<vmem>>
    %dma_start3A_88 = arith.constant 0 : i32
    %dma_start3A_89 = tpu.memref_slice %arg12[%dma_start3A_85, %dma_start3A_88] : memref<4x128xi32, #tpu.memory_space<vmem>> -> memref<1x128xi32, #tpu.memory_space<vmem>>
    %dma_start3A_90 = tpu.memref_squeeze %dma_start3A_89 : memref<1x128xi32, #tpu.memory_space<vmem>> -> memref<128xi32, #tpu.memory_space<vmem>>
    %dma_start3A_91 = arith.constant 0 : i32
    %dma_start3A_92 = tpu.memref_slice %arg8[%dma_start3A_91] : memref<1000000xf32, #tpu.memory_space<hbm>> -> memref<1000000xf32, #tpu.memory_space<hbm>>
    tpu.enqueue_indirect_dma source(%dma_start3A_92 : memref<1000000xf32, #tpu.memory_space<hbm>>) target(%dma_start3A_87 : memref<128xf32, #tpu.memory_space<vmem>>) offsets(%dma_start3A_90 : memref<128xi32, #tpu.memory_space<vmem>>) semaphore(%arg26 : memref<!tpu.dma_semaphore, #tpu.memory_space<semaphore_mem>>)
    %dma_start3A_93 = arith.constant 1 : i32
    %dma_start3A_94 = arith.constant 128 : i32
    %dma_start3A_95 = tpu.memref_slice %arg21[%dma_start3A_94] : memref<512xf32, #tpu.memory_space<vmem>> -> memref<128xf32, #tpu.memory_space<vmem>>
    %dma_start3A_96 = arith.constant 0 : i32
    %dma_start3A_97 = tpu.memref_slice %arg13[%dma_start3A_93, %dma_start3A_96] : memref<4x128xi32, #tpu.memory_space<vmem>> -> memref<1x128xi32, #tpu.memory_space<vmem>>
    %dma_start3A_98 = tpu.memref_squeeze %dma_start3A_97 : memref<1x128xi32, #tpu.memory_space<vmem>> -> memref<128xi32, #tpu.memory_space<vmem>>
    %dma_start3A_99 = arith.constant 0 : i32
    %dma_start3A_100 = tpu.memref_slice %arg9[%dma_start3A_99] : memref<1000000xf32, #tpu.memory_space<hbm>> -> memref<1000000xf32, #tpu.memory_space<hbm>>
    tpu.enqueue_indirect_dma source(%dma_start3A_100 : memref<1000000xf32, #tpu.memory_space<hbm>>) target(%dma_start3A_95 : memref<128xf32, #tpu.memory_space<vmem>>) offsets(%dma_start3A_98 : memref<128xi32, #tpu.memory_space<vmem>>) semaphore(%arg26 : memref<!tpu.dma_semaphore, #tpu.memory_space<semaphore_mem>>)
    %dma_start3A_101 = arith.constant 2 : i32
    %dma_start3A_102 = arith.constant 256 : i32
    %dma_start3A_103 = arith.constant 0 : i32
    %dma_start3A_104 = tpu.memref_slice %arg16[%dma_start3A_102, %dma_start3A_103] : memref<512x32xf32, #tpu.memory_space<vmem>> -> memref<128x32xf32, #tpu.memory_space<vmem>>
    %dma_start3A_105 = arith.constant 0 : i32
    %dma_start3A_106 = tpu.memref_slice %arg12[%dma_start3A_101, %dma_start3A_105] : memref<4x128xi32, #tpu.memory_space<vmem>> -> memref<1x128xi32, #tpu.memory_space<vmem>>
    %dma_start3A_107 = tpu.memref_squeeze %dma_start3A_106 : memref<1x128xi32, #tpu.memory_space<vmem>> -> memref<128xi32, #tpu.memory_space<vmem>>
    %dma_start3A_108 = arith.constant 0 : i32
    %dma_start3A_109 = arith.constant 0 : i32
    %dma_start3A_110 = tpu.memref_slice %arg6[%dma_start3A_108, %dma_start3A_109] : memref<1000000x32xf32, #tpu.memory_space<hbm>> -> memref<1000000x32xf32, #tpu.memory_space<hbm>>
    tpu.enqueue_indirect_dma source(%dma_start3A_110 : memref<1000000x32xf32, #tpu.memory_space<hbm>>) target(%dma_start3A_104 : memref<128x32xf32, #tpu.memory_space<vmem>>) offsets(%dma_start3A_107 : memref<128xi32, #tpu.memory_space<vmem>>) semaphore(%arg26 : memref<!tpu.dma_semaphore, #tpu.memory_space<semaphore_mem>>)
    %dma_start3A_111 = arith.constant 2 : i32
    %dma_start3A_112 = arith.constant 256 : i32
    %dma_start3A_113 = arith.constant 0 : i32
    %dma_start3A_114 = tpu.memref_slice %arg17[%dma_start3A_112, %dma_start3A_113] : memref<512x32xf32, #tpu.memory_space<vmem>> -> memref<128x32xf32, #tpu.memory_space<vmem>>
    %dma_start3A_115 = arith.constant 0 : i32
    %dma_start3A_116 = tpu.memref_slice %arg13[%dma_start3A_111, %dma_start3A_115] : memref<4x128xi32, #tpu.memory_space<vmem>> -> memref<1x128xi32, #tpu.memory_space<vmem>>
    %dma_start3A_117 = tpu.memref_squeeze %dma_start3A_116 : memref<1x128xi32, #tpu.memory_space<vmem>> -> memref<128xi32, #tpu.memory_space<vmem>>
    %dma_start3A_118 = arith.constant 0 : i32
    %dma_start3A_119 = arith.constant 0 : i32
    %dma_start3A_120 = tpu.memref_slice %arg7[%dma_start3A_118, %dma_start3A_119] : memref<1000000x32xf32, #tpu.memory_space<hbm>> -> memref<1000000x32xf32, #tpu.memory_space<hbm>>
    tpu.enqueue_indirect_dma source(%dma_start3A_120 : memref<1000000x32xf32, #tpu.memory_space<hbm>>) target(%dma_start3A_114 : memref<128x32xf32, #tpu.memory_space<vmem>>) offsets(%dma_start3A_117 : memref<128xi32, #tpu.memory_space<vmem>>) semaphore(%arg26 : memref<!tpu.dma_semaphore, #tpu.memory_space<semaphore_mem>>)
    %dma_start3A_121 = arith.constant 2 : i32
    %dma_start3A_122 = arith.constant 256 : i32
    %dma_start3A_123 = tpu.memref_slice %arg20[%dma_start3A_122] : memref<512xf32, #tpu.memory_space<vmem>> -> memref<128xf32, #tpu.memory_space<vmem>>
    %dma_start3A_124 = arith.constant 0 : i32
    %dma_start3A_125 = tpu.memref_slice %arg12[%dma_start3A_121, %dma_start3A_124] : memref<4x128xi32, #tpu.memory_space<vmem>> -> memref<1x128xi32, #tpu.memory_space<vmem>>
    %dma_start3A_126 = tpu.memref_squeeze %dma_start3A_125 : memref<1x128xi32, #tpu.memory_space<vmem>> -> memref<128xi32, #tpu.memory_space<vmem>>
    %dma_start3A_127 = arith.constant 0 : i32
    %dma_start3A_128 = tpu.memref_slice %arg8[%dma_start3A_127] : memref<1000000xf32, #tpu.memory_space<hbm>> -> memref<1000000xf32, #tpu.memory_space<hbm>>
    tpu.enqueue_indirect_dma source(%dma_start3A_128 : memref<1000000xf32, #tpu.memory_space<hbm>>) target(%dma_start3A_123 : memref<128xf32, #tpu.memory_space<vmem>>) offsets(%dma_start3A_126 : memref<128xi32, #tpu.memory_space<vmem>>) semaphore(%arg26 : memref<!tpu.dma_semaphore, #tpu.memory_space<semaphore_mem>>)
    %dma_start3A_129 = arith.constant 2 : i32
    %dma_start3A_130 = arith.constant 256 : i32
    %dma_start3A_131 = tpu.memref_slice %arg21[%dma_start3A_130] : memref<512xf32, #tpu.memory_space<vmem>> -> memref<128xf32, #tpu.memory_space<vmem>>
    %dma_start3A_132 = arith.constant 0 : i32
    %dma_start3A_133 = tpu.memref_slice %arg13[%dma_start3A_129, %dma_start3A_132] : memref<4x128xi32, #tpu.memory_space<vmem>> -> memref<1x128xi32, #tpu.memory_space<vmem>>
    %dma_start3A_134 = tpu.memref_squeeze %dma_start3A_133 : memref<1x128xi32, #tpu.memory_space<vmem>> -> memref<128xi32, #tpu.memory_space<vmem>>
    %dma_start3A_135 = arith.constant 0 : i32
    %dma_start3A_136 = tpu.memref_slice %arg9[%dma_start3A_135] : memref<1000000xf32, #tpu.memory_space<hbm>> -> memref<1000000xf32, #tpu.memory_space<hbm>>
    tpu.enqueue_indirect_dma source(%dma_start3A_136 : memref<1000000xf32, #tpu.memory_space<hbm>>) target(%dma_start3A_131 : memref<128xf32, #tpu.memory_space<vmem>>) offsets(%dma_start3A_134 : memref<128xi32, #tpu.memory_space<vmem>>) semaphore(%arg26 : memref<!tpu.dma_semaphore, #tpu.memory_space<semaphore_mem>>)
    %dma_start3A_137 = arith.constant 3 : i32
    %dma_start3A_138 = arith.constant 384 : i32
    %dma_start3A_139 = arith.constant 0 : i32
    %dma_start3A_140 = tpu.memref_slice %arg16[%dma_start3A_138, %dma_start3A_139] : memref<512x32xf32, #tpu.memory_space<vmem>> -> memref<128x32xf32, #tpu.memory_space<vmem>>
    %dma_start3A_141 = arith.constant 0 : i32
    %dma_start3A_142 = tpu.memref_slice %arg12[%dma_start3A_137, %dma_start3A_141] : memref<4x128xi32, #tpu.memory_space<vmem>> -> memref<1x128xi32, #tpu.memory_space<vmem>>
    %dma_start3A_143 = tpu.memref_squeeze %dma_start3A_142 : memref<1x128xi32, #tpu.memory_space<vmem>> -> memref<128xi32, #tpu.memory_space<vmem>>
    %dma_start3A_144 = arith.constant 0 : i32
    %dma_start3A_145 = arith.constant 0 : i32
    %dma_start3A_146 = tpu.memref_slice %arg6[%dma_start3A_144, %dma_start3A_145] : memref<1000000x32xf32, #tpu.memory_space<hbm>> -> memref<1000000x32xf32, #tpu.memory_space<hbm>>
    tpu.enqueue_indirect_dma source(%dma_start3A_146 : memref<1000000x32xf32, #tpu.memory_space<hbm>>) target(%dma_start3A_140 : memref<128x32xf32, #tpu.memory_space<vmem>>) offsets(%dma_start3A_143 : memref<128xi32, #tpu.memory_space<vmem>>) semaphore(%arg26 : memref<!tpu.dma_semaphore, #tpu.memory_space<semaphore_mem>>)
    %dma_start3A_147 = arith.constant 3 : i32
    %dma_start3A_148 = arith.constant 384 : i32
    %dma_start3A_149 = arith.constant 0 : i32
    %dma_start3A_150 = tpu.memref_slice %arg17[%dma_start3A_148, %dma_start3A_149] : memref<512x32xf32, #tpu.memory_space<vmem>> -> memref<128x32xf32, #tpu.memory_space<vmem>>
    %dma_start3A_151 = arith.constant 0 : i32
    %dma_start3A_152 = tpu.memref_slice %arg13[%dma_start3A_147, %dma_start3A_151] : memref<4x128xi32, #tpu.memory_space<vmem>> -> memref<1x128xi32, #tpu.memory_space<vmem>>
    %dma_start3A_153 = tpu.memref_squeeze %dma_start3A_152 : memref<1x128xi32, #tpu.memory_space<vmem>> -> memref<128xi32, #tpu.memory_space<vmem>>
    %dma_start3A_154 = arith.constant 0 : i32
    %dma_start3A_155 = arith.constant 0 : i32
    %dma_start3A_156 = tpu.memref_slice %arg7[%dma_start3A_154, %dma_start3A_155] : memref<1000000x32xf32, #tpu.memory_space<hbm>> -> memref<1000000x32xf32, #tpu.memory_space<hbm>>
    tpu.enqueue_indirect_dma source(%dma_start3A_156 : memref<1000000x32xf32, #tpu.memory_space<hbm>>) target(%dma_start3A_150 : memref<128x32xf32, #tpu.memory_space<vmem>>) offsets(%dma_start3A_153 : memref<128xi32, #tpu.memory_space<vmem>>) semaphore(%arg26 : memref<!tpu.dma_semaphore, #tpu.memory_space<semaphore_mem>>)
    %dma_start3A_157 = arith.constant 3 : i32
    %dma_start3A_158 = arith.constant 384 : i32
    %dma_start3A_159 = tpu.memref_slice %arg20[%dma_start3A_158] : memref<512xf32, #tpu.memory_space<vmem>> -> memref<128xf32, #tpu.memory_space<vmem>>
    %dma_start3A_160 = arith.constant 0 : i32
    %dma_start3A_161 = tpu.memref_slice %arg12[%dma_start3A_157, %dma_start3A_160] : memref<4x128xi32, #tpu.memory_space<vmem>> -> memref<1x128xi32, #tpu.memory_space<vmem>>
    %dma_start3A_162 = tpu.memref_squeeze %dma_start3A_161 : memref<1x128xi32, #tpu.memory_space<vmem>> -> memref<128xi32, #tpu.memory_space<vmem>>
    %dma_start3A_163 = arith.constant 0 : i32
    %dma_start3A_164 = tpu.memref_slice %arg8[%dma_start3A_163] : memref<1000000xf32, #tpu.memory_space<hbm>> -> memref<1000000xf32, #tpu.memory_space<hbm>>
    tpu.enqueue_indirect_dma source(%dma_start3A_164 : memref<1000000xf32, #tpu.memory_space<hbm>>) target(%dma_start3A_159 : memref<128xf32, #tpu.memory_space<vmem>>) offsets(%dma_start3A_162 : memref<128xi32, #tpu.memory_space<vmem>>) semaphore(%arg26 : memref<!tpu.dma_semaphore, #tpu.memory_space<semaphore_mem>>)
    %dma_start3A_165 = arith.constant 3 : i32
    %dma_start3A_166 = arith.constant 384 : i32
    %dma_start3A_167 = tpu.memref_slice %arg21[%dma_start3A_166] : memref<512xf32, #tpu.memory_space<vmem>> -> memref<128xf32, #tpu.memory_space<vmem>>
    %dma_start3A_168 = arith.constant 0 : i32
    %dma_start3A_169 = tpu.memref_slice %arg13[%dma_start3A_165, %dma_start3A_168] : memref<4x128xi32, #tpu.memory_space<vmem>> -> memref<1x128xi32, #tpu.memory_space<vmem>>
    %dma_start3A_170 = tpu.memref_squeeze %dma_start3A_169 : memref<1x128xi32, #tpu.memory_space<vmem>> -> memref<128xi32, #tpu.memory_space<vmem>>
    %dma_start3A_171 = arith.constant 0 : i32
    %dma_start3A_172 = tpu.memref_slice %arg9[%dma_start3A_171] : memref<1000000xf32, #tpu.memory_space<hbm>> -> memref<1000000xf32, #tpu.memory_space<hbm>>
    tpu.enqueue_indirect_dma source(%dma_start3A_172 : memref<1000000xf32, #tpu.memory_space<hbm>>) target(%dma_start3A_167 : memref<128xf32, #tpu.memory_space<vmem>>) offsets(%dma_start3A_170 : memref<128xi32, #tpu.memory_space<vmem>>) semaphore(%arg26 : memref<!tpu.dma_semaphore, #tpu.memory_space<semaphore_mem>>)
    %dma_start3A_173 = arith.constant 0 : i32
    %dma_start3A_174 = arith.constant 0 : i32
    %dma_start3A_175 = arith.constant 0 : i32
    %dma_start3A_176 = tpu.memref_slice %arg18[%dma_start3A_174, %dma_start3A_175] : memref<512x32xf32, #tpu.memory_space<vmem>> -> memref<128x32xf32, #tpu.memory_space<vmem>>
    %dma_start3A_177 = arith.constant 0 : i32
    %dma_start3A_178 = tpu.memref_slice %arg14[%dma_start3A_173, %dma_start3A_177] : memref<4x128xi32, #tpu.memory_space<vmem>> -> memref<1x128xi32, #tpu.memory_space<vmem>>
    %dma_start3A_179 = tpu.memref_squeeze %dma_start3A_178 : memref<1x128xi32, #tpu.memory_space<vmem>> -> memref<128xi32, #tpu.memory_space<vmem>>
    %dma_start3A_180 = arith.constant 0 : i32
    %dma_start3A_181 = arith.constant 0 : i32
    %dma_start3A_182 = tpu.memref_slice %arg6[%dma_start3A_180, %dma_start3A_181] : memref<1000000x32xf32, #tpu.memory_space<hbm>> -> memref<1000000x32xf32, #tpu.memory_space<hbm>>
    tpu.enqueue_indirect_dma source(%dma_start3A_182 : memref<1000000x32xf32, #tpu.memory_space<hbm>>) target(%dma_start3A_176 : memref<128x32xf32, #tpu.memory_space<vmem>>) offsets(%dma_start3A_179 : memref<128xi32, #tpu.memory_space<vmem>>) semaphore(%arg27 : memref<!tpu.dma_semaphore, #tpu.memory_space<semaphore_mem>>)
    %dma_start3A_183 = arith.constant 0 : i32
    %dma_start3A_184 = arith.constant 0 : i32
    %dma_start3A_185 = arith.constant 0 : i32
    %dma_start3A_186 = tpu.memref_slice %arg19[%dma_start3A_184, %dma_start3A_185] : memref<512x32xf32, #tpu.memory_space<vmem>> -> memref<128x32xf32, #tpu.memory_space<vmem>>
    %dma_start3A_187 = arith.constant 0 : i32
    %dma_start3A_188 = tpu.memref_slice %arg15[%dma_start3A_183, %dma_start3A_187] : memref<4x128xi32, #tpu.memory_space<vmem>> -> memref<1x128xi32, #tpu.memory_space<vmem>>
    %dma_start3A_189 = tpu.memref_squeeze %dma_start3A_188 : memref<1x128xi32, #tpu.memory_space<vmem>> -> memref<128xi32, #tpu.memory_space<vmem>>
    %dma_start3A_190 = arith.constant 0 : i32
    %dma_start3A_191 = arith.constant 0 : i32
    %dma_start3A_192 = tpu.memref_slice %arg7[%dma_start3A_190, %dma_start3A_191] : memref<1000000x32xf32, #tpu.memory_space<hbm>> -> memref<1000000x32xf32, #tpu.memory_space<hbm>>
    tpu.enqueue_indirect_dma source(%dma_start3A_192 : memref<1000000x32xf32, #tpu.memory_space<hbm>>) target(%dma_start3A_186 : memref<128x32xf32, #tpu.memory_space<vmem>>) offsets(%dma_start3A_189 : memref<128xi32, #tpu.memory_space<vmem>>) semaphore(%arg27 : memref<!tpu.dma_semaphore, #tpu.memory_space<semaphore_mem>>)
    %dma_start3A_193 = arith.constant 0 : i32
    %dma_start3A_194 = arith.constant 0 : i32
    %dma_start3A_195 = tpu.memref_slice %arg22[%dma_start3A_194] : memref<512xf32, #tpu.memory_space<vmem>> -> memref<128xf32, #tpu.memory_space<vmem>>
    %dma_start3A_196 = arith.constant 0 : i32
    %dma_start3A_197 = tpu.memref_slice %arg14[%dma_start3A_193, %dma_start3A_196] : memref<4x128xi32, #tpu.memory_space<vmem>> -> memref<1x128xi32, #tpu.memory_space<vmem>>
    %dma_start3A_198 = tpu.memref_squeeze %dma_start3A_197 : memref<1x128xi32, #tpu.memory_space<vmem>> -> memref<128xi32, #tpu.memory_space<vmem>>
    %dma_start3A_199 = arith.constant 0 : i32
    %dma_start3A_200 = tpu.memref_slice %arg8[%dma_start3A_199] : memref<1000000xf32, #tpu.memory_space<hbm>> -> memref<1000000xf32, #tpu.memory_space<hbm>>
    tpu.enqueue_indirect_dma source(%dma_start3A_200 : memref<1000000xf32, #tpu.memory_space<hbm>>) target(%dma_start3A_195 : memref<128xf32, #tpu.memory_space<vmem>>) offsets(%dma_start3A_198 : memref<128xi32, #tpu.memory_space<vmem>>) semaphore(%arg27 : memref<!tpu.dma_semaphore, #tpu.memory_space<semaphore_mem>>)
    %dma_start3A_201 = arith.constant 0 : i32
    %dma_start3A_202 = arith.constant 0 : i32
    %dma_start3A_203 = tpu.memref_slice %arg23[%dma_start3A_202] : memref<512xf32, #tpu.memory_space<vmem>> -> memref<128xf32, #tpu.memory_space<vmem>>
    %dma_start3A_204 = arith.constant 0 : i32
    %dma_start3A_205 = tpu.memref_slice %arg15[%dma_start3A_201, %dma_start3A_204] : memref<4x128xi32, #tpu.memory_space<vmem>> -> memref<1x128xi32, #tpu.memory_space<vmem>>
    %dma_start3A_206 = tpu.memref_squeeze %dma_start3A_205 : memref<1x128xi32, #tpu.memory_space<vmem>> -> memref<128xi32, #tpu.memory_space<vmem>>
    %dma_start3A_207 = arith.constant 0 : i32
    %dma_start3A_208 = tpu.memref_slice %arg9[%dma_start3A_207] : memref<1000000xf32, #tpu.memory_space<hbm>> -> memref<1000000xf32, #tpu.memory_space<hbm>>
    tpu.enqueue_indirect_dma source(%dma_start3A_208 : memref<1000000xf32, #tpu.memory_space<hbm>>) target(%dma_start3A_203 : memref<128xf32, #tpu.memory_space<vmem>>) offsets(%dma_start3A_206 : memref<128xi32, #tpu.memory_space<vmem>>) semaphore(%arg27 : memref<!tpu.dma_semaphore, #tpu.memory_space<semaphore_mem>>)
    %dma_start3A_209 = arith.constant 1 : i32
    %dma_start3A_210 = arith.constant 128 : i32
    %dma_start3A_211 = arith.constant 0 : i32
    %dma_start3A_212 = tpu.memref_slice %arg18[%dma_start3A_210, %dma_start3A_211] : memref<512x32xf32, #tpu.memory_space<vmem>> -> memref<128x32xf32, #tpu.memory_space<vmem>>
    %dma_start3A_213 = arith.constant 0 : i32
    %dma_start3A_214 = tpu.memref_slice %arg14[%dma_start3A_209, %dma_start3A_213] : memref<4x128xi32, #tpu.memory_space<vmem>> -> memref<1x128xi32, #tpu.memory_space<vmem>>
    %dma_start3A_215 = tpu.memref_squeeze %dma_start3A_214 : memref<1x128xi32, #tpu.memory_space<vmem>> -> memref<128xi32, #tpu.memory_space<vmem>>
    %dma_start3A_216 = arith.constant 0 : i32
    %dma_start3A_217 = arith.constant 0 : i32
    %dma_start3A_218 = tpu.memref_slice %arg6[%dma_start3A_216, %dma_start3A_217] : memref<1000000x32xf32, #tpu.memory_space<hbm>> -> memref<1000000x32xf32, #tpu.memory_space<hbm>>
    tpu.enqueue_indirect_dma source(%dma_start3A_218 : memref<1000000x32xf32, #tpu.memory_space<hbm>>) target(%dma_start3A_212 : memref<128x32xf32, #tpu.memory_space<vmem>>) offsets(%dma_start3A_215 : memref<128xi32, #tpu.memory_space<vmem>>) semaphore(%arg27 : memref<!tpu.dma_semaphore, #tpu.memory_space<semaphore_mem>>)
    %dma_start3A_219 = arith.constant 1 : i32
    %dma_start3A_220 = arith.constant 128 : i32
    %dma_start3A_221 = arith.constant 0 : i32
    %dma_start3A_222 = tpu.memref_slice %arg19[%dma_start3A_220, %dma_start3A_221] : memref<512x32xf32, #tpu.memory_space<vmem>> -> memref<128x32xf32, #tpu.memory_space<vmem>>
    %dma_start3A_223 = arith.constant 0 : i32
    %dma_start3A_224 = tpu.memref_slice %arg15[%dma_start3A_219, %dma_start3A_223] : memref<4x128xi32, #tpu.memory_space<vmem>> -> memref<1x128xi32, #tpu.memory_space<vmem>>
    %dma_start3A_225 = tpu.memref_squeeze %dma_start3A_224 : memref<1x128xi32, #tpu.memory_space<vmem>> -> memref<128xi32, #tpu.memory_space<vmem>>
    %dma_start3A_226 = arith.constant 0 : i32
    %dma_start3A_227 = arith.constant 0 : i32
    %dma_start3A_228 = tpu.memref_slice %arg7[%dma_start3A_226, %dma_start3A_227] : memref<1000000x32xf32, #tpu.memory_space<hbm>> -> memref<1000000x32xf32, #tpu.memory_space<hbm>>
    tpu.enqueue_indirect_dma source(%dma_start3A_228 : memref<1000000x32xf32, #tpu.memory_space<hbm>>) target(%dma_start3A_222 : memref<128x32xf32, #tpu.memory_space<vmem>>) offsets(%dma_start3A_225 : memref<128xi32, #tpu.memory_space<vmem>>) semaphore(%arg27 : memref<!tpu.dma_semaphore, #tpu.memory_space<semaphore_mem>>)
    %dma_start3A_229 = arith.constant 1 : i32
    %dma_start3A_230 = arith.constant 128 : i32
    %dma_start3A_231 = tpu.memref_slice %arg22[%dma_start3A_230] : memref<512xf32, #tpu.memory_space<vmem>> -> memref<128xf32, #tpu.memory_space<vmem>>
    %dma_start3A_232 = arith.constant 0 : i32
    %dma_start3A_233 = tpu.memref_slice %arg14[%dma_start3A_229, %dma_start3A_232] : memref<4x128xi32, #tpu.memory_space<vmem>> -> memref<1x128xi32, #tpu.memory_space<vmem>>
    %dma_start3A_234 = tpu.memref_squeeze %dma_start3A_233 : memref<1x128xi32, #tpu.memory_space<vmem>> -> memref<128xi32, #tpu.memory_space<vmem>>
    %dma_start3A_235 = arith.constant 0 : i32
    %dma_start3A_236 = tpu.memref_slice %arg8[%dma_start3A_235] : memref<1000000xf32, #tpu.memory_space<hbm>> -> memref<1000000xf32, #tpu.memory_space<hbm>>
    tpu.enqueue_indirect_dma source(%dma_start3A_236 : memref<1000000xf32, #tpu.memory_space<hbm>>) target(%dma_start3A_231 : memref<128xf32, #tpu.memory_space<vmem>>) offsets(%dma_start3A_234 : memref<128xi32, #tpu.memory_space<vmem>>) semaphore(%arg27 : memref<!tpu.dma_semaphore, #tpu.memory_space<semaphore_mem>>)
    %dma_start3A_237 = arith.constant 1 : i32
    %dma_start3A_238 = arith.constant 128 : i32
    %dma_start3A_239 = tpu.memref_slice %arg23[%dma_start3A_238] : memref<512xf32, #tpu.memory_space<vmem>> -> memref<128xf32, #tpu.memory_space<vmem>>
    %dma_start3A_240 = arith.constant 0 : i32
    %dma_start3A_241 = tpu.memref_slice %arg15[%dma_start3A_237, %dma_start3A_240] : memref<4x128xi32, #tpu.memory_space<vmem>> -> memref<1x128xi32, #tpu.memory_space<vmem>>
    %dma_start3A_242 = tpu.memref_squeeze %dma_start3A_241 : memref<1x128xi32, #tpu.memory_space<vmem>> -> memref<128xi32, #tpu.memory_space<vmem>>
    %dma_start3A_243 = arith.constant 0 : i32
    %dma_start3A_244 = tpu.memref_slice %arg9[%dma_start3A_243] : memref<1000000xf32, #tpu.memory_space<hbm>> -> memref<1000000xf32, #tpu.memory_space<hbm>>
    tpu.enqueue_indirect_dma source(%dma_start3A_244 : memref<1000000xf32, #tpu.memory_space<hbm>>) target(%dma_start3A_239 : memref<128xf32, #tpu.memory_space<vmem>>) offsets(%dma_start3A_242 : memref<128xi32, #tpu.memory_space<vmem>>) semaphore(%arg27 : memref<!tpu.dma_semaphore, #tpu.memory_space<semaphore_mem>>)
    %dma_start3A_245 = arith.constant 2 : i32
    %dma_start3A_246 = arith.constant 256 : i32
    %dma_start3A_247 = arith.constant 0 : i32
    %dma_start3A_248 = tpu.memref_slice %arg18[%dma_start3A_246, %dma_start3A_247] : memref<512x32xf32, #tpu.memory_space<vmem>> -> memref<128x32xf32, #tpu.memory_space<vmem>>
    %dma_start3A_249 = arith.constant 0 : i32
    %dma_start3A_250 = tpu.memref_slice %arg14[%dma_start3A_245, %dma_start3A_249] : memref<4x128xi32, #tpu.memory_space<vmem>> -> memref<1x128xi32, #tpu.memory_space<vmem>>
    %dma_start3A_251 = tpu.memref_squeeze %dma_start3A_250 : memref<1x128xi32, #tpu.memory_space<vmem>> -> memref<128xi32, #tpu.memory_space<vmem>>
    %dma_start3A_252 = arith.constant 0 : i32
    %dma_start3A_253 = arith.constant 0 : i32
    %dma_start3A_254 = tpu.memref_slice %arg6[%dma_start3A_252, %dma_start3A_253] : memref<1000000x32xf32, #tpu.memory_space<hbm>> -> memref<1000000x32xf32, #tpu.memory_space<hbm>>
    tpu.enqueue_indirect_dma source(%dma_start3A_254 : memref<1000000x32xf32, #tpu.memory_space<hbm>>) target(%dma_start3A_248 : memref<128x32xf32, #tpu.memory_space<vmem>>) offsets(%dma_start3A_251 : memref<128xi32, #tpu.memory_space<vmem>>) semaphore(%arg27 : memref<!tpu.dma_semaphore, #tpu.memory_space<semaphore_mem>>)
    %dma_start3A_255 = arith.constant 2 : i32
    %dma_start3A_256 = arith.constant 256 : i32
    %dma_start3A_257 = arith.constant 0 : i32
    %dma_start3A_258 = tpu.memref_slice %arg19[%dma_start3A_256, %dma_start3A_257] : memref<512x32xf32, #tpu.memory_space<vmem>> -> memref<128x32xf32, #tpu.memory_space<vmem>>
    %dma_start3A_259 = arith.constant 0 : i32
    %dma_start3A_260 = tpu.memref_slice %arg15[%dma_start3A_255, %dma_start3A_259] : memref<4x128xi32, #tpu.memory_space<vmem>> -> memref<1x128xi32, #tpu.memory_space<vmem>>
    %dma_start3A_261 = tpu.memref_squeeze %dma_start3A_260 : memref<1x128xi32, #tpu.memory_space<vmem>> -> memref<128xi32, #tpu.memory_space<vmem>>
    %dma_start3A_262 = arith.constant 0 : i32
    %dma_start3A_263 = arith.constant 0 : i32
    %dma_start3A_264 = tpu.memref_slice %arg7[%dma_start3A_262, %dma_start3A_263] : memref<1000000x32xf32, #tpu.memory_space<hbm>> -> memref<1000000x32xf32, #tpu.memory_space<hbm>>
    tpu.enqueue_indirect_dma source(%dma_start3A_264 : memref<1000000x32xf32, #tpu.memory_space<hbm>>) target(%dma_start3A_258 : memref<128x32xf32, #tpu.memory_space<vmem>>) offsets(%dma_start3A_261 : memref<128xi32, #tpu.memory_space<vmem>>) semaphore(%arg27 : memref<!tpu.dma_semaphore, #tpu.memory_space<semaphore_mem>>)
    %dma_start3A_265 = arith.constant 2 : i32
    %dma_start3A_266 = arith.constant 256 : i32
    %dma_start3A_267 = tpu.memref_slice %arg22[%dma_start3A_266] : memref<512xf32, #tpu.memory_space<vmem>> -> memref<128xf32, #tpu.memory_space<vmem>>
    %dma_start3A_268 = arith.constant 0 : i32
    %dma_start3A_269 = tpu.memref_slice %arg14[%dma_start3A_265, %dma_start3A_268] : memref<4x128xi32, #tpu.memory_space<vmem>> -> memref<1x128xi32, #tpu.memory_space<vmem>>
    %dma_start3A_270 = tpu.memref_squeeze %dma_start3A_269 : memref<1x128xi32, #tpu.memory_space<vmem>> -> memref<128xi32, #tpu.memory_space<vmem>>
    %dma_start3A_271 = arith.constant 0 : i32
    %dma_start3A_272 = tpu.memref_slice %arg8[%dma_start3A_271] : memref<1000000xf32, #tpu.memory_space<hbm>> -> memref<1000000xf32, #tpu.memory_space<hbm>>
    tpu.enqueue_indirect_dma source(%dma_start3A_272 : memref<1000000xf32, #tpu.memory_space<hbm>>) target(%dma_start3A_267 : memref<128xf32, #tpu.memory_space<vmem>>) offsets(%dma_start3A_270 : memref<128xi32, #tpu.memory_space<vmem>>) semaphore(%arg27 : memref<!tpu.dma_semaphore, #tpu.memory_space<semaphore_mem>>)
    %dma_start3A_273 = arith.constant 2 : i32
    %dma_start3A_274 = arith.constant 256 : i32
    %dma_start3A_275 = tpu.memref_slice %arg23[%dma_start3A_274] : memref<512xf32, #tpu.memory_space<vmem>> -> memref<128xf32, #tpu.memory_space<vmem>>
    %dma_start3A_276 = arith.constant 0 : i32
    %dma_start3A_277 = tpu.memref_slice %arg15[%dma_start3A_273, %dma_start3A_276] : memref<4x128xi32, #tpu.memory_space<vmem>> -> memref<1x128xi32, #tpu.memory_space<vmem>>
    %dma_start3A_278 = tpu.memref_squeeze %dma_start3A_277 : memref<1x128xi32, #tpu.memory_space<vmem>> -> memref<128xi32, #tpu.memory_space<vmem>>
    %dma_start3A_279 = arith.constant 0 : i32
    %dma_start3A_280 = tpu.memref_slice %arg9[%dma_start3A_279] : memref<1000000xf32, #tpu.memory_space<hbm>> -> memref<1000000xf32, #tpu.memory_space<hbm>>
    tpu.enqueue_indirect_dma source(%dma_start3A_280 : memref<1000000xf32, #tpu.memory_space<hbm>>) target(%dma_start3A_275 : memref<128xf32, #tpu.memory_space<vmem>>) offsets(%dma_start3A_278 : memref<128xi32, #tpu.memory_space<vmem>>) semaphore(%arg27 : memref<!tpu.dma_semaphore, #tpu.memory_space<semaphore_mem>>)
    %dma_start3A_281 = arith.constant 3 : i32
    %dma_start3A_282 = arith.constant 384 : i32
    %dma_start3A_283 = arith.constant 0 : i32
    %dma_start3A_284 = tpu.memref_slice %arg18[%dma_start3A_282, %dma_start3A_283] : memref<512x32xf32, #tpu.memory_space<vmem>> -> memref<128x32xf32, #tpu.memory_space<vmem>>
    %dma_start3A_285 = arith.constant 0 : i32
    %dma_start3A_286 = tpu.memref_slice %arg14[%dma_start3A_281, %dma_start3A_285] : memref<4x128xi32, #tpu.memory_space<vmem>> -> memref<1x128xi32, #tpu.memory_space<vmem>>
    %dma_start3A_287 = tpu.memref_squeeze %dma_start3A_286 : memref<1x128xi32, #tpu.memory_space<vmem>> -> memref<128xi32, #tpu.memory_space<vmem>>
    %dma_start3A_288 = arith.constant 0 : i32
    %dma_start3A_289 = arith.constant 0 : i32
    %dma_start3A_290 = tpu.memref_slice %arg6[%dma_start3A_288, %dma_start3A_289] : memref<1000000x32xf32, #tpu.memory_space<hbm>> -> memref<1000000x32xf32, #tpu.memory_space<hbm>>
    tpu.enqueue_indirect_dma source(%dma_start3A_290 : memref<1000000x32xf32, #tpu.memory_space<hbm>>) target(%dma_start3A_284 : memref<128x32xf32, #tpu.memory_space<vmem>>) offsets(%dma_start3A_287 : memref<128xi32, #tpu.memory_space<vmem>>) semaphore(%arg27 : memref<!tpu.dma_semaphore, #tpu.memory_space<semaphore_mem>>)
    %dma_start3A_291 = arith.constant 3 : i32
    %dma_start3A_292 = arith.constant 384 : i32
    %dma_start3A_293 = arith.constant 0 : i32
    %dma_start3A_294 = tpu.memref_slice %arg19[%dma_start3A_292, %dma_start3A_293] : memref<512x32xf32, #tpu.memory_space<vmem>> -> memref<128x32xf32, #tpu.memory_space<vmem>>
    %dma_start3A_295 = arith.constant 0 : i32
    %dma_start3A_296 = tpu.memref_slice %arg15[%dma_start3A_291, %dma_start3A_295] : memref<4x128xi32, #tpu.memory_space<vmem>> -> memref<1x128xi32, #tpu.memory_space<vmem>>
    %dma_start3A_297 = tpu.memref_squeeze %dma_start3A_296 : memref<1x128xi32, #tpu.memory_space<vmem>> -> memref<128xi32, #tpu.memory_space<vmem>>
    %dma_start3A_298 = arith.constant 0 : i32
    %dma_start3A_299 = arith.constant 0 : i32
    %dma_start3A_300 = tpu.memref_slice %arg7[%dma_start3A_298, %dma_start3A_299] : memref<1000000x32xf32, #tpu.memory_space<hbm>> -> memref<1000000x32xf32, #tpu.memory_space<hbm>>
    tpu.enqueue_indirect_dma source(%dma_start3A_300 : memref<1000000x32xf32, #tpu.memory_space<hbm>>) target(%dma_start3A_294 : memref<128x32xf32, #tpu.memory_space<vmem>>) offsets(%dma_start3A_297 : memref<128xi32, #tpu.memory_space<vmem>>) semaphore(%arg27 : memref<!tpu.dma_semaphore, #tpu.memory_space<semaphore_mem>>)
    %dma_start3A_301 = arith.constant 3 : i32
    %dma_start3A_302 = arith.constant 384 : i32
    %dma_start3A_303 = tpu.memref_slice %arg22[%dma_start3A_302] : memref<512xf32, #tpu.memory_space<vmem>> -> memref<128xf32, #tpu.memory_space<vmem>>
    %dma_start3A_304 = arith.constant 0 : i32
    %dma_start3A_305 = tpu.memref_slice %arg14[%dma_start3A_301, %dma_start3A_304] : memref<4x128xi32, #tpu.memory_space<vmem>> -> memref<1x128xi32, #tpu.memory_space<vmem>>
    %dma_start3A_306 = tpu.memref_squeeze %dma_start3A_305 : memref<1x128xi32, #tpu.memory_space<vmem>> -> memref<128xi32, #tpu.memory_space<vmem>>
    %dma_start3A_307 = arith.constant 0 : i32
    %dma_start3A_308 = tpu.memref_slice %arg8[%dma_start3A_307] : memref<1000000xf32, #tpu.memory_space<hbm>> -> memref<1000000xf32, #tpu.memory_space<hbm>>
    tpu.enqueue_indirect_dma source(%dma_start3A_308 : memref<1000000xf32, #tpu.memory_space<hbm>>) target(%dma_start3A_303 : memref<128xf32, #tpu.memory_space<vmem>>) offsets(%dma_start3A_306 : memref<128xi32, #tpu.memory_space<vmem>>) semaphore(%arg27 : memref<!tpu.dma_semaphore, #tpu.memory_space<semaphore_mem>>)
    %dma_start3A_309 = arith.constant 3 : i32
    %dma_start3A_310 = arith.constant 384 : i32
    %dma_start3A_311 = tpu.memref_slice %arg23[%dma_start3A_310] : memref<512xf32, #tpu.memory_space<vmem>> -> memref<128xf32, #tpu.memory_space<vmem>>
    %dma_start3A_312 = arith.constant 0 : i32
    %dma_start3A_313 = tpu.memref_slice %arg15[%dma_start3A_309, %dma_start3A_312] : memref<4x128xi32, #tpu.memory_space<vmem>> -> memref<1x128xi32, #tpu.memory_space<vmem>>
    %dma_start3A_314 = tpu.memref_squeeze %dma_start3A_313 : memref<1x128xi32, #tpu.memory_space<vmem>> -> memref<128xi32, #tpu.memory_space<vmem>>
    %dma_start3A_315 = arith.constant 0 : i32
    %dma_start3A_316 = tpu.memref_slice %arg9[%dma_start3A_315] : memref<1000000xf32, #tpu.memory_space<hbm>> -> memref<1000000xf32, #tpu.memory_space<hbm>>
    tpu.enqueue_indirect_dma source(%dma_start3A_316 : memref<1000000xf32, #tpu.memory_space<hbm>>) target(%dma_start3A_311 : memref<128xf32, #tpu.memory_space<vmem>>) offsets(%dma_start3A_314 : memref<128xi32, #tpu.memory_space<vmem>>) semaphore(%arg27 : memref<!tpu.dma_semaphore, #tpu.memory_space<semaphore_mem>>)
    %dma_wait3A = arith.constant 0 : i32
    %dma_wait3A_317 = arith.constant 0 : i32
    %dma_wait3A_318 = arith.constant 0 : i32
    %dma_wait3A_319 = tpu.memref_slice %arg16[%dma_wait3A_317, %dma_wait3A_318] : memref<512x32xf32, #tpu.memory_space<vmem>> -> memref<128x32xf32, #tpu.memory_space<vmem>>
    %dma_wait3A_320 = arith.constant 0 : i32
    %dma_wait3A_321 = tpu.memref_slice %arg12[%dma_wait3A, %dma_wait3A_320] : memref<4x128xi32, #tpu.memory_space<vmem>> -> memref<1x128xi32, #tpu.memory_space<vmem>>
    %dma_wait3A_322 = tpu.memref_squeeze %dma_wait3A_321 : memref<1x128xi32, #tpu.memory_space<vmem>> -> memref<128xi32, #tpu.memory_space<vmem>>
    %dma_wait3A_323 = arith.constant 0 : i32
    %dma_wait3A_324 = arith.constant 0 : i32
    %dma_wait3A_325 = tpu.memref_slice %arg6[%dma_wait3A_323, %dma_wait3A_324] : memref<1000000x32xf32, #tpu.memory_space<hbm>> -> memref<1000000x32xf32, #tpu.memory_space<hbm>>
    tpu.wait_indirect_dma semaphore(%arg26 : memref<!tpu.dma_semaphore, #tpu.memory_space<semaphore_mem>>) src(%dma_wait3A_325 : memref<1000000x32xf32, #tpu.memory_space<hbm>>) dst(%dma_wait3A_319 : memref<128x32xf32, #tpu.memory_space<vmem>>)
    %dma_wait3A_326 = arith.constant 0 : i32
    %dma_wait3A_327 = arith.constant 0 : i32
    %dma_wait3A_328 = arith.constant 0 : i32
    %dma_wait3A_329 = tpu.memref_slice %arg17[%dma_wait3A_327, %dma_wait3A_328] : memref<512x32xf32, #tpu.memory_space<vmem>> -> memref<128x32xf32, #tpu.memory_space<vmem>>
    %dma_wait3A_330 = arith.constant 0 : i32
    %dma_wait3A_331 = tpu.memref_slice %arg13[%dma_wait3A_326, %dma_wait3A_330] : memref<4x128xi32, #tpu.memory_space<vmem>> -> memref<1x128xi32, #tpu.memory_space<vmem>>
    %dma_wait3A_332 = tpu.memref_squeeze %dma_wait3A_331 : memref<1x128xi32, #tpu.memory_space<vmem>> -> memref<128xi32, #tpu.memory_space<vmem>>
    %dma_wait3A_333 = arith.constant 0 : i32
    %dma_wait3A_334 = arith.constant 0 : i32
    %dma_wait3A_335 = tpu.memref_slice %arg7[%dma_wait3A_333, %dma_wait3A_334] : memref<1000000x32xf32, #tpu.memory_space<hbm>> -> memref<1000000x32xf32, #tpu.memory_space<hbm>>
    tpu.wait_indirect_dma semaphore(%arg26 : memref<!tpu.dma_semaphore, #tpu.memory_space<semaphore_mem>>) src(%dma_wait3A_335 : memref<1000000x32xf32, #tpu.memory_space<hbm>>) dst(%dma_wait3A_329 : memref<128x32xf32, #tpu.memory_space<vmem>>)
    %dma_wait3A_336 = arith.constant 0 : i32
    %dma_wait3A_337 = arith.constant 0 : i32
    %dma_wait3A_338 = tpu.memref_slice %arg20[%dma_wait3A_337] : memref<512xf32, #tpu.memory_space<vmem>> -> memref<128xf32, #tpu.memory_space<vmem>>
    %dma_wait3A_339 = arith.constant 0 : i32
    %dma_wait3A_340 = tpu.memref_slice %arg12[%dma_wait3A_336, %dma_wait3A_339] : memref<4x128xi32, #tpu.memory_space<vmem>> -> memref<1x128xi32, #tpu.memory_space<vmem>>
    %dma_wait3A_341 = tpu.memref_squeeze %dma_wait3A_340 : memref<1x128xi32, #tpu.memory_space<vmem>> -> memref<128xi32, #tpu.memory_space<vmem>>
    %dma_wait3A_342 = arith.constant 0 : i32
    %dma_wait3A_343 = tpu.memref_slice %arg8[%dma_wait3A_342] : memref<1000000xf32, #tpu.memory_space<hbm>> -> memref<1000000xf32, #tpu.memory_space<hbm>>
    tpu.wait_indirect_dma semaphore(%arg26 : memref<!tpu.dma_semaphore, #tpu.memory_space<semaphore_mem>>) src(%dma_wait3A_343 : memref<1000000xf32, #tpu.memory_space<hbm>>) dst(%dma_wait3A_338 : memref<128xf32, #tpu.memory_space<vmem>>)
    %dma_wait3A_344 = arith.constant 0 : i32
    %dma_wait3A_345 = arith.constant 0 : i32
    %dma_wait3A_346 = tpu.memref_slice %arg21[%dma_wait3A_345] : memref<512xf32, #tpu.memory_space<vmem>> -> memref<128xf32, #tpu.memory_space<vmem>>
    %dma_wait3A_347 = arith.constant 0 : i32
    %dma_wait3A_348 = tpu.memref_slice %arg13[%dma_wait3A_344, %dma_wait3A_347] : memref<4x128xi32, #tpu.memory_space<vmem>> -> memref<1x128xi32, #tpu.memory_space<vmem>>
    %dma_wait3A_349 = tpu.memref_squeeze %dma_wait3A_348 : memref<1x128xi32, #tpu.memory_space<vmem>> -> memref<128xi32, #tpu.memory_space<vmem>>
    %dma_wait3A_350 = arith.constant 0 : i32
    %dma_wait3A_351 = tpu.memref_slice %arg9[%dma_wait3A_350] : memref<1000000xf32, #tpu.memory_space<hbm>> -> memref<1000000xf32, #tpu.memory_space<hbm>>
    tpu.wait_indirect_dma semaphore(%arg26 : memref<!tpu.dma_semaphore, #tpu.memory_space<semaphore_mem>>) src(%dma_wait3A_351 : memref<1000000xf32, #tpu.memory_space<hbm>>) dst(%dma_wait3A_346 : memref<128xf32, #tpu.memory_space<vmem>>)
    %dma_wait3A_352 = arith.constant 1 : i32
    %dma_wait3A_353 = arith.constant 128 : i32
    %dma_wait3A_354 = arith.constant 0 : i32
    %dma_wait3A_355 = tpu.memref_slice %arg16[%dma_wait3A_353, %dma_wait3A_354] : memref<512x32xf32, #tpu.memory_space<vmem>> -> memref<128x32xf32, #tpu.memory_space<vmem>>
    %dma_wait3A_356 = arith.constant 0 : i32
    %dma_wait3A_357 = tpu.memref_slice %arg12[%dma_wait3A_352, %dma_wait3A_356] : memref<4x128xi32, #tpu.memory_space<vmem>> -> memref<1x128xi32, #tpu.memory_space<vmem>>
    %dma_wait3A_358 = tpu.memref_squeeze %dma_wait3A_357 : memref<1x128xi32, #tpu.memory_space<vmem>> -> memref<128xi32, #tpu.memory_space<vmem>>
    %dma_wait3A_359 = arith.constant 0 : i32
    %dma_wait3A_360 = arith.constant 0 : i32
    %dma_wait3A_361 = tpu.memref_slice %arg6[%dma_wait3A_359, %dma_wait3A_360] : memref<1000000x32xf32, #tpu.memory_space<hbm>> -> memref<1000000x32xf32, #tpu.memory_space<hbm>>
    tpu.wait_indirect_dma semaphore(%arg26 : memref<!tpu.dma_semaphore, #tpu.memory_space<semaphore_mem>>) src(%dma_wait3A_361 : memref<1000000x32xf32, #tpu.memory_space<hbm>>) dst(%dma_wait3A_355 : memref<128x32xf32, #tpu.memory_space<vmem>>)
    %dma_wait3A_362 = arith.constant 1 : i32
    %dma_wait3A_363 = arith.constant 128 : i32
    %dma_wait3A_364 = arith.constant 0 : i32
    %dma_wait3A_365 = tpu.memref_slice %arg17[%dma_wait3A_363, %dma_wait3A_364] : memref<512x32xf32, #tpu.memory_space<vmem>> -> memref<128x32xf32, #tpu.memory_space<vmem>>
    %dma_wait3A_366 = arith.constant 0 : i32
    %dma_wait3A_367 = tpu.memref_slice %arg13[%dma_wait3A_362, %dma_wait3A_366] : memref<4x128xi32, #tpu.memory_space<vmem>> -> memref<1x128xi32, #tpu.memory_space<vmem>>
    %dma_wait3A_368 = tpu.memref_squeeze %dma_wait3A_367 : memref<1x128xi32, #tpu.memory_space<vmem>> -> memref<128xi32, #tpu.memory_space<vmem>>
    %dma_wait3A_369 = arith.constant 0 : i32
    %dma_wait3A_370 = arith.constant 0 : i32
    %dma_wait3A_371 = tpu.memref_slice %arg7[%dma_wait3A_369, %dma_wait3A_370] : memref<1000000x32xf32, #tpu.memory_space<hbm>> -> memref<1000000x32xf32, #tpu.memory_space<hbm>>
    tpu.wait_indirect_dma semaphore(%arg26 : memref<!tpu.dma_semaphore, #tpu.memory_space<semaphore_mem>>) src(%dma_wait3A_371 : memref<1000000x32xf32, #tpu.memory_space<hbm>>) dst(%dma_wait3A_365 : memref<128x32xf32, #tpu.memory_space<vmem>>)
    %dma_wait3A_372 = arith.constant 1 : i32
    %dma_wait3A_373 = arith.constant 128 : i32
    %dma_wait3A_374 = tpu.memref_slice %arg20[%dma_wait3A_373] : memref<512xf32, #tpu.memory_space<vmem>> -> memref<128xf32, #tpu.memory_space<vmem>>
    %dma_wait3A_375 = arith.constant 0 : i32
    %dma_wait3A_376 = tpu.memref_slice %arg12[%dma_wait3A_372, %dma_wait3A_375] : memref<4x128xi32, #tpu.memory_space<vmem>> -> memref<1x128xi32, #tpu.memory_space<vmem>>
    %dma_wait3A_377 = tpu.memref_squeeze %dma_wait3A_376 : memref<1x128xi32, #tpu.memory_space<vmem>> -> memref<128xi32, #tpu.memory_space<vmem>>
    %dma_wait3A_378 = arith.constant 0 : i32
    %dma_wait3A_379 = tpu.memref_slice %arg8[%dma_wait3A_378] : memref<1000000xf32, #tpu.memory_space<hbm>> -> memref<1000000xf32, #tpu.memory_space<hbm>>
    tpu.wait_indirect_dma semaphore(%arg26 : memref<!tpu.dma_semaphore, #tpu.memory_space<semaphore_mem>>) src(%dma_wait3A_379 : memref<1000000xf32, #tpu.memory_space<hbm>>) dst(%dma_wait3A_374 : memref<128xf32, #tpu.memory_space<vmem>>)
    %dma_wait3A_380 = arith.constant 1 : i32
    %dma_wait3A_381 = arith.constant 128 : i32
    %dma_wait3A_382 = tpu.memref_slice %arg21[%dma_wait3A_381] : memref<512xf32, #tpu.memory_space<vmem>> -> memref<128xf32, #tpu.memory_space<vmem>>
    %dma_wait3A_383 = arith.constant 0 : i32
    %dma_wait3A_384 = tpu.memref_slice %arg13[%dma_wait3A_380, %dma_wait3A_383] : memref<4x128xi32, #tpu.memory_space<vmem>> -> memref<1x128xi32, #tpu.memory_space<vmem>>
    %dma_wait3A_385 = tpu.memref_squeeze %dma_wait3A_384 : memref<1x128xi32, #tpu.memory_space<vmem>> -> memref<128xi32, #tpu.memory_space<vmem>>
    %dma_wait3A_386 = arith.constant 0 : i32
    %dma_wait3A_387 = tpu.memref_slice %arg9[%dma_wait3A_386] : memref<1000000xf32, #tpu.memory_space<hbm>> -> memref<1000000xf32, #tpu.memory_space<hbm>>
    tpu.wait_indirect_dma semaphore(%arg26 : memref<!tpu.dma_semaphore, #tpu.memory_space<semaphore_mem>>) src(%dma_wait3A_387 : memref<1000000xf32, #tpu.memory_space<hbm>>) dst(%dma_wait3A_382 : memref<128xf32, #tpu.memory_space<vmem>>)
    %dma_wait3A_388 = arith.constant 2 : i32
    %dma_wait3A_389 = arith.constant 256 : i32
    %dma_wait3A_390 = arith.constant 0 : i32
    %dma_wait3A_391 = tpu.memref_slice %arg16[%dma_wait3A_389, %dma_wait3A_390] : memref<512x32xf32, #tpu.memory_space<vmem>> -> memref<128x32xf32, #tpu.memory_space<vmem>>
    %dma_wait3A_392 = arith.constant 0 : i32
    %dma_wait3A_393 = tpu.memref_slice %arg12[%dma_wait3A_388, %dma_wait3A_392] : memref<4x128xi32, #tpu.memory_space<vmem>> -> memref<1x128xi32, #tpu.memory_space<vmem>>
    %dma_wait3A_394 = tpu.memref_squeeze %dma_wait3A_393 : memref<1x128xi32, #tpu.memory_space<vmem>> -> memref<128xi32, #tpu.memory_space<vmem>>
    %dma_wait3A_395 = arith.constant 0 : i32
    %dma_wait3A_396 = arith.constant 0 : i32
    %dma_wait3A_397 = tpu.memref_slice %arg6[%dma_wait3A_395, %dma_wait3A_396] : memref<1000000x32xf32, #tpu.memory_space<hbm>> -> memref<1000000x32xf32, #tpu.memory_space<hbm>>
    tpu.wait_indirect_dma semaphore(%arg26 : memref<!tpu.dma_semaphore, #tpu.memory_space<semaphore_mem>>) src(%dma_wait3A_397 : memref<1000000x32xf32, #tpu.memory_space<hbm>>) dst(%dma_wait3A_391 : memref<128x32xf32, #tpu.memory_space<vmem>>)
    %dma_wait3A_398 = arith.constant 2 : i32
    %dma_wait3A_399 = arith.constant 256 : i32
    %dma_wait3A_400 = arith.constant 0 : i32
    %dma_wait3A_401 = tpu.memref_slice %arg17[%dma_wait3A_399, %dma_wait3A_400] : memref<512x32xf32, #tpu.memory_space<vmem>> -> memref<128x32xf32, #tpu.memory_space<vmem>>
    %dma_wait3A_402 = arith.constant 0 : i32
    %dma_wait3A_403 = tpu.memref_slice %arg13[%dma_wait3A_398, %dma_wait3A_402] : memref<4x128xi32, #tpu.memory_space<vmem>> -> memref<1x128xi32, #tpu.memory_space<vmem>>
    %dma_wait3A_404 = tpu.memref_squeeze %dma_wait3A_403 : memref<1x128xi32, #tpu.memory_space<vmem>> -> memref<128xi32, #tpu.memory_space<vmem>>
    %dma_wait3A_405 = arith.constant 0 : i32
    %dma_wait3A_406 = arith.constant 0 : i32
    %dma_wait3A_407 = tpu.memref_slice %arg7[%dma_wait3A_405, %dma_wait3A_406] : memref<1000000x32xf32, #tpu.memory_space<hbm>> -> memref<1000000x32xf32, #tpu.memory_space<hbm>>
    tpu.wait_indirect_dma semaphore(%arg26 : memref<!tpu.dma_semaphore, #tpu.memory_space<semaphore_mem>>) src(%dma_wait3A_407 : memref<1000000x32xf32, #tpu.memory_space<hbm>>) dst(%dma_wait3A_401 : memref<128x32xf32, #tpu.memory_space<vmem>>)
    %dma_wait3A_408 = arith.constant 2 : i32
    %dma_wait3A_409 = arith.constant 256 : i32
    %dma_wait3A_410 = tpu.memref_slice %arg20[%dma_wait3A_409] : memref<512xf32, #tpu.memory_space<vmem>> -> memref<128xf32, #tpu.memory_space<vmem>>
    %dma_wait3A_411 = arith.constant 0 : i32
    %dma_wait3A_412 = tpu.memref_slice %arg12[%dma_wait3A_408, %dma_wait3A_411] : memref<4x128xi32, #tpu.memory_space<vmem>> -> memref<1x128xi32, #tpu.memory_space<vmem>>
    %dma_wait3A_413 = tpu.memref_squeeze %dma_wait3A_412 : memref<1x128xi32, #tpu.memory_space<vmem>> -> memref<128xi32, #tpu.memory_space<vmem>>
    %dma_wait3A_414 = arith.constant 0 : i32
    %dma_wait3A_415 = tpu.memref_slice %arg8[%dma_wait3A_414] : memref<1000000xf32, #tpu.memory_space<hbm>> -> memref<1000000xf32, #tpu.memory_space<hbm>>
    tpu.wait_indirect_dma semaphore(%arg26 : memref<!tpu.dma_semaphore, #tpu.memory_space<semaphore_mem>>) src(%dma_wait3A_415 : memref<1000000xf32, #tpu.memory_space<hbm>>) dst(%dma_wait3A_410 : memref<128xf32, #tpu.memory_space<vmem>>)
    %dma_wait3A_416 = arith.constant 2 : i32
    %dma_wait3A_417 = arith.constant 256 : i32
    %dma_wait3A_418 = tpu.memref_slice %arg21[%dma_wait3A_417] : memref<512xf32, #tpu.memory_space<vmem>> -> memref<128xf32, #tpu.memory_space<vmem>>
    %dma_wait3A_419 = arith.constant 0 : i32
    %dma_wait3A_420 = tpu.memref_slice %arg13[%dma_wait3A_416, %dma_wait3A_419] : memref<4x128xi32, #tpu.memory_space<vmem>> -> memref<1x128xi32, #tpu.memory_space<vmem>>
    %dma_wait3A_421 = tpu.memref_squeeze %dma_wait3A_420 : memref<1x128xi32, #tpu.memory_space<vmem>> -> memref<128xi32, #tpu.memory_space<vmem>>
    %dma_wait3A_422 = arith.constant 0 : i32
    %dma_wait3A_423 = tpu.memref_slice %arg9[%dma_wait3A_422] : memref<1000000xf32, #tpu.memory_space<hbm>> -> memref<1000000xf32, #tpu.memory_space<hbm>>
    tpu.wait_indirect_dma semaphore(%arg26 : memref<!tpu.dma_semaphore, #tpu.memory_space<semaphore_mem>>) src(%dma_wait3A_423 : memref<1000000xf32, #tpu.memory_space<hbm>>) dst(%dma_wait3A_418 : memref<128xf32, #tpu.memory_space<vmem>>)
    %dma_wait3A_424 = arith.constant 3 : i32
    %dma_wait3A_425 = arith.constant 384 : i32
    %dma_wait3A_426 = arith.constant 0 : i32
    %dma_wait3A_427 = tpu.memref_slice %arg16[%dma_wait3A_425, %dma_wait3A_426] : memref<512x32xf32, #tpu.memory_space<vmem>> -> memref<128x32xf32, #tpu.memory_space<vmem>>
    %dma_wait3A_428 = arith.constant 0 : i32
    %dma_wait3A_429 = tpu.memref_slice %arg12[%dma_wait3A_424, %dma_wait3A_428] : memref<4x128xi32, #tpu.memory_space<vmem>> -> memref<1x128xi32, #tpu.memory_space<vmem>>
    %dma_wait3A_430 = tpu.memref_squeeze %dma_wait3A_429 : memref<1x128xi32, #tpu.memory_space<vmem>> -> memref<128xi32, #tpu.memory_space<vmem>>
    %dma_wait3A_431 = arith.constant 0 : i32
    %dma_wait3A_432 = arith.constant 0 : i32
    %dma_wait3A_433 = tpu.memref_slice %arg6[%dma_wait3A_431, %dma_wait3A_432] : memref<1000000x32xf32, #tpu.memory_space<hbm>> -> memref<1000000x32xf32, #tpu.memory_space<hbm>>
    tpu.wait_indirect_dma semaphore(%arg26 : memref<!tpu.dma_semaphore, #tpu.memory_space<semaphore_mem>>) src(%dma_wait3A_433 : memref<1000000x32xf32, #tpu.memory_space<hbm>>) dst(%dma_wait3A_427 : memref<128x32xf32, #tpu.memory_space<vmem>>)
    %dma_wait3A_434 = arith.constant 3 : i32
    %dma_wait3A_435 = arith.constant 384 : i32
    %dma_wait3A_436 = arith.constant 0 : i32
    %dma_wait3A_437 = tpu.memref_slice %arg17[%dma_wait3A_435, %dma_wait3A_436] : memref<512x32xf32, #tpu.memory_space<vmem>> -> memref<128x32xf32, #tpu.memory_space<vmem>>
    %dma_wait3A_438 = arith.constant 0 : i32
    %dma_wait3A_439 = tpu.memref_slice %arg13[%dma_wait3A_434, %dma_wait3A_438] : memref<4x128xi32, #tpu.memory_space<vmem>> -> memref<1x128xi32, #tpu.memory_space<vmem>>
    %dma_wait3A_440 = tpu.memref_squeeze %dma_wait3A_439 : memref<1x128xi32, #tpu.memory_space<vmem>> -> memref<128xi32, #tpu.memory_space<vmem>>
    %dma_wait3A_441 = arith.constant 0 : i32
    %dma_wait3A_442 = arith.constant 0 : i32
    %dma_wait3A_443 = tpu.memref_slice %arg7[%dma_wait3A_441, %dma_wait3A_442] : memref<1000000x32xf32, #tpu.memory_space<hbm>> -> memref<1000000x32xf32, #tpu.memory_space<hbm>>
    tpu.wait_indirect_dma semaphore(%arg26 : memref<!tpu.dma_semaphore, #tpu.memory_space<semaphore_mem>>) src(%dma_wait3A_443 : memref<1000000x32xf32, #tpu.memory_space<hbm>>) dst(%dma_wait3A_437 : memref<128x32xf32, #tpu.memory_space<vmem>>)
    %dma_wait3A_444 = arith.constant 3 : i32
    %dma_wait3A_445 = arith.constant 384 : i32
    %dma_wait3A_446 = tpu.memref_slice %arg20[%dma_wait3A_445] : memref<512xf32, #tpu.memory_space<vmem>> -> memref<128xf32, #tpu.memory_space<vmem>>
    %dma_wait3A_447 = arith.constant 0 : i32
    %dma_wait3A_448 = tpu.memref_slice %arg12[%dma_wait3A_444, %dma_wait3A_447] : memref<4x128xi32, #tpu.memory_space<vmem>> -> memref<1x128xi32, #tpu.memory_space<vmem>>
    %dma_wait3A_449 = tpu.memref_squeeze %dma_wait3A_448 : memref<1x128xi32, #tpu.memory_space<vmem>> -> memref<128xi32, #tpu.memory_space<vmem>>
    %dma_wait3A_450 = arith.constant 0 : i32
    %dma_wait3A_451 = tpu.memref_slice %arg8[%dma_wait3A_450] : memref<1000000xf32, #tpu.memory_space<hbm>> -> memref<1000000xf32, #tpu.memory_space<hbm>>
    tpu.wait_indirect_dma semaphore(%arg26 : memref<!tpu.dma_semaphore, #tpu.memory_space<semaphore_mem>>) src(%dma_wait3A_451 : memref<1000000xf32, #tpu.memory_space<hbm>>) dst(%dma_wait3A_446 : memref<128xf32, #tpu.memory_space<vmem>>)
    %dma_wait3A_452 = arith.constant 3 : i32
    %dma_wait3A_453 = arith.constant 384 : i32
    %dma_wait3A_454 = tpu.memref_slice %arg21[%dma_wait3A_453] : memref<512xf32, #tpu.memory_space<vmem>> -> memref<128xf32, #tpu.memory_space<vmem>>
    %dma_wait3A_455 = arith.constant 0 : i32
    %dma_wait3A_456 = tpu.memref_slice %arg13[%dma_wait3A_452, %dma_wait3A_455] : memref<4x128xi32, #tpu.memory_space<vmem>> -> memref<1x128xi32, #tpu.memory_space<vmem>>
    %dma_wait3A_457 = tpu.memref_squeeze %dma_wait3A_456 : memref<1x128xi32, #tpu.memory_space<vmem>> -> memref<128xi32, #tpu.memory_space<vmem>>
    %dma_wait3A_458 = arith.constant 0 : i32
    %dma_wait3A_459 = tpu.memref_slice %arg9[%dma_wait3A_458] : memref<1000000xf32, #tpu.memory_space<hbm>> -> memref<1000000xf32, #tpu.memory_space<hbm>>
    tpu.wait_indirect_dma semaphore(%arg26 : memref<!tpu.dma_semaphore, #tpu.memory_space<semaphore_mem>>) src(%dma_wait3A_459 : memref<1000000xf32, #tpu.memory_space<hbm>>) dst(%dma_wait3A_454 : memref<128xf32, #tpu.memory_space<vmem>>)
    %iota3A = tpu.iota {dimensions = array<i32: 0>} : vector<16xi32>
    %scan3A = arith.constant 0 : i32
    %scan3A_460 = arith.constant 0 : i32
    %scan3A_461 = arith.constant 32 : i32
    %scan3A_462 = arith.addi %scan3A_460, %scan3A_461 : i32
    %scan3A_463 = arith.constant 1 : i32
    scf.for %scan3A_616 = %scan3A_460 to %scan3A_462 step %scan3A_463  : i32 {
      %mul3A_617 = arith.constant 16 : i32
      %mul3A_618 = arith.muli %scan3A_616, %mul3A_617 : i32
      %multiple_of3A_619 = tpu.assume_multiple %mul3A_618, 16 : i32
      %add3A_620 = vector.broadcast %multiple_of3A_619 : i32 to vector<16xi32>
      %add3A_621 = arith.addi %add3A_620, %iota3A : vector<16xi32>
      %get3A = arith.index_cast %multiple_of3A_619 : i32 to index
      %get3A_622 = tpu.vector_load %arg20[%get3A] {strides = array<i32>} : memref<512xf32, #tpu.memory_space<vmem>>, vector<16xf32>,
      %get3A_623 = arith.index_cast %multiple_of3A_619 : i32 to index
      %get3A_624 = tpu.vector_load %arg21[%get3A_623] {strides = array<i32>} : memref<512xf32, #tpu.memory_space<vmem>>, vector<16xf32>,
      %add3A_625 = arith.addf %get3A_622, %get3A_624 : vector<16xf32>
      %add3A_626 = arith.constant 0 : i32
      %add3A_627 = vector.broadcast %add3A_626 : i32 to vector<16xi32>
      %add3A_628 = arith.addi %iota3A, %add3A_627 : vector<16xi32>
      %and3A = arith.constant 31 : i32
      %and3A_629 = vector.broadcast %and3A : i32 to vector<16xi32>
      %and3A_630 = arith.andi %add3A_628, %and3A_629 : vector<16xi32>
      %gather3A = tpu.vector_load_idx %arg16[%add3A_621, %and3A_630] : memref<512x32xf32, #tpu.memory_space<vmem>>[vector<16xi32>, vector<16xi32>], vector<16xf32>,
      %gather3A_631 = tpu.vector_load_idx %arg17[%add3A_621, %and3A_630] : memref<512x32xf32, #tpu.memory_space<vmem>>[vector<16xi32>, vector<16xi32>], vector<16xf32>,
      %mul3A_632 = arith.mulf %gather3A, %gather3A_631 : vector<16xf32>
      %add3A_633 = arith.addf %add3A_625, %mul3A_632 : vector<16xf32>
      %add3A_634 = arith.constant 1 : i32
      %add3A_635 = vector.broadcast %add3A_634 : i32 to vector<16xi32>
      %add3A_636 = arith.addi %iota3A, %add3A_635 : vector<16xi32>
      %and3A_637 = arith.constant 31 : i32
      %and3A_638 = vector.broadcast %and3A_637 : i32 to vector<16xi32>
      %and3A_639 = arith.andi %add3A_636, %and3A_638 : vector<16xi32>
      %gather3A_640 = tpu.vector_load_idx %arg16[%add3A_621, %and3A_639] : memref<512x32xf32, #tpu.memory_space<vmem>>[vector<16xi32>, vector<16xi32>], vector<16xf32>,
      %gather3A_641 = tpu.vector_load_idx %arg17[%add3A_621, %and3A_639] : memref<512x32xf32, #tpu.memory_space<vmem>>[vector<16xi32>, vector<16xi32>], vector<16xf32>,
      %mul3A_642 = arith.mulf %gather3A_640, %gather3A_641 : vector<16xf32>
      %add3A_643 = arith.addf %add3A_633, %mul3A_642 : vector<16xf32>
      %add3A_644 = arith.constant 2 : i32
      %add3A_645 = vector.broadcast %add3A_644 : i32 to vector<16xi32>
      %add3A_646 = arith.addi %iota3A, %add3A_645 : vector<16xi32>
      %and3A_647 = arith.constant 31 : i32
      %and3A_648 = vector.broadcast %and3A_647 : i32 to vector<16xi32>
      %and3A_649 = arith.andi %add3A_646, %and3A_648 : vector<16xi32>
      %gather3A_650 = tpu.vector_load_idx %arg16[%add3A_621, %and3A_649] : memref<512x32xf32, #tpu.memory_space<vmem>>[vector<16xi32>, vector<16xi32>], vector<16xf32>,
      %gather3A_651 = tpu.vector_load_idx %arg17[%add3A_621, %and3A_649] : memref<512x32xf32, #tpu.memory_space<vmem>>[vector<16xi32>, vector<16xi32>], vector<16xf32>,
      %mul3A_652 = arith.mulf %gather3A_650, %gather3A_651 : vector<16xf32>
      %add3A_653 = arith.addf %add3A_643, %mul3A_652 : vector<16xf32>
      %add3A_654 = arith.constant 3 : i32
      %add3A_655 = vector.broadcast %add3A_654 : i32 to vector<16xi32>
      %add3A_656 = arith.addi %iota3A, %add3A_655 : vector<16xi32>
      %and3A_657 = arith.constant 31 : i32
      %and3A_658 = vector.broadcast %and3A_657 : i32 to vector<16xi32>
      %and3A_659 = arith.andi %add3A_656, %and3A_658 : vector<16xi32>
      %gather3A_660 = tpu.vector_load_idx %arg16[%add3A_621, %and3A_659] : memref<512x32xf32, #tpu.memory_space<vmem>>[vector<16xi32>, vector<16xi32>], vector<16xf32>,
      %gather3A_661 = tpu.vector_load_idx %arg17[%add3A_621, %and3A_659] : memref<512x32xf32, #tpu.memory_space<vmem>>[vector<16xi32>, vector<16xi32>], vector<16xf32>,
      %mul3A_662 = arith.mulf %gather3A_660, %gather3A_661 : vector<16xf32>
      %add3A_663 = arith.addf %add3A_653, %mul3A_662 : vector<16xf32>
      %add3A_664 = arith.constant 4 : i32
      %add3A_665 = vector.broadcast %add3A_664 : i32 to vector<16xi32>
      %add3A_666 = arith.addi %iota3A, %add3A_665 : vector<16xi32>
      %and3A_667 = arith.constant 31 : i32
      %and3A_668 = vector.broadcast %and3A_667 : i32 to vector<16xi32>
      %and3A_669 = arith.andi %add3A_666, %and3A_668 : vector<16xi32>
      %gather3A_670 = tpu.vector_load_idx %arg16[%add3A_621, %and3A_669] : memref<512x32xf32, #tpu.memory_space<vmem>>[vector<16xi32>, vector<16xi32>], vector<16xf32>,
      %gather3A_671 = tpu.vector_load_idx %arg17[%add3A_621, %and3A_669] : memref<512x32xf32, #tpu.memory_space<vmem>>[vector<16xi32>, vector<16xi32>], vector<16xf32>,
      %mul3A_672 = arith.mulf %gather3A_670, %gather3A_671 : vector<16xf32>
      %add3A_673 = arith.addf %add3A_663, %mul3A_672 : vector<16xf32>
      %add3A_674 = arith.constant 5 : i32
      %add3A_675 = vector.broadcast %add3A_674 : i32 to vector<16xi32>
      %add3A_676 = arith.addi %iota3A, %add3A_675 : vector<16xi32>
      %and3A_677 = arith.constant 31 : i32
      %and3A_678 = vector.broadcast %and3A_677 : i32 to vector<16xi32>
      %and3A_679 = arith.andi %add3A_676, %and3A_678 : vector<16xi32>
      %gather3A_680 = tpu.vector_load_idx %arg16[%add3A_621, %and3A_679] : memref<512x32xf32, #tpu.memory_space<vmem>>[vector<16xi32>, vector<16xi32>], vector<16xf32>,
      %gather3A_681 = tpu.vector_load_idx %arg17[%add3A_621, %and3A_679] : memref<512x32xf32, #tpu.memory_space<vmem>>[vector<16xi32>, vector<16xi32>], vector<16xf32>,
      %mul3A_682 = arith.mulf %gather3A_680, %gather3A_681 : vector<16xf32>
      %add3A_683 = arith.addf %add3A_673, %mul3A_682 : vector<16xf32>
      %add3A_684 = arith.constant 6 : i32
      %add3A_685 = vector.broadcast %add3A_684 : i32 to vector<16xi32>
      %add3A_686 = arith.addi %iota3A, %add3A_685 : vector<16xi32>
      %and3A_687 = arith.constant 31 : i32
      %and3A_688 = vector.broadcast %and3A_687 : i32 to vector<16xi32>
      %and3A_689 = arith.andi %add3A_686, %and3A_688 : vector<16xi32>
      %gather3A_690 = tpu.vector_load_idx %arg16[%add3A_621, %and3A_689] : memref<512x32xf32, #tpu.memory_space<vmem>>[vector<16xi32>, vector<16xi32>], vector<16xf32>,
      %gather3A_691 = tpu.vector_load_idx %arg17[%add3A_621, %and3A_689] : memref<512x32xf32, #tpu.memory_space<vmem>>[vector<16xi32>, vector<16xi32>], vector<16xf32>,
      %mul3A_692 = arith.mulf %gather3A_690, %gather3A_691 : vector<16xf32>
      %add3A_693 = arith.addf %add3A_683, %mul3A_692 : vector<16xf32>
      %add3A_694 = arith.constant 7 : i32
      %add3A_695 = vector.broadcast %add3A_694 : i32 to vector<16xi32>
      %add3A_696 = arith.addi %iota3A, %add3A_695 : vector<16xi32>
      %and3A_697 = arith.constant 31 : i32
      %and3A_698 = vector.broadcast %and3A_697 : i32 to vector<16xi32>
      %and3A_699 = arith.andi %add3A_696, %and3A_698 : vector<16xi32>
      %gather3A_700 = tpu.vector_load_idx %arg16[%add3A_621, %and3A_699] : memref<512x32xf32, #tpu.memory_space<vmem>>[vector<16xi32>, vector<16xi32>], vector<16xf32>,
      %gather3A_701 = tpu.vector_load_idx %arg17[%add3A_621, %and3A_699] : memref<512x32xf32, #tpu.memory_space<vmem>>[vector<16xi32>, vector<16xi32>], vector<16xf32>,
      %mul3A_702 = arith.mulf %gather3A_700, %gather3A_701 : vector<16xf32>
      %add3A_703 = arith.addf %add3A_693, %mul3A_702 : vector<16xf32>
      %add3A_704 = arith.constant 8 : i32
      %add3A_705 = vector.broadcast %add3A_704 : i32 to vector<16xi32>
      %add3A_706 = arith.addi %iota3A, %add3A_705 : vector<16xi32>
      %and3A_707 = arith.constant 31 : i32
      %and3A_708 = vector.broadcast %and3A_707 : i32 to vector<16xi32>
      %and3A_709 = arith.andi %add3A_706, %and3A_708 : vector<16xi32>
      %gather3A_710 = tpu.vector_load_idx %arg16[%add3A_621, %and3A_709] : memref<512x32xf32, #tpu.memory_space<vmem>>[vector<16xi32>, vector<16xi32>], vector<16xf32>,
      %gather3A_711 = tpu.vector_load_idx %arg17[%add3A_621, %and3A_709] : memref<512x32xf32, #tpu.memory_space<vmem>>[vector<16xi32>, vector<16xi32>], vector<16xf32>,
      %mul3A_712 = arith.mulf %gather3A_710, %gather3A_711 : vector<16xf32>
      %add3A_713 = arith.addf %add3A_703, %mul3A_712 : vector<16xf32>
      %add3A_714 = arith.constant 9 : i32
      %add3A_715 = vector.broadcast %add3A_714 : i32 to vector<16xi32>
      %add3A_716 = arith.addi %iota3A, %add3A_715 : vector<16xi32>
      %and3A_717 = arith.constant 31 : i32
      %and3A_718 = vector.broadcast %and3A_717 : i32 to vector<16xi32>
      %and3A_719 = arith.andi %add3A_716, %and3A_718 : vector<16xi32>
      %gather3A_720 = tpu.vector_load_idx %arg16[%add3A_621, %and3A_719] : memref<512x32xf32, #tpu.memory_space<vmem>>[vector<16xi32>, vector<16xi32>], vector<16xf32>,
      %gather3A_721 = tpu.vector_load_idx %arg17[%add3A_621, %and3A_719] : memref<512x32xf32, #tpu.memory_space<vmem>>[vector<16xi32>, vector<16xi32>], vector<16xf32>,
      %mul3A_722 = arith.mulf %gather3A_720, %gather3A_721 : vector<16xf32>
      %add3A_723 = arith.addf %add3A_713, %mul3A_722 : vector<16xf32>
      %add3A_724 = arith.constant 10 : i32
      %add3A_725 = vector.broadcast %add3A_724 : i32 to vector<16xi32>
      %add3A_726 = arith.addi %iota3A, %add3A_725 : vector<16xi32>
      %and3A_727 = arith.constant 31 : i32
      %and3A_728 = vector.broadcast %and3A_727 : i32 to vector<16xi32>
      %and3A_729 = arith.andi %add3A_726, %and3A_728 : vector<16xi32>
      %gather3A_730 = tpu.vector_load_idx %arg16[%add3A_621, %and3A_729] : memref<512x32xf32, #tpu.memory_space<vmem>>[vector<16xi32>, vector<16xi32>], vector<16xf32>,
      %gather3A_731 = tpu.vector_load_idx %arg17[%add3A_621, %and3A_729] : memref<512x32xf32, #tpu.memory_space<vmem>>[vector<16xi32>, vector<16xi32>], vector<16xf32>,
      %mul3A_732 = arith.mulf %gather3A_730, %gather3A_731 : vector<16xf32>
      %add3A_733 = arith.addf %add3A_723, %mul3A_732 : vector<16xf32>
      %add3A_734 = arith.constant 11 : i32
      %add3A_735 = vector.broadcast %add3A_734 : i32 to vector<16xi32>
      %add3A_736 = arith.addi %iota3A, %add3A_735 : vector<16xi32>
      %and3A_737 = arith.constant 31 : i32
      %and3A_738 = vector.broadcast %and3A_737 : i32 to vector<16xi32>
      %and3A_739 = arith.andi %add3A_736, %and3A_738 : vector<16xi32>
      %gather3A_740 = tpu.vector_load_idx %arg16[%add3A_621, %and3A_739] : memref<512x32xf32, #tpu.memory_space<vmem>>[vector<16xi32>, vector<16xi32>], vector<16xf32>,
      %gather3A_741 = tpu.vector_load_idx %arg17[%add3A_621, %and3A_739] : memref<512x32xf32, #tpu.memory_space<vmem>>[vector<16xi32>, vector<16xi32>], vector<16xf32>,
      %mul3A_742 = arith.mulf %gather3A_740, %gather3A_741 : vector<16xf32>
      %add3A_743 = arith.addf %add3A_733, %mul3A_742 : vector<16xf32>
      %add3A_744 = arith.constant 12 : i32
      %add3A_745 = vector.broadcast %add3A_744 : i32 to vector<16xi32>
      %add3A_746 = arith.addi %iota3A, %add3A_745 : vector<16xi32>
      %and3A_747 = arith.constant 31 : i32
      %and3A_748 = vector.broadcast %and3A_747 : i32 to vector<16xi32>
      %and3A_749 = arith.andi %add3A_746, %and3A_748 : vector<16xi32>
      %gather3A_750 = tpu.vector_load_idx %arg16[%add3A_621, %and3A_749] : memref<512x32xf32, #tpu.memory_space<vmem>>[vector<16xi32>, vector<16xi32>], vector<16xf32>,
      %gather3A_751 = tpu.vector_load_idx %arg17[%add3A_621, %and3A_749] : memref<512x32xf32, #tpu.memory_space<vmem>>[vector<16xi32>, vector<16xi32>], vector<16xf32>,
      %mul3A_752 = arith.mulf %gather3A_750, %gather3A_751 : vector<16xf32>
      %add3A_753 = arith.addf %add3A_743, %mul3A_752 : vector<16xf32>
      %add3A_754 = arith.constant 13 : i32
      %add3A_755 = vector.broadcast %add3A_754 : i32 to vector<16xi32>
      %add3A_756 = arith.addi %iota3A, %add3A_755 : vector<16xi32>
      %and3A_757 = arith.constant 31 : i32
      %and3A_758 = vector.broadcast %and3A_757 : i32 to vector<16xi32>
      %and3A_759 = arith.andi %add3A_756, %and3A_758 : vector<16xi32>
      %gather3A_760 = tpu.vector_load_idx %arg16[%add3A_621, %and3A_759] : memref<512x32xf32, #tpu.memory_space<vmem>>[vector<16xi32>, vector<16xi32>], vector<16xf32>,
      %gather3A_761 = tpu.vector_load_idx %arg17[%add3A_621, %and3A_759] : memref<512x32xf32, #tpu.memory_space<vmem>>[vector<16xi32>, vector<16xi32>], vector<16xf32>,
      %mul3A_762 = arith.mulf %gather3A_760, %gather3A_761 : vector<16xf32>
      %add3A_763 = arith.addf %add3A_753, %mul3A_762 : vector<16xf32>
      %add3A_764 = arith.constant 14 : i32
      %add3A_765 = vector.broadcast %add3A_764 : i32 to vector<16xi32>
      %add3A_766 = arith.addi %iota3A, %add3A_765 : vector<16xi32>
      %and3A_767 = arith.constant 31 : i32
      %and3A_768 = vector.broadcast %and3A_767 : i32 to vector<16xi32>
      %and3A_769 = arith.andi %add3A_766, %and3A_768 : vector<16xi32>
      %gather3A_770 = tpu.vector_load_idx %arg16[%add3A_621, %and3A_769] : memref<512x32xf32, #tpu.memory_space<vmem>>[vector<16xi32>, vector<16xi32>], vector<16xf32>,
      %gather3A_771 = tpu.vector_load_idx %arg17[%add3A_621, %and3A_769] : memref<512x32xf32, #tpu.memory_space<vmem>>[vector<16xi32>, vector<16xi32>], vector<16xf32>,
      %mul3A_772 = arith.mulf %gather3A_770, %gather3A_771 : vector<16xf32>
      %add3A_773 = arith.addf %add3A_763, %mul3A_772 : vector<16xf32>
      %add3A_774 = arith.constant 15 : i32
      %add3A_775 = vector.broadcast %add3A_774 : i32 to vector<16xi32>
      %add3A_776 = arith.addi %iota3A, %add3A_775 : vector<16xi32>
      %and3A_777 = arith.constant 31 : i32
      %and3A_778 = vector.broadcast %and3A_777 : i32 to vector<16xi32>
      %and3A_779 = arith.andi %add3A_776, %and3A_778 : vector<16xi32>
      %gather3A_780 = tpu.vector_load_idx %arg16[%add3A_621, %and3A_779] : memref<512x32xf32, #tpu.memory_space<vmem>>[vector<16xi32>, vector<16xi32>], vector<16xf32>,
      %gather3A_781 = tpu.vector_load_idx %arg17[%add3A_621, %and3A_779] : memref<512x32xf32, #tpu.memory_space<vmem>>[vector<16xi32>, vector<16xi32>], vector<16xf32>,
      %mul3A_782 = arith.mulf %gather3A_780, %gather3A_781 : vector<16xf32>
      %add3A_783 = arith.addf %add3A_773, %mul3A_782 : vector<16xf32>
      %add3A_784 = arith.constant 16 : i32
      %add3A_785 = vector.broadcast %add3A_784 : i32 to vector<16xi32>
      %add3A_786 = arith.addi %iota3A, %add3A_785 : vector<16xi32>
      %and3A_787 = arith.constant 31 : i32
      %and3A_788 = vector.broadcast %and3A_787 : i32 to vector<16xi32>
      %and3A_789 = arith.andi %add3A_786, %and3A_788 : vector<16xi32>
      %gather3A_790 = tpu.vector_load_idx %arg16[%add3A_621, %and3A_789] : memref<512x32xf32, #tpu.memory_space<vmem>>[vector<16xi32>, vector<16xi32>], vector<16xf32>,
      %gather3A_791 = tpu.vector_load_idx %arg17[%add3A_621, %and3A_789] : memref<512x32xf32, #tpu.memory_space<vmem>>[vector<16xi32>, vector<16xi32>], vector<16xf32>,
      %mul3A_792 = arith.mulf %gather3A_790, %gather3A_791 : vector<16xf32>
      %add3A_793 = arith.addf %add3A_783, %mul3A_792 : vector<16xf32>
      %add3A_794 = arith.constant 17 : i32
      %add3A_795 = vector.broadcast %add3A_794 : i32 to vector<16xi32>
      %add3A_796 = arith.addi %iota3A, %add3A_795 : vector<16xi32>
      %and3A_797 = arith.constant 31 : i32
      %and3A_798 = vector.broadcast %and3A_797 : i32 to vector<16xi32>
      %and3A_799 = arith.andi %add3A_796, %and3A_798 : vector<16xi32>
      %gather3A_800 = tpu.vector_load_idx %arg16[%add3A_621, %and3A_799] : memref<512x32xf32, #tpu.memory_space<vmem>>[vector<16xi32>, vector<16xi32>], vector<16xf32>,
      %gather3A_801 = tpu.vector_load_idx %arg17[%add3A_621, %and3A_799] : memref<512x32xf32, #tpu.memory_space<vmem>>[vector<16xi32>, vector<16xi32>], vector<16xf32>,
      %mul3A_802 = arith.mulf %gather3A_800, %gather3A_801 : vector<16xf32>
      %add3A_803 = arith.addf %add3A_793, %mul3A_802 : vector<16xf32>
      %add3A_804 = arith.constant 18 : i32
      %add3A_805 = vector.broadcast %add3A_804 : i32 to vector<16xi32>
      %add3A_806 = arith.addi %iota3A, %add3A_805 : vector<16xi32>
      %and3A_807 = arith.constant 31 : i32
      %and3A_808 = vector.broadcast %and3A_807 : i32 to vector<16xi32>
      %and3A_809 = arith.andi %add3A_806, %and3A_808 : vector<16xi32>
      %gather3A_810 = tpu.vector_load_idx %arg16[%add3A_621, %and3A_809] : memref<512x32xf32, #tpu.memory_space<vmem>>[vector<16xi32>, vector<16xi32>], vector<16xf32>,
      %gather3A_811 = tpu.vector_load_idx %arg17[%add3A_621, %and3A_809] : memref<512x32xf32, #tpu.memory_space<vmem>>[vector<16xi32>, vector<16xi32>], vector<16xf32>,
      %mul3A_812 = arith.mulf %gather3A_810, %gather3A_811 : vector<16xf32>
      %add3A_813 = arith.addf %add3A_803, %mul3A_812 : vector<16xf32>
      %add3A_814 = arith.constant 19 : i32
      %add3A_815 = vector.broadcast %add3A_814 : i32 to vector<16xi32>
      %add3A_816 = arith.addi %iota3A, %add3A_815 : vector<16xi32>
      %and3A_817 = arith.constant 31 : i32
      %and3A_818 = vector.broadcast %and3A_817 : i32 to vector<16xi32>
      %and3A_819 = arith.andi %add3A_816, %and3A_818 : vector<16xi32>
      %gather3A_820 = tpu.vector_load_idx %arg16[%add3A_621, %and3A_819] : memref<512x32xf32, #tpu.memory_space<vmem>>[vector<16xi32>, vector<16xi32>], vector<16xf32>,
      %gather3A_821 = tpu.vector_load_idx %arg17[%add3A_621, %and3A_819] : memref<512x32xf32, #tpu.memory_space<vmem>>[vector<16xi32>, vector<16xi32>], vector<16xf32>,
      %mul3A_822 = arith.mulf %gather3A_820, %gather3A_821 : vector<16xf32>
      %add3A_823 = arith.addf %add3A_813, %mul3A_822 : vector<16xf32>
      %add3A_824 = arith.constant 20 : i32
      %add3A_825 = vector.broadcast %add3A_824 : i32 to vector<16xi32>
      %add3A_826 = arith.addi %iota3A, %add3A_825 : vector<16xi32>
      %and3A_827 = arith.constant 31 : i32
      %and3A_828 = vector.broadcast %and3A_827 : i32 to vector<16xi32>
      %and3A_829 = arith.andi %add3A_826, %and3A_828 : vector<16xi32>
      %gather3A_830 = tpu.vector_load_idx %arg16[%add3A_621, %and3A_829] : memref<512x32xf32, #tpu.memory_space<vmem>>[vector<16xi32>, vector<16xi32>], vector<16xf32>,
      %gather3A_831 = tpu.vector_load_idx %arg17[%add3A_621, %and3A_829] : memref<512x32xf32, #tpu.memory_space<vmem>>[vector<16xi32>, vector<16xi32>], vector<16xf32>,
      %mul3A_832 = arith.mulf %gather3A_830, %gather3A_831 : vector<16xf32>
      %add3A_833 = arith.addf %add3A_823, %mul3A_832 : vector<16xf32>
      %add3A_834 = arith.constant 21 : i32
      %add3A_835 = vector.broadcast %add3A_834 : i32 to vector<16xi32>
      %add3A_836 = arith.addi %iota3A, %add3A_835 : vector<16xi32>
      %and3A_837 = arith.constant 31 : i32
      %and3A_838 = vector.broadcast %and3A_837 : i32 to vector<16xi32>
      %and3A_839 = arith.andi %add3A_836, %and3A_838 : vector<16xi32>
      %gather3A_840 = tpu.vector_load_idx %arg16[%add3A_621, %and3A_839] : memref<512x32xf32, #tpu.memory_space<vmem>>[vector<16xi32>, vector<16xi32>], vector<16xf32>,
      %gather3A_841 = tpu.vector_load_idx %arg17[%add3A_621, %and3A_839] : memref<512x32xf32, #tpu.memory_space<vmem>>[vector<16xi32>, vector<16xi32>], vector<16xf32>,
      %mul3A_842 = arith.mulf %gather3A_840, %gather3A_841 : vector<16xf32>
      %add3A_843 = arith.addf %add3A_833, %mul3A_842 : vector<16xf32>
      %add3A_844 = arith.constant 22 : i32
      %add3A_845 = vector.broadcast %add3A_844 : i32 to vector<16xi32>
      %add3A_846 = arith.addi %iota3A, %add3A_845 : vector<16xi32>
      %and3A_847 = arith.constant 31 : i32
      %and3A_848 = vector.broadcast %and3A_847 : i32 to vector<16xi32>
      %and3A_849 = arith.andi %add3A_846, %and3A_848 : vector<16xi32>
      %gather3A_850 = tpu.vector_load_idx %arg16[%add3A_621, %and3A_849] : memref<512x32xf32, #tpu.memory_space<vmem>>[vector<16xi32>, vector<16xi32>], vector<16xf32>,
      %gather3A_851 = tpu.vector_load_idx %arg17[%add3A_621, %and3A_849] : memref<512x32xf32, #tpu.memory_space<vmem>>[vector<16xi32>, vector<16xi32>], vector<16xf32>,
      %mul3A_852 = arith.mulf %gather3A_850, %gather3A_851 : vector<16xf32>
      %add3A_853 = arith.addf %add3A_843, %mul3A_852 : vector<16xf32>
      %add3A_854 = arith.constant 23 : i32
      %add3A_855 = vector.broadcast %add3A_854 : i32 to vector<16xi32>
      %add3A_856 = arith.addi %iota3A, %add3A_855 : vector<16xi32>
      %and3A_857 = arith.constant 31 : i32
      %and3A_858 = vector.broadcast %and3A_857 : i32 to vector<16xi32>
      %and3A_859 = arith.andi %add3A_856, %and3A_858 : vector<16xi32>
      %gather3A_860 = tpu.vector_load_idx %arg16[%add3A_621, %and3A_859] : memref<512x32xf32, #tpu.memory_space<vmem>>[vector<16xi32>, vector<16xi32>], vector<16xf32>,
      %gather3A_861 = tpu.vector_load_idx %arg17[%add3A_621, %and3A_859] : memref<512x32xf32, #tpu.memory_space<vmem>>[vector<16xi32>, vector<16xi32>], vector<16xf32>,
      %mul3A_862 = arith.mulf %gather3A_860, %gather3A_861 : vector<16xf32>
      %add3A_863 = arith.addf %add3A_853, %mul3A_862 : vector<16xf32>
      %add3A_864 = arith.constant 24 : i32
      %add3A_865 = vector.broadcast %add3A_864 : i32 to vector<16xi32>
      %add3A_866 = arith.addi %iota3A, %add3A_865 : vector<16xi32>
      %and3A_867 = arith.constant 31 : i32
      %and3A_868 = vector.broadcast %and3A_867 : i32 to vector<16xi32>
      %and3A_869 = arith.andi %add3A_866, %and3A_868 : vector<16xi32>
      %gather3A_870 = tpu.vector_load_idx %arg16[%add3A_621, %and3A_869] : memref<512x32xf32, #tpu.memory_space<vmem>>[vector<16xi32>, vector<16xi32>], vector<16xf32>,
      %gather3A_871 = tpu.vector_load_idx %arg17[%add3A_621, %and3A_869] : memref<512x32xf32, #tpu.memory_space<vmem>>[vector<16xi32>, vector<16xi32>], vector<16xf32>,
      %mul3A_872 = arith.mulf %gather3A_870, %gather3A_871 : vector<16xf32>
      %add3A_873 = arith.addf %add3A_863, %mul3A_872 : vector<16xf32>
      %add3A_874 = arith.constant 25 : i32
      %add3A_875 = vector.broadcast %add3A_874 : i32 to vector<16xi32>
      %add3A_876 = arith.addi %iota3A, %add3A_875 : vector<16xi32>
      %and3A_877 = arith.constant 31 : i32
      %and3A_878 = vector.broadcast %and3A_877 : i32 to vector<16xi32>
      %and3A_879 = arith.andi %add3A_876, %and3A_878 : vector<16xi32>
      %gather3A_880 = tpu.vector_load_idx %arg16[%add3A_621, %and3A_879] : memref<512x32xf32, #tpu.memory_space<vmem>>[vector<16xi32>, vector<16xi32>], vector<16xf32>,
      %gather3A_881 = tpu.vector_load_idx %arg17[%add3A_621, %and3A_879] : memref<512x32xf32, #tpu.memory_space<vmem>>[vector<16xi32>, vector<16xi32>], vector<16xf32>,
      %mul3A_882 = arith.mulf %gather3A_880, %gather3A_881 : vector<16xf32>
      %add3A_883 = arith.addf %add3A_873, %mul3A_882 : vector<16xf32>
      %add3A_884 = arith.constant 26 : i32
      %add3A_885 = vector.broadcast %add3A_884 : i32 to vector<16xi32>
      %add3A_886 = arith.addi %iota3A, %add3A_885 : vector<16xi32>
      %and3A_887 = arith.constant 31 : i32
      %and3A_888 = vector.broadcast %and3A_887 : i32 to vector<16xi32>
      %and3A_889 = arith.andi %add3A_886, %and3A_888 : vector<16xi32>
      %gather3A_890 = tpu.vector_load_idx %arg16[%add3A_621, %and3A_889] : memref<512x32xf32, #tpu.memory_space<vmem>>[vector<16xi32>, vector<16xi32>], vector<16xf32>,
      %gather3A_891 = tpu.vector_load_idx %arg17[%add3A_621, %and3A_889] : memref<512x32xf32, #tpu.memory_space<vmem>>[vector<16xi32>, vector<16xi32>], vector<16xf32>,
      %mul3A_892 = arith.mulf %gather3A_890, %gather3A_891 : vector<16xf32>
      %add3A_893 = arith.addf %add3A_883, %mul3A_892 : vector<16xf32>
      %add3A_894 = arith.constant 27 : i32
      %add3A_895 = vector.broadcast %add3A_894 : i32 to vector<16xi32>
      %add3A_896 = arith.addi %iota3A, %add3A_895 : vector<16xi32>
      %and3A_897 = arith.constant 31 : i32
      %and3A_898 = vector.broadcast %and3A_897 : i32 to vector<16xi32>
      %and3A_899 = arith.andi %add3A_896, %and3A_898 : vector<16xi32>
      %gather3A_900 = tpu.vector_load_idx %arg16[%add3A_621, %and3A_899] : memref<512x32xf32, #tpu.memory_space<vmem>>[vector<16xi32>, vector<16xi32>], vector<16xf32>,
      %gather3A_901 = tpu.vector_load_idx %arg17[%add3A_621, %and3A_899] : memref<512x32xf32, #tpu.memory_space<vmem>>[vector<16xi32>, vector<16xi32>], vector<16xf32>,
      %mul3A_902 = arith.mulf %gather3A_900, %gather3A_901 : vector<16xf32>
      %add3A_903 = arith.addf %add3A_893, %mul3A_902 : vector<16xf32>
      %add3A_904 = arith.constant 28 : i32
      %add3A_905 = vector.broadcast %add3A_904 : i32 to vector<16xi32>
      %add3A_906 = arith.addi %iota3A, %add3A_905 : vector<16xi32>
      %and3A_907 = arith.constant 31 : i32
      %and3A_908 = vector.broadcast %and3A_907 : i32 to vector<16xi32>
      %and3A_909 = arith.andi %add3A_906, %and3A_908 : vector<16xi32>
      %gather3A_910 = tpu.vector_load_idx %arg16[%add3A_621, %and3A_909] : memref<512x32xf32, #tpu.memory_space<vmem>>[vector<16xi32>, vector<16xi32>], vector<16xf32>,
      %gather3A_911 = tpu.vector_load_idx %arg17[%add3A_621, %and3A_909] : memref<512x32xf32, #tpu.memory_space<vmem>>[vector<16xi32>, vector<16xi32>], vector<16xf32>,
      %mul3A_912 = arith.mulf %gather3A_910, %gather3A_911 : vector<16xf32>
      %add3A_913 = arith.addf %add3A_903, %mul3A_912 : vector<16xf32>
      %add3A_914 = arith.constant 29 : i32
      %add3A_915 = vector.broadcast %add3A_914 : i32 to vector<16xi32>
      %add3A_916 = arith.addi %iota3A, %add3A_915 : vector<16xi32>
      %and3A_917 = arith.constant 31 : i32
      %and3A_918 = vector.broadcast %and3A_917 : i32 to vector<16xi32>
      %and3A_919 = arith.andi %add3A_916, %and3A_918 : vector<16xi32>
      %gather3A_920 = tpu.vector_load_idx %arg16[%add3A_621, %and3A_919] : memref<512x32xf32, #tpu.memory_space<vmem>>[vector<16xi32>, vector<16xi32>], vector<16xf32>,
      %gather3A_921 = tpu.vector_load_idx %arg17[%add3A_621, %and3A_919] : memref<512x32xf32, #tpu.memory_space<vmem>>[vector<16xi32>, vector<16xi32>], vector<16xf32>,
      %mul3A_922 = arith.mulf %gather3A_920, %gather3A_921 : vector<16xf32>
      %add3A_923 = arith.addf %add3A_913, %mul3A_922 : vector<16xf32>
      %add3A_924 = arith.constant 30 : i32
      %add3A_925 = vector.broadcast %add3A_924 : i32 to vector<16xi32>
      %add3A_926 = arith.addi %iota3A, %add3A_925 : vector<16xi32>
      %and3A_927 = arith.constant 31 : i32
      %and3A_928 = vector.broadcast %and3A_927 : i32 to vector<16xi32>
      %and3A_929 = arith.andi %add3A_926, %and3A_928 : vector<16xi32>
      %gather3A_930 = tpu.vector_load_idx %arg16[%add3A_621, %and3A_929] : memref<512x32xf32, #tpu.memory_space<vmem>>[vector<16xi32>, vector<16xi32>], vector<16xf32>,
      %gather3A_931 = tpu.vector_load_idx %arg17[%add3A_621, %and3A_929] : memref<512x32xf32, #tpu.memory_space<vmem>>[vector<16xi32>, vector<16xi32>], vector<16xf32>,
      %mul3A_932 = arith.mulf %gather3A_930, %gather3A_931 : vector<16xf32>
      %add3A_933 = arith.addf %add3A_923, %mul3A_932 : vector<16xf32>
      %add3A_934 = arith.constant 31 : i32
      %add3A_935 = vector.broadcast %add3A_934 : i32 to vector<16xi32>
      %add3A_936 = arith.addi %iota3A, %add3A_935 : vector<16xi32>
      %and3A_937 = arith.constant 31 : i32
      %and3A_938 = vector.broadcast %and3A_937 : i32 to vector<16xi32>
      %and3A_939 = arith.andi %add3A_936, %and3A_938 : vector<16xi32>
      %gather3A_940 = tpu.vector_load_idx %arg16[%add3A_621, %and3A_939] : memref<512x32xf32, #tpu.memory_space<vmem>>[vector<16xi32>, vector<16xi32>], vector<16xf32>,
      %gather3A_941 = tpu.vector_load_idx %arg17[%add3A_621, %and3A_939] : memref<512x32xf32, #tpu.memory_space<vmem>>[vector<16xi32>, vector<16xi32>], vector<16xf32>,
      %mul3A_942 = arith.mulf %gather3A_940, %gather3A_941 : vector<16xf32>
      %add3A_943 = arith.addf %add3A_933, %mul3A_942 : vector<16xf32>
      %swap3A = arith.index_cast %multiple_of3A_619 : i32 to index
      %swap3A_944 = tpu.vector_load %arg24[%swap3A] {strides = array<i32>} : memref<512xf32, #tpu.memory_space<vmem>>, vector<16xf32>,
      tpu.vector_store %arg24[%swap3A], %add3A_943 {strides = array<i32>} : memref<512xf32, #tpu.memory_space<vmem>>, vector<16xf32>,
    }
    %scan3A_464 = arith.constant 32 : i32
    %dma_wait3A_465 = arith.constant 0 : i32
    %dma_wait3A_466 = arith.constant 0 : i32
    %dma_wait3A_467 = arith.constant 0 : i32
    %dma_wait3A_468 = tpu.memref_slice %arg18[%dma_wait3A_466, %dma_wait3A_467] : memref<512x32xf32, #tpu.memory_space<vmem>> -> memref<128x32xf32, #tpu.memory_space<vmem>>
    %dma_wait3A_469 = arith.constant 0 : i32
    %dma_wait3A_470 = tpu.memref_slice %arg14[%dma_wait3A_465, %dma_wait3A_469] : memref<4x128xi32, #tpu.memory_space<vmem>> -> memref<1x128xi32, #tpu.memory_space<vmem>>
    %dma_wait3A_471 = tpu.memref_squeeze %dma_wait3A_470 : memref<1x128xi32, #tpu.memory_space<vmem>> -> memref<128xi32, #tpu.memory_space<vmem>>
    %dma_wait3A_472 = arith.constant 0 : i32
    %dma_wait3A_473 = arith.constant 0 : i32
    %dma_wait3A_474 = tpu.memref_slice %arg6[%dma_wait3A_472, %dma_wait3A_473] : memref<1000000x32xf32, #tpu.memory_space<hbm>> -> memref<1000000x32xf32, #tpu.memory_space<hbm>>
    tpu.wait_indirect_dma semaphore(%arg27 : memref<!tpu.dma_semaphore, #tpu.memory_space<semaphore_mem>>) src(%dma_wait3A_474 : memref<1000000x32xf32, #tpu.memory_space<hbm>>) dst(%dma_wait3A_468 : memref<128x32xf32, #tpu.memory_space<vmem>>)
    %dma_wait3A_475 = arith.constant 0 : i32
    %dma_wait3A_476 = arith.constant 0 : i32
    %dma_wait3A_477 = arith.constant 0 : i32
    %dma_wait3A_478 = tpu.memref_slice %arg19[%dma_wait3A_476, %dma_wait3A_477] : memref<512x32xf32, #tpu.memory_space<vmem>> -> memref<128x32xf32, #tpu.memory_space<vmem>>
    %dma_wait3A_479 = arith.constant 0 : i32
    %dma_wait3A_480 = tpu.memref_slice %arg15[%dma_wait3A_475, %dma_wait3A_479] : memref<4x128xi32, #tpu.memory_space<vmem>> -> memref<1x128xi32, #tpu.memory_space<vmem>>
    %dma_wait3A_481 = tpu.memref_squeeze %dma_wait3A_480 : memref<1x128xi32, #tpu.memory_space<vmem>> -> memref<128xi32, #tpu.memory_space<vmem>>
    %dma_wait3A_482 = arith.constant 0 : i32
    %dma_wait3A_483 = arith.constant 0 : i32
    %dma_wait3A_484 = tpu.memref_slice %arg7[%dma_wait3A_482, %dma_wait3A_483] : memref<1000000x32xf32, #tpu.memory_space<hbm>> -> memref<1000000x32xf32, #tpu.memory_space<hbm>>
    tpu.wait_indirect_dma semaphore(%arg27 : memref<!tpu.dma_semaphore, #tpu.memory_space<semaphore_mem>>) src(%dma_wait3A_484 : memref<1000000x32xf32, #tpu.memory_space<hbm>>) dst(%dma_wait3A_478 : memref<128x32xf32, #tpu.memory_space<vmem>>)
    %dma_wait3A_485 = arith.constant 0 : i32
    %dma_wait3A_486 = arith.constant 0 : i32
    %dma_wait3A_487 = tpu.memref_slice %arg22[%dma_wait3A_486] : memref<512xf32, #tpu.memory_space<vmem>> -> memref<128xf32, #tpu.memory_space<vmem>>
    %dma_wait3A_488 = arith.constant 0 : i32
    %dma_wait3A_489 = tpu.memref_slice %arg14[%dma_wait3A_485, %dma_wait3A_488] : memref<4x128xi32, #tpu.memory_space<vmem>> -> memref<1x128xi32, #tpu.memory_space<vmem>>
    %dma_wait3A_490 = tpu.memref_squeeze %dma_wait3A_489 : memref<1x128xi32, #tpu.memory_space<vmem>> -> memref<128xi32, #tpu.memory_space<vmem>>
    %dma_wait3A_491 = arith.constant 0 : i32
    %dma_wait3A_492 = tpu.memref_slice %arg8[%dma_wait3A_491] : memref<1000000xf32, #tpu.memory_space<hbm>> -> memref<1000000xf32, #tpu.memory_space<hbm>>
    tpu.wait_indirect_dma semaphore(%arg27 : memref<!tpu.dma_semaphore, #tpu.memory_space<semaphore_mem>>) src(%dma_wait3A_492 : memref<1000000xf32, #tpu.memory_space<hbm>>) dst(%dma_wait3A_487 : memref<128xf32, #tpu.memory_space<vmem>>)
    %dma_wait3A_493 = arith.constant 0 : i32
    %dma_wait3A_494 = arith.constant 0 : i32
    %dma_wait3A_495 = tpu.memref_slice %arg23[%dma_wait3A_494] : memref<512xf32, #tpu.memory_space<vmem>> -> memref<128xf32, #tpu.memory_space<vmem>>
    %dma_wait3A_496 = arith.constant 0 : i32
    %dma_wait3A_497 = tpu.memref_slice %arg15[%dma_wait3A_493, %dma_wait3A_496] : memref<4x128xi32, #tpu.memory_space<vmem>> -> memref<1x128xi32, #tpu.memory_space<vmem>>
    %dma_wait3A_498 = tpu.memref_squeeze %dma_wait3A_497 : memref<1x128xi32, #tpu.memory_space<vmem>> -> memref<128xi32, #tpu.memory_space<vmem>>
    %dma_wait3A_499 = arith.constant 0 : i32
    %dma_wait3A_500 = tpu.memref_slice %arg9[%dma_wait3A_499] : memref<1000000xf32, #tpu.memory_space<hbm>> -> memref<1000000xf32, #tpu.memory_space<hbm>>
    tpu.wait_indirect_dma semaphore(%arg27 : memref<!tpu.dma_semaphore, #tpu.memory_space<semaphore_mem>>) src(%dma_wait3A_500 : memref<1000000xf32, #tpu.memory_space<hbm>>) dst(%dma_wait3A_495 : memref<128xf32, #tpu.memory_space<vmem>>)
    %dma_wait3A_501 = arith.constant 1 : i32
    %dma_wait3A_502 = arith.constant 128 : i32
    %dma_wait3A_503 = arith.constant 0 : i32
    %dma_wait3A_504 = tpu.memref_slice %arg18[%dma_wait3A_502, %dma_wait3A_503] : memref<512x32xf32, #tpu.memory_space<vmem>> -> memref<128x32xf32, #tpu.memory_space<vmem>>
    %dma_wait3A_505 = arith.constant 0 : i32
    %dma_wait3A_506 = tpu.memref_slice %arg14[%dma_wait3A_501, %dma_wait3A_505] : memref<4x128xi32, #tpu.memory_space<vmem>> -> memref<1x128xi32, #tpu.memory_space<vmem>>
    %dma_wait3A_507 = tpu.memref_squeeze %dma_wait3A_506 : memref<1x128xi32, #tpu.memory_space<vmem>> -> memref<128xi32, #tpu.memory_space<vmem>>
    %dma_wait3A_508 = arith.constant 0 : i32
    %dma_wait3A_509 = arith.constant 0 : i32
    %dma_wait3A_510 = tpu.memref_slice %arg6[%dma_wait3A_508, %dma_wait3A_509] : memref<1000000x32xf32, #tpu.memory_space<hbm>> -> memref<1000000x32xf32, #tpu.memory_space<hbm>>
    tpu.wait_indirect_dma semaphore(%arg27 : memref<!tpu.dma_semaphore, #tpu.memory_space<semaphore_mem>>) src(%dma_wait3A_510 : memref<1000000x32xf32, #tpu.memory_space<hbm>>) dst(%dma_wait3A_504 : memref<128x32xf32, #tpu.memory_space<vmem>>)
    %dma_wait3A_511 = arith.constant 1 : i32
    %dma_wait3A_512 = arith.constant 128 : i32
    %dma_wait3A_513 = arith.constant 0 : i32
    %dma_wait3A_514 = tpu.memref_slice %arg19[%dma_wait3A_512, %dma_wait3A_513] : memref<512x32xf32, #tpu.memory_space<vmem>> -> memref<128x32xf32, #tpu.memory_space<vmem>>
    %dma_wait3A_515 = arith.constant 0 : i32
    %dma_wait3A_516 = tpu.memref_slice %arg15[%dma_wait3A_511, %dma_wait3A_515] : memref<4x128xi32, #tpu.memory_space<vmem>> -> memref<1x128xi32, #tpu.memory_space<vmem>>
    %dma_wait3A_517 = tpu.memref_squeeze %dma_wait3A_516 : memref<1x128xi32, #tpu.memory_space<vmem>> -> memref<128xi32, #tpu.memory_space<vmem>>
    %dma_wait3A_518 = arith.constant 0 : i32
    %dma_wait3A_519 = arith.constant 0 : i32
    %dma_wait3A_520 = tpu.memref_slice %arg7[%dma_wait3A_518, %dma_wait3A_519] : memref<1000000x32xf32, #tpu.memory_space<hbm>> -> memref<1000000x32xf32, #tpu.memory_space<hbm>>
    tpu.wait_indirect_dma semaphore(%arg27 : memref<!tpu.dma_semaphore, #tpu.memory_space<semaphore_mem>>) src(%dma_wait3A_520 : memref<1000000x32xf32, #tpu.memory_space<hbm>>) dst(%dma_wait3A_514 : memref<128x32xf32, #tpu.memory_space<vmem>>)
    %dma_wait3A_521 = arith.constant 1 : i32
    %dma_wait3A_522 = arith.constant 128 : i32
    %dma_wait3A_523 = tpu.memref_slice %arg22[%dma_wait3A_522] : memref<512xf32, #tpu.memory_space<vmem>> -> memref<128xf32, #tpu.memory_space<vmem>>
    %dma_wait3A_524 = arith.constant 0 : i32
    %dma_wait3A_525 = tpu.memref_slice %arg14[%dma_wait3A_521, %dma_wait3A_524] : memref<4x128xi32, #tpu.memory_space<vmem>> -> memref<1x128xi32, #tpu.memory_space<vmem>>
    %dma_wait3A_526 = tpu.memref_squeeze %dma_wait3A_525 : memref<1x128xi32, #tpu.memory_space<vmem>> -> memref<128xi32, #tpu.memory_space<vmem>>
    %dma_wait3A_527 = arith.constant 0 : i32
    %dma_wait3A_528 = tpu.memref_slice %arg8[%dma_wait3A_527] : memref<1000000xf32, #tpu.memory_space<hbm>> -> memref<1000000xf32, #tpu.memory_space<hbm>>
    tpu.wait_indirect_dma semaphore(%arg27 : memref<!tpu.dma_semaphore, #tpu.memory_space<semaphore_mem>>) src(%dma_wait3A_528 : memref<1000000xf32, #tpu.memory_space<hbm>>) dst(%dma_wait3A_523 : memref<128xf32, #tpu.memory_space<vmem>>)
    %dma_wait3A_529 = arith.constant 1 : i32
    %dma_wait3A_530 = arith.constant 128 : i32
    %dma_wait3A_531 = tpu.memref_slice %arg23[%dma_wait3A_530] : memref<512xf32, #tpu.memory_space<vmem>> -> memref<128xf32, #tpu.memory_space<vmem>>
    %dma_wait3A_532 = arith.constant 0 : i32
    %dma_wait3A_533 = tpu.memref_slice %arg15[%dma_wait3A_529, %dma_wait3A_532] : memref<4x128xi32, #tpu.memory_space<vmem>> -> memref<1x128xi32, #tpu.memory_space<vmem>>
    %dma_wait3A_534 = tpu.memref_squeeze %dma_wait3A_533 : memref<1x128xi32, #tpu.memory_space<vmem>> -> memref<128xi32, #tpu.memory_space<vmem>>
    %dma_wait3A_535 = arith.constant 0 : i32
    %dma_wait3A_536 = tpu.memref_slice %arg9[%dma_wait3A_535] : memref<1000000xf32, #tpu.memory_space<hbm>> -> memref<1000000xf32, #tpu.memory_space<hbm>>
    tpu.wait_indirect_dma semaphore(%arg27 : memref<!tpu.dma_semaphore, #tpu.memory_space<semaphore_mem>>) src(%dma_wait3A_536 : memref<1000000xf32, #tpu.memory_space<hbm>>) dst(%dma_wait3A_531 : memref<128xf32, #tpu.memory_space<vmem>>)
    %dma_wait3A_537 = arith.constant 2 : i32
    %dma_wait3A_538 = arith.constant 256 : i32
    %dma_wait3A_539 = arith.constant 0 : i32
    %dma_wait3A_540 = tpu.memref_slice %arg18[%dma_wait3A_538, %dma_wait3A_539] : memref<512x32xf32, #tpu.memory_space<vmem>> -> memref<128x32xf32, #tpu.memory_space<vmem>>
    %dma_wait3A_541 = arith.constant 0 : i32
    %dma_wait3A_542 = tpu.memref_slice %arg14[%dma_wait3A_537, %dma_wait3A_541] : memref<4x128xi32, #tpu.memory_space<vmem>> -> memref<1x128xi32, #tpu.memory_space<vmem>>
    %dma_wait3A_543 = tpu.memref_squeeze %dma_wait3A_542 : memref<1x128xi32, #tpu.memory_space<vmem>> -> memref<128xi32, #tpu.memory_space<vmem>>
    %dma_wait3A_544 = arith.constant 0 : i32
    %dma_wait3A_545 = arith.constant 0 : i32
    %dma_wait3A_546 = tpu.memref_slice %arg6[%dma_wait3A_544, %dma_wait3A_545] : memref<1000000x32xf32, #tpu.memory_space<hbm>> -> memref<1000000x32xf32, #tpu.memory_space<hbm>>
    tpu.wait_indirect_dma semaphore(%arg27 : memref<!tpu.dma_semaphore, #tpu.memory_space<semaphore_mem>>) src(%dma_wait3A_546 : memref<1000000x32xf32, #tpu.memory_space<hbm>>) dst(%dma_wait3A_540 : memref<128x32xf32, #tpu.memory_space<vmem>>)
    %dma_wait3A_547 = arith.constant 2 : i32
    %dma_wait3A_548 = arith.constant 256 : i32
    %dma_wait3A_549 = arith.constant 0 : i32
    %dma_wait3A_550 = tpu.memref_slice %arg19[%dma_wait3A_548, %dma_wait3A_549] : memref<512x32xf32, #tpu.memory_space<vmem>> -> memref<128x32xf32, #tpu.memory_space<vmem>>
    %dma_wait3A_551 = arith.constant 0 : i32
    %dma_wait3A_552 = tpu.memref_slice %arg15[%dma_wait3A_547, %dma_wait3A_551] : memref<4x128xi32, #tpu.memory_space<vmem>> -> memref<1x128xi32, #tpu.memory_space<vmem>>
    %dma_wait3A_553 = tpu.memref_squeeze %dma_wait3A_552 : memref<1x128xi32, #tpu.memory_space<vmem>> -> memref<128xi32, #tpu.memory_space<vmem>>
    %dma_wait3A_554 = arith.constant 0 : i32
    %dma_wait3A_555 = arith.constant 0 : i32
    %dma_wait3A_556 = tpu.memref_slice %arg7[%dma_wait3A_554, %dma_wait3A_555] : memref<1000000x32xf32, #tpu.memory_space<hbm>> -> memref<1000000x32xf32, #tpu.memory_space<hbm>>
    tpu.wait_indirect_dma semaphore(%arg27 : memref<!tpu.dma_semaphore, #tpu.memory_space<semaphore_mem>>) src(%dma_wait3A_556 : memref<1000000x32xf32, #tpu.memory_space<hbm>>) dst(%dma_wait3A_550 : memref<128x32xf32, #tpu.memory_space<vmem>>)
    %dma_wait3A_557 = arith.constant 2 : i32
    %dma_wait3A_558 = arith.constant 256 : i32
    %dma_wait3A_559 = tpu.memref_slice %arg22[%dma_wait3A_558] : memref<512xf32, #tpu.memory_space<vmem>> -> memref<128xf32, #tpu.memory_space<vmem>>
    %dma_wait3A_560 = arith.constant 0 : i32
    %dma_wait3A_561 = tpu.memref_slice %arg14[%dma_wait3A_557, %dma_wait3A_560] : memref<4x128xi32, #tpu.memory_space<vmem>> -> memref<1x128xi32, #tpu.memory_space<vmem>>
    %dma_wait3A_562 = tpu.memref_squeeze %dma_wait3A_561 : memref<1x128xi32, #tpu.memory_space<vmem>> -> memref<128xi32, #tpu.memory_space<vmem>>
    %dma_wait3A_563 = arith.constant 0 : i32
    %dma_wait3A_564 = tpu.memref_slice %arg8[%dma_wait3A_563] : memref<1000000xf32, #tpu.memory_space<hbm>> -> memref<1000000xf32, #tpu.memory_space<hbm>>
    tpu.wait_indirect_dma semaphore(%arg27 : memref<!tpu.dma_semaphore, #tpu.memory_space<semaphore_mem>>) src(%dma_wait3A_564 : memref<1000000xf32, #tpu.memory_space<hbm>>) dst(%dma_wait3A_559 : memref<128xf32, #tpu.memory_space<vmem>>)
    %dma_wait3A_565 = arith.constant 2 : i32
    %dma_wait3A_566 = arith.constant 256 : i32
    %dma_wait3A_567 = tpu.memref_slice %arg23[%dma_wait3A_566] : memref<512xf32, #tpu.memory_space<vmem>> -> memref<128xf32, #tpu.memory_space<vmem>>
    %dma_wait3A_568 = arith.constant 0 : i32
    %dma_wait3A_569 = tpu.memref_slice %arg15[%dma_wait3A_565, %dma_wait3A_568] : memref<4x128xi32, #tpu.memory_space<vmem>> -> memref<1x128xi32, #tpu.memory_space<vmem>>
    %dma_wait3A_570 = tpu.memref_squeeze %dma_wait3A_569 : memref<1x128xi32, #tpu.memory_space<vmem>> -> memref<128xi32, #tpu.memory_space<vmem>>
    %dma_wait3A_571 = arith.constant 0 : i32
    %dma_wait3A_572 = tpu.memref_slice %arg9[%dma_wait3A_571] : memref<1000000xf32, #tpu.memory_space<hbm>> -> memref<1000000xf32, #tpu.memory_space<hbm>>
    tpu.wait_indirect_dma semaphore(%arg27 : memref<!tpu.dma_semaphore, #tpu.memory_space<semaphore_mem>>) src(%dma_wait3A_572 : memref<1000000xf32, #tpu.memory_space<hbm>>) dst(%dma_wait3A_567 : memref<128xf32, #tpu.memory_space<vmem>>)
    %dma_wait3A_573 = arith.constant 3 : i32
    %dma_wait3A_574 = arith.constant 384 : i32
    %dma_wait3A_575 = arith.constant 0 : i32
    %dma_wait3A_576 = tpu.memref_slice %arg18[%dma_wait3A_574, %dma_wait3A_575] : memref<512x32xf32, #tpu.memory_space<vmem>> -> memref<128x32xf32, #tpu.memory_space<vmem>>
    %dma_wait3A_577 = arith.constant 0 : i32
    %dma_wait3A_578 = tpu.memref_slice %arg14[%dma_wait3A_573, %dma_wait3A_577] : memref<4x128xi32, #tpu.memory_space<vmem>> -> memref<1x128xi32, #tpu.memory_space<vmem>>
    %dma_wait3A_579 = tpu.memref_squeeze %dma_wait3A_578 : memref<1x128xi32, #tpu.memory_space<vmem>> -> memref<128xi32, #tpu.memory_space<vmem>>
    %dma_wait3A_580 = arith.constant 0 : i32
    %dma_wait3A_581 = arith.constant 0 : i32
    %dma_wait3A_582 = tpu.memref_slice %arg6[%dma_wait3A_580, %dma_wait3A_581] : memref<1000000x32xf32, #tpu.memory_space<hbm>> -> memref<1000000x32xf32, #tpu.memory_space<hbm>>
    tpu.wait_indirect_dma semaphore(%arg27 : memref<!tpu.dma_semaphore, #tpu.memory_space<semaphore_mem>>) src(%dma_wait3A_582 : memref<1000000x32xf32, #tpu.memory_space<hbm>>) dst(%dma_wait3A_576 : memref<128x32xf32, #tpu.memory_space<vmem>>)
    %dma_wait3A_583 = arith.constant 3 : i32
    %dma_wait3A_584 = arith.constant 384 : i32
    %dma_wait3A_585 = arith.constant 0 : i32
    %dma_wait3A_586 = tpu.memref_slice %arg19[%dma_wait3A_584, %dma_wait3A_585] : memref<512x32xf32, #tpu.memory_space<vmem>> -> memref<128x32xf32, #tpu.memory_space<vmem>>
    %dma_wait3A_587 = arith.constant 0 : i32
    %dma_wait3A_588 = tpu.memref_slice %arg15[%dma_wait3A_583, %dma_wait3A_587] : memref<4x128xi32, #tpu.memory_space<vmem>> -> memref<1x128xi32, #tpu.memory_space<vmem>>
    %dma_wait3A_589 = tpu.memref_squeeze %dma_wait3A_588 : memref<1x128xi32, #tpu.memory_space<vmem>> -> memref<128xi32, #tpu.memory_space<vmem>>
    %dma_wait3A_590 = arith.constant 0 : i32
    %dma_wait3A_591 = arith.constant 0 : i32
    %dma_wait3A_592 = tpu.memref_slice %arg7[%dma_wait3A_590, %dma_wait3A_591] : memref<1000000x32xf32, #tpu.memory_space<hbm>> -> memref<1000000x32xf32, #tpu.memory_space<hbm>>
    tpu.wait_indirect_dma semaphore(%arg27 : memref<!tpu.dma_semaphore, #tpu.memory_space<semaphore_mem>>) src(%dma_wait3A_592 : memref<1000000x32xf32, #tpu.memory_space<hbm>>) dst(%dma_wait3A_586 : memref<128x32xf32, #tpu.memory_space<vmem>>)
    %dma_wait3A_593 = arith.constant 3 : i32
    %dma_wait3A_594 = arith.constant 384 : i32
    %dma_wait3A_595 = tpu.memref_slice %arg22[%dma_wait3A_594] : memref<512xf32, #tpu.memory_space<vmem>> -> memref<128xf32, #tpu.memory_space<vmem>>
    %dma_wait3A_596 = arith.constant 0 : i32
    %dma_wait3A_597 = tpu.memref_slice %arg14[%dma_wait3A_593, %dma_wait3A_596] : memref<4x128xi32, #tpu.memory_space<vmem>> -> memref<1x128xi32, #tpu.memory_space<vmem>>
    %dma_wait3A_598 = tpu.memref_squeeze %dma_wait3A_597 : memref<1x128xi32, #tpu.memory_space<vmem>> -> memref<128xi32, #tpu.memory_space<vmem>>
    %dma_wait3A_599 = arith.constant 0 : i32
    %dma_wait3A_600 = tpu.memref_slice %arg8[%dma_wait3A_599] : memref<1000000xf32, #tpu.memory_space<hbm>> -> memref<1000000xf32, #tpu.memory_space<hbm>>
    tpu.wait_indirect_dma semaphore(%arg27 : memref<!tpu.dma_semaphore, #tpu.memory_space<semaphore_mem>>) src(%dma_wait3A_600 : memref<1000000xf32, #tpu.memory_space<hbm>>) dst(%dma_wait3A_595 : memref<128xf32, #tpu.memory_space<vmem>>)
    %dma_wait3A_601 = arith.constant 3 : i32
    %dma_wait3A_602 = arith.constant 384 : i32
    %dma_wait3A_603 = tpu.memref_slice %arg23[%dma_wait3A_602] : memref<512xf32, #tpu.memory_space<vmem>> -> memref<128xf32, #tpu.memory_space<vmem>>
    %dma_wait3A_604 = arith.constant 0 : i32
    %dma_wait3A_605 = tpu.memref_slice %arg15[%dma_wait3A_601, %dma_wait3A_604] : memref<4x128xi32, #tpu.memory_space<vmem>> -> memref<1x128xi32, #tpu.memory_space<vmem>>
    %dma_wait3A_606 = tpu.memref_squeeze %dma_wait3A_605 : memref<1x128xi32, #tpu.memory_space<vmem>> -> memref<128xi32, #tpu.memory_space<vmem>>
    %dma_wait3A_607 = arith.constant 0 : i32
    %dma_wait3A_608 = tpu.memref_slice %arg9[%dma_wait3A_607] : memref<1000000xf32, #tpu.memory_space<hbm>> -> memref<1000000xf32, #tpu.memory_space<hbm>>
    tpu.wait_indirect_dma semaphore(%arg27 : memref<!tpu.dma_semaphore, #tpu.memory_space<semaphore_mem>>) src(%dma_wait3A_608 : memref<1000000xf32, #tpu.memory_space<hbm>>) dst(%dma_wait3A_603 : memref<128xf32, #tpu.memory_space<vmem>>)
    %iota3A_609 = tpu.iota {dimensions = array<i32: 0>} : vector<16xi32>
    %scan3A_610 = arith.constant 0 : i32
    %scan3A_611 = arith.constant 0 : i32
    %scan3A_612 = arith.constant 32 : i32
    %scan3A_613 = arith.addi %scan3A_611, %scan3A_612 : i32
    %scan3A_614 = arith.constant 1 : i32
    scf.for %scan3A_616 = %scan3A_611 to %scan3A_613 step %scan3A_614  : i32 {
      %mul3A_617 = arith.constant 16 : i32
      %mul3A_618 = arith.muli %scan3A_616, %mul3A_617 : i32
      %multiple_of3A_619 = tpu.assume_multiple %mul3A_618, 16 : i32
      %add3A_620 = vector.broadcast %multiple_of3A_619 : i32 to vector<16xi32>
      %add3A_621 = arith.addi %add3A_620, %iota3A_609 : vector<16xi32>
      %get3A = arith.index_cast %multiple_of3A_619 : i32 to index
      %get3A_622 = tpu.vector_load %arg22[%get3A] {strides = array<i32>} : memref<512xf32, #tpu.memory_space<vmem>>, vector<16xf32>,
      %get3A_623 = arith.index_cast %multiple_of3A_619 : i32 to index
      %get3A_624 = tpu.vector_load %arg23[%get3A_623] {strides = array<i32>} : memref<512xf32, #tpu.memory_space<vmem>>, vector<16xf32>,
      %add3A_625 = arith.addf %get3A_622, %get3A_624 : vector<16xf32>
      %add3A_626 = arith.constant 0 : i32
      %add3A_627 = vector.broadcast %add3A_626 : i32 to vector<16xi32>
      %add3A_628 = arith.addi %iota3A_609, %add3A_627 : vector<16xi32>
      %and3A = arith.constant 31 : i32
      %and3A_629 = vector.broadcast %and3A : i32 to vector<16xi32>
      %and3A_630 = arith.andi %add3A_628, %and3A_629 : vector<16xi32>
      %gather3A = tpu.vector_load_idx %arg18[%add3A_621, %and3A_630] : memref<512x32xf32, #tpu.memory_space<vmem>>[vector<16xi32>, vector<16xi32>], vector<16xf32>,
      %gather3A_631 = tpu.vector_load_idx %arg19[%add3A_621, %and3A_630] : memref<512x32xf32, #tpu.memory_space<vmem>>[vector<16xi32>, vector<16xi32>], vector<16xf32>,
      %mul3A_632 = arith.mulf %gather3A, %gather3A_631 : vector<16xf32>
      %add3A_633 = arith.addf %add3A_625, %mul3A_632 : vector<16xf32>
      %add3A_634 = arith.constant 1 : i32
      %add3A_635 = vector.broadcast %add3A_634 : i32 to vector<16xi32>
      %add3A_636 = arith.addi %iota3A_609, %add3A_635 : vector<16xi32>
      %and3A_637 = arith.constant 31 : i32
      %and3A_638 = vector.broadcast %and3A_637 : i32 to vector<16xi32>
      %and3A_639 = arith.andi %add3A_636, %and3A_638 : vector<16xi32>
      %gather3A_640 = tpu.vector_load_idx %arg18[%add3A_621, %and3A_639] : memref<512x32xf32, #tpu.memory_space<vmem>>[vector<16xi32>, vector<16xi32>], vector<16xf32>,
      %gather3A_641 = tpu.vector_load_idx %arg19[%add3A_621, %and3A_639] : memref<512x32xf32, #tpu.memory_space<vmem>>[vector<16xi32>, vector<16xi32>], vector<16xf32>,
      %mul3A_642 = arith.mulf %gather3A_640, %gather3A_641 : vector<16xf32>
      %add3A_643 = arith.addf %add3A_633, %mul3A_642 : vector<16xf32>
      %add3A_644 = arith.constant 2 : i32
      %add3A_645 = vector.broadcast %add3A_644 : i32 to vector<16xi32>
      %add3A_646 = arith.addi %iota3A_609, %add3A_645 : vector<16xi32>
      %and3A_647 = arith.constant 31 : i32
      %and3A_648 = vector.broadcast %and3A_647 : i32 to vector<16xi32>
      %and3A_649 = arith.andi %add3A_646, %and3A_648 : vector<16xi32>
      %gather3A_650 = tpu.vector_load_idx %arg18[%add3A_621, %and3A_649] : memref<512x32xf32, #tpu.memory_space<vmem>>[vector<16xi32>, vector<16xi32>], vector<16xf32>,
      %gather3A_651 = tpu.vector_load_idx %arg19[%add3A_621, %and3A_649] : memref<512x32xf32, #tpu.memory_space<vmem>>[vector<16xi32>, vector<16xi32>], vector<16xf32>,
      %mul3A_652 = arith.mulf %gather3A_650, %gather3A_651 : vector<16xf32>
      %add3A_653 = arith.addf %add3A_643, %mul3A_652 : vector<16xf32>
      %add3A_654 = arith.constant 3 : i32
      %add3A_655 = vector.broadcast %add3A_654 : i32 to vector<16xi32>
      %add3A_656 = arith.addi %iota3A_609, %add3A_655 : vector<16xi32>
      %and3A_657 = arith.constant 31 : i32
      %and3A_658 = vector.broadcast %and3A_657 : i32 to vector<16xi32>
      %and3A_659 = arith.andi %add3A_656, %and3A_658 : vector<16xi32>
      %gather3A_660 = tpu.vector_load_idx %arg18[%add3A_621, %and3A_659] : memref<512x32xf32, #tpu.memory_space<vmem>>[vector<16xi32>, vector<16xi32>], vector<16xf32>,
      %gather3A_661 = tpu.vector_load_idx %arg19[%add3A_621, %and3A_659] : memref<512x32xf32, #tpu.memory_space<vmem>>[vector<16xi32>, vector<16xi32>], vector<16xf32>,
      %mul3A_662 = arith.mulf %gather3A_660, %gather3A_661 : vector<16xf32>
      %add3A_663 = arith.addf %add3A_653, %mul3A_662 : vector<16xf32>
      %add3A_664 = arith.constant 4 : i32
      %add3A_665 = vector.broadcast %add3A_664 : i32 to vector<16xi32>
      %add3A_666 = arith.addi %iota3A_609, %add3A_665 : vector<16xi32>
      %and3A_667 = arith.constant 31 : i32
      %and3A_668 = vector.broadcast %and3A_667 : i32 to vector<16xi32>
      %and3A_669 = arith.andi %add3A_666, %and3A_668 : vector<16xi32>
      %gather3A_670 = tpu.vector_load_idx %arg18[%add3A_621, %and3A_669] : memref<512x32xf32, #tpu.memory_space<vmem>>[vector<16xi32>, vector<16xi32>], vector<16xf32>,
      %gather3A_671 = tpu.vector_load_idx %arg19[%add3A_621, %and3A_669] : memref<512x32xf32, #tpu.memory_space<vmem>>[vector<16xi32>, vector<16xi32>], vector<16xf32>,
      %mul3A_672 = arith.mulf %gather3A_670, %gather3A_671 : vector<16xf32>
      %add3A_673 = arith.addf %add3A_663, %mul3A_672 : vector<16xf32>
      %add3A_674 = arith.constant 5 : i32
      %add3A_675 = vector.broadcast %add3A_674 : i32 to vector<16xi32>
      %add3A_676 = arith.addi %iota3A_609, %add3A_675 : vector<16xi32>
      %and3A_677 = arith.constant 31 : i32
      %and3A_678 = vector.broadcast %and3A_677 : i32 to vector<16xi32>
      %and3A_679 = arith.andi %add3A_676, %and3A_678 : vector<16xi32>
      %gather3A_680 = tpu.vector_load_idx %arg18[%add3A_621, %and3A_679] : memref<512x32xf32, #tpu.memory_space<vmem>>[vector<16xi32>, vector<16xi32>], vector<16xf32>,
      %gather3A_681 = tpu.vector_load_idx %arg19[%add3A_621, %and3A_679] : memref<512x32xf32, #tpu.memory_space<vmem>>[vector<16xi32>, vector<16xi32>], vector<16xf32>,
      %mul3A_682 = arith.mulf %gather3A_680, %gather3A_681 : vector<16xf32>
      %add3A_683 = arith.addf %add3A_673, %mul3A_682 : vector<16xf32>
      %add3A_684 = arith.constant 6 : i32
      %add3A_685 = vector.broadcast %add3A_684 : i32 to vector<16xi32>
      %add3A_686 = arith.addi %iota3A_609, %add3A_685 : vector<16xi32>
      %and3A_687 = arith.constant 31 : i32
      %and3A_688 = vector.broadcast %and3A_687 : i32 to vector<16xi32>
      %and3A_689 = arith.andi %add3A_686, %and3A_688 : vector<16xi32>
      %gather3A_690 = tpu.vector_load_idx %arg18[%add3A_621, %and3A_689] : memref<512x32xf32, #tpu.memory_space<vmem>>[vector<16xi32>, vector<16xi32>], vector<16xf32>,
      %gather3A_691 = tpu.vector_load_idx %arg19[%add3A_621, %and3A_689] : memref<512x32xf32, #tpu.memory_space<vmem>>[vector<16xi32>, vector<16xi32>], vector<16xf32>,
      %mul3A_692 = arith.mulf %gather3A_690, %gather3A_691 : vector<16xf32>
      %add3A_693 = arith.addf %add3A_683, %mul3A_692 : vector<16xf32>
      %add3A_694 = arith.constant 7 : i32
      %add3A_695 = vector.broadcast %add3A_694 : i32 to vector<16xi32>
      %add3A_696 = arith.addi %iota3A_609, %add3A_695 : vector<16xi32>
      %and3A_697 = arith.constant 31 : i32
      %and3A_698 = vector.broadcast %and3A_697 : i32 to vector<16xi32>
      %and3A_699 = arith.andi %add3A_696, %and3A_698 : vector<16xi32>
      %gather3A_700 = tpu.vector_load_idx %arg18[%add3A_621, %and3A_699] : memref<512x32xf32, #tpu.memory_space<vmem>>[vector<16xi32>, vector<16xi32>], vector<16xf32>,
      %gather3A_701 = tpu.vector_load_idx %arg19[%add3A_621, %and3A_699] : memref<512x32xf32, #tpu.memory_space<vmem>>[vector<16xi32>, vector<16xi32>], vector<16xf32>,
      %mul3A_702 = arith.mulf %gather3A_700, %gather3A_701 : vector<16xf32>
      %add3A_703 = arith.addf %add3A_693, %mul3A_702 : vector<16xf32>
      %add3A_704 = arith.constant 8 : i32
      %add3A_705 = vector.broadcast %add3A_704 : i32 to vector<16xi32>
      %add3A_706 = arith.addi %iota3A_609, %add3A_705 : vector<16xi32>
      %and3A_707 = arith.constant 31 : i32
      %and3A_708 = vector.broadcast %and3A_707 : i32 to vector<16xi32>
      %and3A_709 = arith.andi %add3A_706, %and3A_708 : vector<16xi32>
      %gather3A_710 = tpu.vector_load_idx %arg18[%add3A_621, %and3A_709] : memref<512x32xf32, #tpu.memory_space<vmem>>[vector<16xi32>, vector<16xi32>], vector<16xf32>,
      %gather3A_711 = tpu.vector_load_idx %arg19[%add3A_621, %and3A_709] : memref<512x32xf32, #tpu.memory_space<vmem>>[vector<16xi32>, vector<16xi32>], vector<16xf32>,
      %mul3A_712 = arith.mulf %gather3A_710, %gather3A_711 : vector<16xf32>
      %add3A_713 = arith.addf %add3A_703, %mul3A_712 : vector<16xf32>
      %add3A_714 = arith.constant 9 : i32
      %add3A_715 = vector.broadcast %add3A_714 : i32 to vector<16xi32>
      %add3A_716 = arith.addi %iota3A_609, %add3A_715 : vector<16xi32>
      %and3A_717 = arith.constant 31 : i32
      %and3A_718 = vector.broadcast %and3A_717 : i32 to vector<16xi32>
      %and3A_719 = arith.andi %add3A_716, %and3A_718 : vector<16xi32>
      %gather3A_720 = tpu.vector_load_idx %arg18[%add3A_621, %and3A_719] : memref<512x32xf32, #tpu.memory_space<vmem>>[vector<16xi32>, vector<16xi32>], vector<16xf32>,
      %gather3A_721 = tpu.vector_load_idx %arg19[%add3A_621, %and3A_719] : memref<512x32xf32, #tpu.memory_space<vmem>>[vector<16xi32>, vector<16xi32>], vector<16xf32>,
      %mul3A_722 = arith.mulf %gather3A_720, %gather3A_721 : vector<16xf32>
      %add3A_723 = arith.addf %add3A_713, %mul3A_722 : vector<16xf32>
      %add3A_724 = arith.constant 10 : i32
      %add3A_725 = vector.broadcast %add3A_724 : i32 to vector<16xi32>
      %add3A_726 = arith.addi %iota3A_609, %add3A_725 : vector<16xi32>
      %and3A_727 = arith.constant 31 : i32
      %and3A_728 = vector.broadcast %and3A_727 : i32 to vector<16xi32>
      %and3A_729 = arith.andi %add3A_726, %and3A_728 : vector<16xi32>
      %gather3A_730 = tpu.vector_load_idx %arg18[%add3A_621, %and3A_729] : memref<512x32xf32, #tpu.memory_space<vmem>>[vector<16xi32>, vector<16xi32>], vector<16xf32>,
      %gather3A_731 = tpu.vector_load_idx %arg19[%add3A_621, %and3A_729] : memref<512x32xf32, #tpu.memory_space<vmem>>[vector<16xi32>, vector<16xi32>], vector<16xf32>,
      %mul3A_732 = arith.mulf %gather3A_730, %gather3A_731 : vector<16xf32>
      %add3A_733 = arith.addf %add3A_723, %mul3A_732 : vector<16xf32>
      %add3A_734 = arith.constant 11 : i32
      %add3A_735 = vector.broadcast %add3A_734 : i32 to vector<16xi32>
      %add3A_736 = arith.addi %iota3A_609, %add3A_735 : vector<16xi32>
      %and3A_737 = arith.constant 31 : i32
      %and3A_738 = vector.broadcast %and3A_737 : i32 to vector<16xi32>
      %and3A_739 = arith.andi %add3A_736, %and3A_738 : vector<16xi32>
      %gather3A_740 = tpu.vector_load_idx %arg18[%add3A_621, %and3A_739] : memref<512x32xf32, #tpu.memory_space<vmem>>[vector<16xi32>, vector<16xi32>], vector<16xf32>,
      %gather3A_741 = tpu.vector_load_idx %arg19[%add3A_621, %and3A_739] : memref<512x32xf32, #tpu.memory_space<vmem>>[vector<16xi32>, vector<16xi32>], vector<16xf32>,
      %mul3A_742 = arith.mulf %gather3A_740, %gather3A_741 : vector<16xf32>
      %add3A_743 = arith.addf %add3A_733, %mul3A_742 : vector<16xf32>
      %add3A_744 = arith.constant 12 : i32
      %add3A_745 = vector.broadcast %add3A_744 : i32 to vector<16xi32>
      %add3A_746 = arith.addi %iota3A_609, %add3A_745 : vector<16xi32>
      %and3A_747 = arith.constant 31 : i32
      %and3A_748 = vector.broadcast %and3A_747 : i32 to vector<16xi32>
      %and3A_749 = arith.andi %add3A_746, %and3A_748 : vector<16xi32>
      %gather3A_750 = tpu.vector_load_idx %arg18[%add3A_621, %and3A_749] : memref<512x32xf32, #tpu.memory_space<vmem>>[vector<16xi32>, vector<16xi32>], vector<16xf32>,
      %gather3A_751 = tpu.vector_load_idx %arg19[%add3A_621, %and3A_749] : memref<512x32xf32, #tpu.memory_space<vmem>>[vector<16xi32>, vector<16xi32>], vector<16xf32>,
      %mul3A_752 = arith.mulf %gather3A_750, %gather3A_751 : vector<16xf32>
      %add3A_753 = arith.addf %add3A_743, %mul3A_752 : vector<16xf32>
      %add3A_754 = arith.constant 13 : i32
      %add3A_755 = vector.broadcast %add3A_754 : i32 to vector<16xi32>
      %add3A_756 = arith.addi %iota3A_609, %add3A_755 : vector<16xi32>
      %and3A_757 = arith.constant 31 : i32
      %and3A_758 = vector.broadcast %and3A_757 : i32 to vector<16xi32>
      %and3A_759 = arith.andi %add3A_756, %and3A_758 : vector<16xi32>
      %gather3A_760 = tpu.vector_load_idx %arg18[%add3A_621, %and3A_759] : memref<512x32xf32, #tpu.memory_space<vmem>>[vector<16xi32>, vector<16xi32>], vector<16xf32>,
      %gather3A_761 = tpu.vector_load_idx %arg19[%add3A_621, %and3A_759] : memref<512x32xf32, #tpu.memory_space<vmem>>[vector<16xi32>, vector<16xi32>], vector<16xf32>,
      %mul3A_762 = arith.mulf %gather3A_760, %gather3A_761 : vector<16xf32>
      %add3A_763 = arith.addf %add3A_753, %mul3A_762 : vector<16xf32>
      %add3A_764 = arith.constant 14 : i32
      %add3A_765 = vector.broadcast %add3A_764 : i32 to vector<16xi32>
      %add3A_766 = arith.addi %iota3A_609, %add3A_765 : vector<16xi32>
      %and3A_767 = arith.constant 31 : i32
      %and3A_768 = vector.broadcast %and3A_767 : i32 to vector<16xi32>
      %and3A_769 = arith.andi %add3A_766, %and3A_768 : vector<16xi32>
      %gather3A_770 = tpu.vector_load_idx %arg18[%add3A_621, %and3A_769] : memref<512x32xf32, #tpu.memory_space<vmem>>[vector<16xi32>, vector<16xi32>], vector<16xf32>,
      %gather3A_771 = tpu.vector_load_idx %arg19[%add3A_621, %and3A_769] : memref<512x32xf32, #tpu.memory_space<vmem>>[vector<16xi32>, vector<16xi32>], vector<16xf32>,
      %mul3A_772 = arith.mulf %gather3A_770, %gather3A_771 : vector<16xf32>
      %add3A_773 = arith.addf %add3A_763, %mul3A_772 : vector<16xf32>
      %add3A_774 = arith.constant 15 : i32
      %add3A_775 = vector.broadcast %add3A_774 : i32 to vector<16xi32>
      %add3A_776 = arith.addi %iota3A_609, %add3A_775 : vector<16xi32>
      %and3A_777 = arith.constant 31 : i32
      %and3A_778 = vector.broadcast %and3A_777 : i32 to vector<16xi32>
      %and3A_779 = arith.andi %add3A_776, %and3A_778 : vector<16xi32>
      %gather3A_780 = tpu.vector_load_idx %arg18[%add3A_621, %and3A_779] : memref<512x32xf32, #tpu.memory_space<vmem>>[vector<16xi32>, vector<16xi32>], vector<16xf32>,
      %gather3A_781 = tpu.vector_load_idx %arg19[%add3A_621, %and3A_779] : memref<512x32xf32, #tpu.memory_space<vmem>>[vector<16xi32>, vector<16xi32>], vector<16xf32>,
      %mul3A_782 = arith.mulf %gather3A_780, %gather3A_781 : vector<16xf32>
      %add3A_783 = arith.addf %add3A_773, %mul3A_782 : vector<16xf32>
      %add3A_784 = arith.constant 16 : i32
      %add3A_785 = vector.broadcast %add3A_784 : i32 to vector<16xi32>
      %add3A_786 = arith.addi %iota3A_609, %add3A_785 : vector<16xi32>
      %and3A_787 = arith.constant 31 : i32
      %and3A_788 = vector.broadcast %and3A_787 : i32 to vector<16xi32>
      %and3A_789 = arith.andi %add3A_786, %and3A_788 : vector<16xi32>
      %gather3A_790 = tpu.vector_load_idx %arg18[%add3A_621, %and3A_789] : memref<512x32xf32, #tpu.memory_space<vmem>>[vector<16xi32>, vector<16xi32>], vector<16xf32>,
      %gather3A_791 = tpu.vector_load_idx %arg19[%add3A_621, %and3A_789] : memref<512x32xf32, #tpu.memory_space<vmem>>[vector<16xi32>, vector<16xi32>], vector<16xf32>,
      %mul3A_792 = arith.mulf %gather3A_790, %gather3A_791 : vector<16xf32>
      %add3A_793 = arith.addf %add3A_783, %mul3A_792 : vector<16xf32>
      %add3A_794 = arith.constant 17 : i32
      %add3A_795 = vector.broadcast %add3A_794 : i32 to vector<16xi32>
      %add3A_796 = arith.addi %iota3A_609, %add3A_795 : vector<16xi32>
      %and3A_797 = arith.constant 31 : i32
      %and3A_798 = vector.broadcast %and3A_797 : i32 to vector<16xi32>
      %and3A_799 = arith.andi %add3A_796, %and3A_798 : vector<16xi32>
      %gather3A_800 = tpu.vector_load_idx %arg18[%add3A_621, %and3A_799] : memref<512x32xf32, #tpu.memory_space<vmem>>[vector<16xi32>, vector<16xi32>], vector<16xf32>,
      %gather3A_801 = tpu.vector_load_idx %arg19[%add3A_621, %and3A_799] : memref<512x32xf32, #tpu.memory_space<vmem>>[vector<16xi32>, vector<16xi32>], vector<16xf32>,
      %mul3A_802 = arith.mulf %gather3A_800, %gather3A_801 : vector<16xf32>
      %add3A_803 = arith.addf %add3A_793, %mul3A_802 : vector<16xf32>
      %add3A_804 = arith.constant 18 : i32
      %add3A_805 = vector.broadcast %add3A_804 : i32 to vector<16xi32>
      %add3A_806 = arith.addi %iota3A_609, %add3A_805 : vector<16xi32>
      %and3A_807 = arith.constant 31 : i32
      %and3A_808 = vector.broadcast %and3A_807 : i32 to vector<16xi32>
      %and3A_809 = arith.andi %add3A_806, %and3A_808 : vector<16xi32>
      %gather3A_810 = tpu.vector_load_idx %arg18[%add3A_621, %and3A_809] : memref<512x32xf32, #tpu.memory_space<vmem>>[vector<16xi32>, vector<16xi32>], vector<16xf32>,
      %gather3A_811 = tpu.vector_load_idx %arg19[%add3A_621, %and3A_809] : memref<512x32xf32, #tpu.memory_space<vmem>>[vector<16xi32>, vector<16xi32>], vector<16xf32>,
      %mul3A_812 = arith.mulf %gather3A_810, %gather3A_811 : vector<16xf32>
      %add3A_813 = arith.addf %add3A_803, %mul3A_812 : vector<16xf32>
      %add3A_814 = arith.constant 19 : i32
      %add3A_815 = vector.broadcast %add3A_814 : i32 to vector<16xi32>
      %add3A_816 = arith.addi %iota3A_609, %add3A_815 : vector<16xi32>
      %and3A_817 = arith.constant 31 : i32
      %and3A_818 = vector.broadcast %and3A_817 : i32 to vector<16xi32>
      %and3A_819 = arith.andi %add3A_816, %and3A_818 : vector<16xi32>
      %gather3A_820 = tpu.vector_load_idx %arg18[%add3A_621, %and3A_819] : memref<512x32xf32, #tpu.memory_space<vmem>>[vector<16xi32>, vector<16xi32>], vector<16xf32>,
      %gather3A_821 = tpu.vector_load_idx %arg19[%add3A_621, %and3A_819] : memref<512x32xf32, #tpu.memory_space<vmem>>[vector<16xi32>, vector<16xi32>], vector<16xf32>,
      %mul3A_822 = arith.mulf %gather3A_820, %gather3A_821 : vector<16xf32>
      %add3A_823 = arith.addf %add3A_813, %mul3A_822 : vector<16xf32>
      %add3A_824 = arith.constant 20 : i32
      %add3A_825 = vector.broadcast %add3A_824 : i32 to vector<16xi32>
      %add3A_826 = arith.addi %iota3A_609, %add3A_825 : vector<16xi32>
      %and3A_827 = arith.constant 31 : i32
      %and3A_828 = vector.broadcast %and3A_827 : i32 to vector<16xi32>
      %and3A_829 = arith.andi %add3A_826, %and3A_828 : vector<16xi32>
      %gather3A_830 = tpu.vector_load_idx %arg18[%add3A_621, %and3A_829] : memref<512x32xf32, #tpu.memory_space<vmem>>[vector<16xi32>, vector<16xi32>], vector<16xf32>,
      %gather3A_831 = tpu.vector_load_idx %arg19[%add3A_621, %and3A_829] : memref<512x32xf32, #tpu.memory_space<vmem>>[vector<16xi32>, vector<16xi32>], vector<16xf32>,
      %mul3A_832 = arith.mulf %gather3A_830, %gather3A_831 : vector<16xf32>
      %add3A_833 = arith.addf %add3A_823, %mul3A_832 : vector<16xf32>
      %add3A_834 = arith.constant 21 : i32
      %add3A_835 = vector.broadcast %add3A_834 : i32 to vector<16xi32>
      %add3A_836 = arith.addi %iota3A_609, %add3A_835 : vector<16xi32>
      %and3A_837 = arith.constant 31 : i32
      %and3A_838 = vector.broadcast %and3A_837 : i32 to vector<16xi32>
      %and3A_839 = arith.andi %add3A_836, %and3A_838 : vector<16xi32>
      %gather3A_840 = tpu.vector_load_idx %arg18[%add3A_621, %and3A_839] : memref<512x32xf32, #tpu.memory_space<vmem>>[vector<16xi32>, vector<16xi32>], vector<16xf32>,
      %gather3A_841 = tpu.vector_load_idx %arg19[%add3A_621, %and3A_839] : memref<512x32xf32, #tpu.memory_space<vmem>>[vector<16xi32>, vector<16xi32>], vector<16xf32>,
      %mul3A_842 = arith.mulf %gather3A_840, %gather3A_841 : vector<16xf32>
      %add3A_843 = arith.addf %add3A_833, %mul3A_842 : vector<16xf32>
      %add3A_844 = arith.constant 22 : i32
      %add3A_845 = vector.broadcast %add3A_844 : i32 to vector<16xi32>
      %add3A_846 = arith.addi %iota3A_609, %add3A_845 : vector<16xi32>
      %and3A_847 = arith.constant 31 : i32
      %and3A_848 = vector.broadcast %and3A_847 : i32 to vector<16xi32>
      %and3A_849 = arith.andi %add3A_846, %and3A_848 : vector<16xi32>
      %gather3A_850 = tpu.vector_load_idx %arg18[%add3A_621, %and3A_849] : memref<512x32xf32, #tpu.memory_space<vmem>>[vector<16xi32>, vector<16xi32>], vector<16xf32>,
      %gather3A_851 = tpu.vector_load_idx %arg19[%add3A_621, %and3A_849] : memref<512x32xf32, #tpu.memory_space<vmem>>[vector<16xi32>, vector<16xi32>], vector<16xf32>,
      %mul3A_852 = arith.mulf %gather3A_850, %gather3A_851 : vector<16xf32>
      %add3A_853 = arith.addf %add3A_843, %mul3A_852 : vector<16xf32>
      %add3A_854 = arith.constant 23 : i32
      %add3A_855 = vector.broadcast %add3A_854 : i32 to vector<16xi32>
      %add3A_856 = arith.addi %iota3A_609, %add3A_855 : vector<16xi32>
      %and3A_857 = arith.constant 31 : i32
      %and3A_858 = vector.broadcast %and3A_857 : i32 to vector<16xi32>
      %and3A_859 = arith.andi %add3A_856, %and3A_858 : vector<16xi32>
      %gather3A_860 = tpu.vector_load_idx %arg18[%add3A_621, %and3A_859] : memref<512x32xf32, #tpu.memory_space<vmem>>[vector<16xi32>, vector<16xi32>], vector<16xf32>,
      %gather3A_861 = tpu.vector_load_idx %arg19[%add3A_621, %and3A_859] : memref<512x32xf32, #tpu.memory_space<vmem>>[vector<16xi32>, vector<16xi32>], vector<16xf32>,
      %mul3A_862 = arith.mulf %gather3A_860, %gather3A_861 : vector<16xf32>
      %add3A_863 = arith.addf %add3A_853, %mul3A_862 : vector<16xf32>
      %add3A_864 = arith.constant 24 : i32
      %add3A_865 = vector.broadcast %add3A_864 : i32 to vector<16xi32>
      %add3A_866 = arith.addi %iota3A_609, %add3A_865 : vector<16xi32>
      %and3A_867 = arith.constant 31 : i32
      %and3A_868 = vector.broadcast %and3A_867 : i32 to vector<16xi32>
      %and3A_869 = arith.andi %add3A_866, %and3A_868 : vector<16xi32>
      %gather3A_870 = tpu.vector_load_idx %arg18[%add3A_621, %and3A_869] : memref<512x32xf32, #tpu.memory_space<vmem>>[vector<16xi32>, vector<16xi32>], vector<16xf32>,
      %gather3A_871 = tpu.vector_load_idx %arg19[%add3A_621, %and3A_869] : memref<512x32xf32, #tpu.memory_space<vmem>>[vector<16xi32>, vector<16xi32>], vector<16xf32>,
      %mul3A_872 = arith.mulf %gather3A_870, %gather3A_871 : vector<16xf32>
      %add3A_873 = arith.addf %add3A_863, %mul3A_872 : vector<16xf32>
      %add3A_874 = arith.constant 25 : i32
      %add3A_875 = vector.broadcast %add3A_874 : i32 to vector<16xi32>
      %add3A_876 = arith.addi %iota3A_609, %add3A_875 : vector<16xi32>
      %and3A_877 = arith.constant 31 : i32
      %and3A_878 = vector.broadcast %and3A_877 : i32 to vector<16xi32>
      %and3A_879 = arith.andi %add3A_876, %and3A_878 : vector<16xi32>
      %gather3A_880 = tpu.vector_load_idx %arg18[%add3A_621, %and3A_879] : memref<512x32xf32, #tpu.memory_space<vmem>>[vector<16xi32>, vector<16xi32>], vector<16xf32>,
      %gather3A_881 = tpu.vector_load_idx %arg19[%add3A_621, %and3A_879] : memref<512x32xf32, #tpu.memory_space<vmem>>[vector<16xi32>, vector<16xi32>], vector<16xf32>,
      %mul3A_882 = arith.mulf %gather3A_880, %gather3A_881 : vector<16xf32>
      %add3A_883 = arith.addf %add3A_873, %mul3A_882 : vector<16xf32>
      %add3A_884 = arith.constant 26 : i32
      %add3A_885 = vector.broadcast %add3A_884 : i32 to vector<16xi32>
      %add3A_886 = arith.addi %iota3A_609, %add3A_885 : vector<16xi32>
      %and3A_887 = arith.constant 31 : i32
      %and3A_888 = vector.broadcast %and3A_887 : i32 to vector<16xi32>
      %and3A_889 = arith.andi %add3A_886, %and3A_888 : vector<16xi32>
      %gather3A_890 = tpu.vector_load_idx %arg18[%add3A_621, %and3A_889] : memref<512x32xf32, #tpu.memory_space<vmem>>[vector<16xi32>, vector<16xi32>], vector<16xf32>,
      %gather3A_891 = tpu.vector_load_idx %arg19[%add3A_621, %and3A_889] : memref<512x32xf32, #tpu.memory_space<vmem>>[vector<16xi32>, vector<16xi32>], vector<16xf32>,
      %mul3A_892 = arith.mulf %gather3A_890, %gather3A_891 : vector<16xf32>
      %add3A_893 = arith.addf %add3A_883, %mul3A_892 : vector<16xf32>
      %add3A_894 = arith.constant 27 : i32
      %add3A_895 = vector.broadcast %add3A_894 : i32 to vector<16xi32>
      %add3A_896 = arith.addi %iota3A_609, %add3A_895 : vector<16xi32>
      %and3A_897 = arith.constant 31 : i32
      %and3A_898 = vector.broadcast %and3A_897 : i32 to vector<16xi32>
      %and3A_899 = arith.andi %add3A_896, %and3A_898 : vector<16xi32>
      %gather3A_900 = tpu.vector_load_idx %arg18[%add3A_621, %and3A_899] : memref<512x32xf32, #tpu.memory_space<vmem>>[vector<16xi32>, vector<16xi32>], vector<16xf32>,
      %gather3A_901 = tpu.vector_load_idx %arg19[%add3A_621, %and3A_899] : memref<512x32xf32, #tpu.memory_space<vmem>>[vector<16xi32>, vector<16xi32>], vector<16xf32>,
      %mul3A_902 = arith.mulf %gather3A_900, %gather3A_901 : vector<16xf32>
      %add3A_903 = arith.addf %add3A_893, %mul3A_902 : vector<16xf32>
      %add3A_904 = arith.constant 28 : i32
      %add3A_905 = vector.broadcast %add3A_904 : i32 to vector<16xi32>
      %add3A_906 = arith.addi %iota3A_609, %add3A_905 : vector<16xi32>
      %and3A_907 = arith.constant 31 : i32
      %and3A_908 = vector.broadcast %and3A_907 : i32 to vector<16xi32>
      %and3A_909 = arith.andi %add3A_906, %and3A_908 : vector<16xi32>
      %gather3A_910 = tpu.vector_load_idx %arg18[%add3A_621, %and3A_909] : memref<512x32xf32, #tpu.memory_space<vmem>>[vector<16xi32>, vector<16xi32>], vector<16xf32>,
      %gather3A_911 = tpu.vector_load_idx %arg19[%add3A_621, %and3A_909] : memref<512x32xf32, #tpu.memory_space<vmem>>[vector<16xi32>, vector<16xi32>], vector<16xf32>,
      %mul3A_912 = arith.mulf %gather3A_910, %gather3A_911 : vector<16xf32>
      %add3A_913 = arith.addf %add3A_903, %mul3A_912 : vector<16xf32>
      %add3A_914 = arith.constant 29 : i32
      %add3A_915 = vector.broadcast %add3A_914 : i32 to vector<16xi32>
      %add3A_916 = arith.addi %iota3A_609, %add3A_915 : vector<16xi32>
      %and3A_917 = arith.constant 31 : i32
      %and3A_918 = vector.broadcast %and3A_917 : i32 to vector<16xi32>
      %and3A_919 = arith.andi %add3A_916, %and3A_918 : vector<16xi32>
      %gather3A_920 = tpu.vector_load_idx %arg18[%add3A_621, %and3A_919] : memref<512x32xf32, #tpu.memory_space<vmem>>[vector<16xi32>, vector<16xi32>], vector<16xf32>,
      %gather3A_921 = tpu.vector_load_idx %arg19[%add3A_621, %and3A_919] : memref<512x32xf32, #tpu.memory_space<vmem>>[vector<16xi32>, vector<16xi32>], vector<16xf32>,
      %mul3A_922 = arith.mulf %gather3A_920, %gather3A_921 : vector<16xf32>
      %add3A_923 = arith.addf %add3A_913, %mul3A_922 : vector<16xf32>
      %add3A_924 = arith.constant 30 : i32
      %add3A_925 = vector.broadcast %add3A_924 : i32 to vector<16xi32>
      %add3A_926 = arith.addi %iota3A_609, %add3A_925 : vector<16xi32>
      %and3A_927 = arith.constant 31 : i32
      %and3A_928 = vector.broadcast %and3A_927 : i32 to vector<16xi32>
      %and3A_929 = arith.andi %add3A_926, %and3A_928 : vector<16xi32>
      %gather3A_930 = tpu.vector_load_idx %arg18[%add3A_621, %and3A_929] : memref<512x32xf32, #tpu.memory_space<vmem>>[vector<16xi32>, vector<16xi32>], vector<16xf32>,
      %gather3A_931 = tpu.vector_load_idx %arg19[%add3A_621, %and3A_929] : memref<512x32xf32, #tpu.memory_space<vmem>>[vector<16xi32>, vector<16xi32>], vector<16xf32>,
      %mul3A_932 = arith.mulf %gather3A_930, %gather3A_931 : vector<16xf32>
      %add3A_933 = arith.addf %add3A_923, %mul3A_932 : vector<16xf32>
      %add3A_934 = arith.constant 31 : i32
      %add3A_935 = vector.broadcast %add3A_934 : i32 to vector<16xi32>
      %add3A_936 = arith.addi %iota3A_609, %add3A_935 : vector<16xi32>
      %and3A_937 = arith.constant 31 : i32
      %and3A_938 = vector.broadcast %and3A_937 : i32 to vector<16xi32>
      %and3A_939 = arith.andi %add3A_936, %and3A_938 : vector<16xi32>
      %gather3A_940 = tpu.vector_load_idx %arg18[%add3A_621, %and3A_939] : memref<512x32xf32, #tpu.memory_space<vmem>>[vector<16xi32>, vector<16xi32>], vector<16xf32>,
      %gather3A_941 = tpu.vector_load_idx %arg19[%add3A_621, %and3A_939] : memref<512x32xf32, #tpu.memory_space<vmem>>[vector<16xi32>, vector<16xi32>], vector<16xf32>,
      %mul3A_942 = arith.mulf %gather3A_940, %gather3A_941 : vector<16xf32>
      %add3A_943 = arith.addf %add3A_933, %mul3A_942 : vector<16xf32>
      %swap3A = arith.index_cast %multiple_of3A_619 : i32 to index
      %swap3A_944 = tpu.vector_load %arg25[%swap3A] {strides = array<i32>} : memref<512xf32, #tpu.memory_space<vmem>>, vector<16xf32>,
      tpu.vector_store %arg25[%swap3A], %add3A_943 {strides = array<i32>} : memref<512xf32, #tpu.memory_space<vmem>>, vector<16xf32>,
    }
    %scan3A_615 = arith.constant 32 : i32
    "tpu.region"() ({
      %run_scoped3A_616 = tpu.sem_alloc : memref<!tpu.dma_semaphore, #tpu.memory_space<semaphore_mem>>
      %dma_start3A_617 = tpu.memref_slice %arg10[%multiple_of3A] : memref<16384xf32, #tpu.memory_space<hbm>> -> memref<512xf32, #tpu.memory_space<hbm>>
      %dma_start3A_618 = tpu.memref_slice %arg10[%multiple_of3A] : memref<16384xf32, #tpu.memory_space<hbm>> -> memref<512xf32, #tpu.memory_space<hbm>>
      tpu.enqueue_dma source(%arg24 : memref<512xf32, #tpu.memory_space<vmem>>) target(%dma_start3A_618 : memref<512xf32, #tpu.memory_space<hbm>>) target_semaphore(%run_scoped3A_616 : memref<!tpu.dma_semaphore, #tpu.memory_space<semaphore_mem>>)
      %dma_wait3A_619 = tpu.memref_slice %arg10[%multiple_of3A] : memref<16384xf32, #tpu.memory_space<hbm>> -> memref<512xf32, #tpu.memory_space<hbm>>
      %dma_wait3A_620 = tpu.memref_slice %arg10[%multiple_of3A] : memref<16384xf32, #tpu.memory_space<hbm>> -> memref<512xf32, #tpu.memory_space<hbm>>
      tpu.wait_dma2 semaphore(%run_scoped3A_616 : memref<!tpu.dma_semaphore, #tpu.memory_space<semaphore_mem>>) src(%arg24 : memref<512xf32, #tpu.memory_space<vmem>>) dst(%dma_wait3A_620 : memref<512xf32, #tpu.memory_space<hbm>>)
      tpu.yield
    }) : () -> ()
    "tpu.region"() ({
      %run_scoped3A_616 = tpu.sem_alloc : memref<!tpu.dma_semaphore, #tpu.memory_space<semaphore_mem>>
      %dma_start3A_617 = tpu.memref_slice %arg11[%multiple_of3A] : memref<16384xf32, #tpu.memory_space<hbm>> -> memref<512xf32, #tpu.memory_space<hbm>>
      %dma_start3A_618 = tpu.memref_slice %arg11[%multiple_of3A] : memref<16384xf32, #tpu.memory_space<hbm>> -> memref<512xf32, #tpu.memory_space<hbm>>
      tpu.enqueue_dma source(%arg25 : memref<512xf32, #tpu.memory_space<vmem>>) target(%dma_start3A_618 : memref<512xf32, #tpu.memory_space<hbm>>) target_semaphore(%run_scoped3A_616 : memref<!tpu.dma_semaphore, #tpu.memory_space<semaphore_mem>>)
      %dma_wait3A_619 = tpu.memref_slice %arg11[%multiple_of3A] : memref<16384xf32, #tpu.memory_space<hbm>> -> memref<512xf32, #tpu.memory_space<hbm>>
      %dma_wait3A_620 = tpu.memref_slice %arg11[%multiple_of3A] : memref<16384xf32, #tpu.memory_space<hbm>> -> memref<512xf32, #tpu.memory_space<hbm>>
      tpu.wait_dma2 semaphore(%run_scoped3A_616 : memref<!tpu.dma_semaphore, #tpu.memory_space<semaphore_mem>>) src(%arg25 : memref<512xf32, #tpu.memory_space<vmem>>) dst(%dma_wait3A_620 : memref<512xf32, #tpu.memory_space<hbm>>)
      tpu.yield
    }) : () -> ()
    return
  }
}

</mosaic_0001>

<sc_bundles>
// kernel: kernel.3.cloned.1.call-start
scs
__scs_entry_jumppad:
0x0: {  	(pc) =	sbr.rel $0x88, $3  }
0x1: {  	(tag) =	ssettag $0x0;
	lr =	simm.s32 $0x1  }
0x2: {  	[smem:$0x3F99] =	sst lr;
	_ =	strace $0xD0000000  }
0x3: {  	_ = 	snop  }
0x4: {  	_ = 	snop  }
0x5: {  	_ = 	snop  }
0x6: {  	_ = 	snop  }
0x7: {  	_ = 	snop  }
__scs_overlays_trampoline_lowered:
0x8: {  	[smem:$0x3FA8] =	sst s0  }
0x9: {  	[smem:$0x3FA9] =	sst s1  }
0xa: {  	[smem:$0x3FAA] =	sst s2  }
0xb: {  	[smem:$0x3FAB] =	sst s3  }
0xc: {  	[smem:$0x3FAC] =	sst s4  }
0xd: {  	[smem:$0x3FAD] =	sst s5  }
0xe: {  	[smem:$0x3FAE] =	sst s6  }
0xf: {  	[smem:$0x3FAF] =	sst s7  }
0x10: {  	[smem:$0x3FB0] =	sst s8  }
0x11: {  	[smem:$0x3FB1] =	sst s9;
	s0 =	simm.s32 @!p0 $0x0  }
0x12: {  	s1 =	sld [smem:$0x3F97];
	s0 =	simm.s32 @p0 $0x1  }
0x13: {  	[smem:$0x3FB2] =	sst s0;
	s0 =	simm.s32 @!p1 $0x0  }
0x14: {  	s2 =	sld [smem:$0x3F96];
	s0 =	simm.s32 @p1 $0x1  }
0x15: {  	[smem:$0x3FB3] =	sst s0;
	s0 =	simm.s32 @!p2 $0x0  }
0x16: {  	s3 =	sld [smem:$0x3FDB];
	s0 =	simm.s32 @p2 $0x1  }
0x17: {  	s4 =	simm.s32 $0x1BF5;
	[smem:$0x3FB5] =	sst s0  }
0x18: {  	s0 =	sld [smem:$0x3F98];
	_ =	swait.ge [sflag:s4], $0x0  }
0x19: {  	s7 =	sld [smem:$0x3F99]  }
0x1a: {  	s8 =	sadd.s32 $0xFFFFE003, lr  }
0x1b: {  	s9 =	sadd.s32 $0xFFFFFEF7, lr;
	s5 =	simm.s32 $0xFFFFFFFF;
	p2 =	slt.u32 s8, $0xFFFFF086  }
0x1c: {  	p1 =	slt.u32 s9, $0xF7A;
	s5 =	simm.s32 @!p2 $0x0  }
0x1d: {  	s5 =	simm.s32 @p1 $0x1;
	p0 =	seq.s32 s7, s2  }
0x1e: {  	s7 =	smul.u32 @!p0 $0xF7A, s2;
	p2 =	seq.s32 @!p0 s5, $0x0  }
0x1f: {  	s9 =	smul.u32 $0xF7A, s1;
	s8 =	simm.s32 @!p0 $0x1BF5;
	p2 =	por !p2, p0  }
0x20: {  	[sflag:s8] =	ssyncset.s32 @!p0 $0xFFFFF086;
	s6 =	sadd.s32 @!p0 s3, s7;
	s7 =	simm.s32 @!p0 $0x108  }
0x21: {  	s3 =	sadd.s32 s3, s9;
	s6 =	sadd.s32 @!p0 $0x88, s6;
	s7 =	simm.s32 @p2 $0x1082  }
0x22: {  	[simem:s7], [sflag:s8] =	dma.local @!p0 [hbm:s6], $0xF7A  }
0x23: {  	s9 =	sor.u32 $0xD0000000, s2;
	s6 =	simm.s32 $0x108;
	_ =	swait.ge @!p0 [sflag:s8], $0x0  }
0x24: {  	s3 =	sadd.s32 $0x88, s3;
	s6 =	simm.s32 @!p1 $0x1082;
	[sflag:s4] =	ssyncset.s32 $0xFFFFF086  }
0x25: {  	[simem:s6], [sflag:s4] =	dma.local [hbm:s3], $0xF7A  }
0x26: {  	[smem:$0x3F99] =	sst s1;
	(tag) =	ssettag s2;
	_ =	strace s9  }
0x27: {  	s1 =	sld [smem:$0x3FA9]  }
0x28: {  	s2 =	sld [smem:$0x3FAA]  }
0x29: {  	s4 =	sld [smem:$0x3FAC]  }
0x2a: {  	p0 =	seq.s32 s5, $0x0;
	s5 =	sld [smem:$0x3FAD]  }
0x2b: {  	s6 =	sld [smem:$0x3FAE]  }
0x2c: {  	s7 =	sld [smem:$0x3FAF]  }
0x2d: {  	s3 =	simm.s32 $0x108;
	s8 =	sld [smem:$0x3FB0]  }
0x2e: {  	s3 =	simm.s32 @!p0 $0x1082;
	s9 =	sld [smem:$0x3FB1]  }
0x2f: {  	lr =	sadd.s32 s0, s3;
	s0 =	sld [smem:$0x3FA8]  }
0x30: {  	s3 =	sld [smem:$0x3FAB]  }
0x31: {  	[smem:$0x3FB4] =	sst s10  }
0x32: {  	s10 =	sld [smem:$0x3FB2];
	_ =	sdelay $0x3  }
0x33: {  	p0 =	seq.s32 s10, $0x1;
	s10 =	sld [smem:$0x3FB4];
	_ =	sdelay $0x3  }
0x34: {  	[smem:$0x3FB4] =	sst s10  }
0x35: {  	s10 =	sld [smem:$0x3FB3];
	_ =	sdelay $0x3  }
0x36: {  	p1 =	seq.s32 s10, $0x1;
	s10 =	sld [smem:$0x3FB4];
	_ =	sdelay $0x3  }
0x37: {  	[smem:$0x3FB4] =	sst s10  }
0x38: {  	s10 =	sld [smem:$0x3FB5]  }
0x39: {  	_ = 	snop;
	(pc) =	sbr.ind lr, $3  }
0x3a: {  	_ = 	snop  }
0x3b: {  	_ = 	snop  }
0x3c: {  	p2 =	seq.s32 s10, $0x1;
	s10 =	sld [smem:$0x3FB4]  }
0x3d: {  	_ =	shalt  }
0x3e: {  	_ =	shalt  }
0x3f: {  	_ =	shalt  }
0x40: {  	_ =	shalt  }
0x41: {  	_ =	shalt  }
0x42: {  	_ =	shalt  }
0x43: {  	_ =	shalt  }
0x44: {  	_ =	shalt  }
0x45: {  	_ =	shalt  }
0x46: {  	_ =	shalt  }
0x47: {  	_ =	shalt  }
0x48: {  	_ =	shalt  }
0x49: {  	_ =	shalt  }
0x4a: {  	_ =	shalt  }
0x4b: {  	_ =	shalt  }
0x4c: {  	_ =	shalt  }
0x4d: {  	_ =	shalt  }
0x4e: {  	_ =	shalt  }
0x4f: {  	_ =	shalt  }
0x50: {  	_ =	shalt  }
0x51: {  	_ =	shalt  }
0x52: {  	_ =	shalt  }
0x53: {  	_ =	shalt  }
0x54: {  	_ =	shalt  }
0x55: {  	_ =	shalt  }
0x56: {  	_ =	shalt  }
0x57: {  	_ =	shalt  }
0x58: {  	_ =	shalt  }
0x59: {  	_ =	shalt  }
0x5a: {  	_ =	shalt  }
0x5b: {  	_ =	shalt  }
0x5c: {  	_ =	shalt  }
0x5d: {  	_ =	shalt  }
0x5e: {  	_ =	shalt  }
0x5f: {  	_ =	shalt  }
0x60: {  	_ =	shalt  }
0x61: {  	_ =	shalt  }
0x62: {  	_ =	shalt  }
0x63: {  	_ =	shalt  }
0x64: {  	_ =	shalt  }
0x65: {  	_ =	shalt  }
0x66: {  	_ =	shalt  }
0x67: {  	_ =	shalt  }
0x68: {  	_ =	shalt  }
0x69: {  	_ =	shalt  }
0x6a: {  	_ =	shalt  }
0x6b: {  	_ =	shalt  }
0x6c: {  	_ =	shalt  }
0x6d: {  	_ =	shalt  }
0x6e: {  	_ =	shalt  }
0x6f: {  	_ =	shalt  }
0x70: {  	_ =	shalt  }
0x71: {  	_ =	shalt  }
0x72: {  	_ =	shalt  }
0x73: {  	_ =	shalt  }
0x74: {  	_ =	shalt  }
0x75: {  	_ =	shalt  }
0x76: {  	_ =	shalt  }
0x77: {  	_ =	shalt  }
0x78: {  	_ =	shalt  }
0x79: {  	_ =	shalt  }
0x7a: {  	_ =	shalt  }
0x7b: {  	_ =	shalt  }
0x7c: {  	_ =	shalt  }
0x7d: {  	_ =	shalt  }
0x7e: {  	_ =	shalt  }
0x7f: {  	_ =	shalt  }
0x80: {  	_ =	shalt  }
0x81: {  	_ =	shalt  }
0x82: {  	_ =	shalt  }
0x83: {  	_ =	shalt  }
0x84: {  	_ =	shalt  }
0x85: {  	_ =	shalt  }
0x86: {  	_ =	shalt  }
0x87: {  	_ =	shalt  }
.Lfunc_end0:
.L_simem_size_0:
called_computation_lowered:
.L_overlay_start_0:
0x88: {  	s2 =	sld [smem:$0x3FD9]  }
0x89: {  	s3 =	sld [smem:$0x3FFE];
	_ =	sdelay $0x1  }
0x8a: {  	s1 =	srdreg.scid  }
0x8b: {  	s0 =	sand.u32 $0x1, s1  }
0x8c: {  	s14 =	sshll.u32 s0, $0xA;
	s2 =	sadd.s32 s3, s2  }
0x8d: {  	s2 =	sadd.s32 s2, s14  }
0x8e: {  	[smem:$0x3FC0] =	sst s2  }
0x8f: {  	_ = 	snop  }
0x90: {  	s2 =	sld [smem:$0x3FC9]  }
0x91: {  	s15 =	sld [smem:$0x3FD0]  }
0x92: {  	s4 =	sld [smem:$0x3FC8]  }
0x93: {  	s5 =	sld [smem:$0x3FC7]  }
0x94: {  	s7 =	simm.s32 $0xA;
	s8 =	simm.s32 $0x10;
	s6 =	sld [smem:$0x3FC6]  }
0x95: {  	[smem:s8], [sflag:s7] =	dma.local [hbm:s15], $0x1  }
0x96: {  	_ =	swait.eq [sflag:s7], $0x1  }
0x97: {  	[sflag:s7] =	ssyncset.done $0x0  }
0x98: {  	s16 =	sld [smem:$0x10];
	[sflag:s7] =	ssyncadd.s32 $0xFFFFFFFF  }
0x99: {  	s17 =	sld [smem:$0x11];
	(tm) =	ssettm $0x1  }
0x9a: {  	s18 =	sld [smem:$0x3FFB];
	_ =	sdelay $0x3  }
0x9b: {  	_ =	strace s18  }
0x9c: {  	s8 =	sld [smem:$0x3FFC];
	_ =	sdelay $0x3  }
0x9d: {  	_ =	strace s8  }
0x9e: {  	s8 =	sld [smem:$0x3FFD];
	_ =	sdelay $0x3  }
0x9f: {  	_ =	strace s8  }
0xa0: {  	_ =	strace $0x8FFFFFFF  }
0xa1: {  	s19 =	sld [smem:$0x3FDB];
	_ =	sdelay $0x1  }
0xa2: {  	s9 =	simm.s32 $_scs_section_size  }
0xa3: {  	s10 =	simm.s32 $_size__tile_overlayer_lowered;
	s11 =	simm.s32 $_tile_overlayer_lowered  }
0xa4: {  	s22 =	simm.s32 $0x1BFF;
	s21 =	sshll.u32 s11, $0x1;
	s8 =	sadd.s32 s9, s19  }
0xa5: {  	s12 =	simm.s32 $0x0;
	s20 =	sshll.u32 s10, $0x1;
	s10 =	sadd.s32 s21, s8  }
0xa6: {  	[timem:s12], [sflag:s22] =	dma.local [hbm:s10], s20  }
0xa7: {  	_ =	swait.ge [sflag:s22], s20  }
0xa8: {  	s9 =	ssub.s32 $0x0, s20;
	[sflag:s22] =	ssyncset.done $0x0  }
0xa9: {  	[sflag:s22] =	ssyncadd.s32 s9;
	_ =	sdelay $0x1  }
0xaa: {  	s23 =	simm.s32 $0x1B8B  }
0xab: {  	_ =	swait.ge [sflag:s23], $0x1  }
0xac: {  	[sflag:s23] =	ssyncset.done $0x0  }
0xad: {  	s25 =	simm.s32 $0x1B8E;
	s24 =	sld [smem:$0x3FFE];
	[sflag:s23] =	ssyncadd.s32 $0xFFFFFFFF  }
0xae: {  	s26 =	simm.s32 $execute0_lowered;
	[smem:$0x3FD2] =	sst s25  }
0xaf: {  	s10 =	sshll.u32 s26, $0x1;
	_ =	strace $0x80000046;
	[dreg:$0x1] =	wrdreg $0xFFFFFFFF  }
0xb0: {  	s28 =	simm.s32 $_size_execute0_lowered;
	s8 =	sadd.s32 s8, s10;
	[dreg:$0x0] =	wrdreg $0x0  }
0xb1: {  	s10 =	sshll.u32 s28, $0x1;
	[dreg:$0x2] =	wrdreg s8  }
0xb2: {  	[dreg:$0x3] =	wrdreg s10  }
0xb3: {  	[dreg:$0x4] =	wrdreg $0xC0  }
0xb4: {  	_ =	task [dreg:s12], $0x5FFFF  }
0xb5: {  	[dreg:$0x1] =	wrdreg $0xFFFFFFFF  }
0xb6: {  	[dreg:$0x0] =	wrdreg $0x60  }
0xb7: {  	[dreg:$0x2] =	wrdreg s2  }
0xb8: {  	[dreg:$0x3] =	wrdreg s4  }
0xb9: {  	[dreg:$0x4] =	wrdreg s5  }
0xba: {  	[dreg:$0x5] =	wrdreg s6  }
0xbb: {  	[dreg:$0x6] =	wrdreg s24  }
0xbc: {  	[dreg:$0x7] =	wrdreg s16  }
0xbd: {  	[dreg:$0x8] =	wrdreg s17  }
0xbe: {  	[dreg:$0x9] =	wrdreg $0x9  }
0xbf: {  	_ =	task.clear_ibuf [dreg:s12], $0xAFFFF;
	_ =	strace $0x90000046  }
0xc0: {  	s29 =	simm.s32 $0x9;
	_ =	strace $0x80000048  }
0xc1: {  	_ =	swait.ge [sflag:s29], $0x1  }
0xc2: {  	[sflag:s29] =	ssyncadd.s32 $0xFFFFFFFF  }
0xc3: {  	_ =	strace $0x90000048  }
0xc4: {  	_ =	sfence  }
0xc5: {  	s30 =	sld [smem:$0x0];
	_ =	sdelay $0x2  }
0xc6: {  	s31 =	sshll.u32 s1, $0xD;
	s1 =	sshrl.u32 s1, $0x2  }
0xc7: {  	s3 =	sand.u32 $0x4000, s31;
	s1 =	sadd.s32 s1, s30  }
0xc8: {  	s0 =	sor.u32 s3, s0;
	s1 =	sshll.u32 s1, $0x11  }
0xc9: {  	s0 =	sor.u32 s1, s0  }
0xca: {  	s0 =	sadd.s32 $0x8F2B, s0  }
0xcb: {  	[sflag:s0] =	ssyncadd.remote.s32 $0x1  }
0xcc: {  	_ =	sfence.sel $0xFFFF  }
0xcd: {  	[dreg:$0x0] =	wrdreg $0xFFFFFFFF;
	(pc) =	sbr.abs _section_cstart, $3  }
0xce: {  	[dreg:$0x1] =	wrdreg $0xFFFFFFFF  }
0xcf: {  	_ =	task.clear_ibuf [dreg:s12], $0x2FFFF;
	_ =	strace $0x9FFFFFFF  }
0xd0: {  	(tm) =	ssettm $0x7FFFFFFF  }
0xd1: {  	_ =	shalt  }
tec
execute0_lowered:
.L_overlay_start_1:
0x0: {  	(tag) =	ssettag $0x1  }
0x1: {  	v0 =	vlaneseq.u32;
	v14 =	vimm.s32 $0x14131211;
	v15 =	vimm.s32 $0x18171615  }
0x2: {  	vm0 =	vcmask $0x1F10;
	v17 =	vimm.s32 $0x1C1B1A19;
	v18 =	vimm.s32 $0x1F1E1D  }
0x3: {  	v21 =	vimm.s32 $0x1D1C1B1A;
	v23 =	vimm.s32 $0x1A191817;
	v30 =	vimm.s32 $0x3020100  }
0x4: {  	v33 =	vimm.s32 $0x1B1A1918;
	v35 =	vimm.s32 $0x4030201;
	v36 =	vimm.s32 $0x5040302  }
0x5: {  	v51 =	vimm.s32 $0x6050403;
	v52 =	vimm.s32 $0x87654321;
	v53 =	vimm.s32 $0x98765432  }
0x6: {  	v54 =	vimm.s32 $0x32107654;
	v55 =	vimm.s32 $0xA9876543;
	vm14 =	vcmask $0x2F10  }
0x7: {  	v59 =	vimm.s32 $0x6543A987;
	v61 =	vimm.s32 $0xC0B0A09;
	vm15 =	vcmask $0x3F30  }
0x8: {  	v1 =	vmul.u32 $0x20, v0;
	v2 =	vadd.s32 $0x1, v0;
	v3 =	vadd.s32 $0x2, v0  }
0x9: {  	v4 =	vadd.s32 $0x3, v0;
	v5 =	vadd.s32 $0x4, v0;
	v6 =	vadd.s32 $0x5, v0  }
0xa: {  	v7 =	vadd.s32 $0x6, v0;
	v8 =	vadd.s32 $0x7, v0;
	v9 =	vadd.s32 $0x8, v0  }
0xb: {  	v10 =	vadd.s32 $0x9, v0;
	v11 =	vadd.s32 $0xA, v0;
	v12 =	vadd.s32 $0xB, v0  }
0xc: {  	s2 =	rddreg [dreg:$0x0];
	v13 =	vadd.s32 $0xC, v0;
	v16 =	vunpack.c.0.s8.s32 v14;
	v19 =	vunpack.c.0.s8.s32 v15  }
0xd: {  	s5 =	rddreg [dreg:$0x1];
	v14 =	vadd.s32 $0xD, v0;
	v15 =	vadd.s32 $0xE, v0;
	v20 =	vunpack.c.0.s8.s32 v17  }
0xe: {  	s7 =	rddreg [dreg:$0x2];
	v26 =	vunpack.c.0.s8.s32 v18;
	v17 =	vimm.s32 $0x15141312;
	v18 =	vimm.s32 $0x19181716  }
0xf: {  	s6 =	rddreg [dreg:$0x3];
	v21 =	vunpack.c.0.s8.s32 v21;
	v23 =	vunpack.c.0.s8.s32 v23;
	v33 =	vunpack.c.0.s8.s32 v33  }
0x10: {  	s0 =	rddreg [dreg:$0x4];
	v35 =	vunpack.c.0.s8.s32 v35;
	v36 =	vunpack.c.0.s8.s32 v36;
	v58 =	vunpack.c.l.s4.s8 v55  }
0x11: {  	s8 =	rddreg [dreg:$0x5];
	s3 =	srdreg.scid;
	v62 =	vunpack.c.0.s8.s32 v61;
	v22 =	vunpack.c.0.s8.s32 v18;
	v18 =	vimm.s32 $0x1001F1E  }
0x12: {  	s9 =	rddreg [dreg:$0x6];
	s4 =	sand.u32 $0x1, s3;
	v17 =	vunpack.c.0.s8.s32 v17;
	v16 =	vsel vm0, v19, v16;
	v27 =	vunpack.c.0.s8.s32 v18  }
0x13: {  	s1 =	simm.s32 $0x0;
	s12 =	stileid.u32;
	s10 =	ssub.s32 $0x2, s4;
	v18 =	vimm.s32 $0x16151413;
	v24 =	vsel vm0, v26, v20;
	v50 =	vsel vm0, v35, v26  }
0x14: {  	s12 =	sshll.u32 s12, $0x7;
	s13 =	sshll.u32 s4, $0x6;
	s11 =	sshrl.u32 s10, $0x1;
	v19 =	vsel vm0, v20, v19;
	v18 =	vunpack.c.0.s8.s32 v18;
	v16 =	vcombine.low v16, v24  }
0x15: {  	s29 =	simm.s32 $0x400;
	v17 =	vsel vm0, v22, v17;
	s10 =	ssub.s32 s10, s11;
	s11 =	sor.u32 s13, s12;
	v25 =	vsel vm0, v27, v21;
	v20 =	vsel vm0, v36, v27  }
0x16: {  	s30 =	simm.s32 $0x600;
	[smem:$0x7FF] =	sst s1;
	s12 =	sadd.s32 s2, s11;
	v21 =	vsel vm0, v21, v22;
	v29 =	vsel vm0, v23, v18;
	v18 =	vimm.s32 $0x1E1D1C1B  }
0x17: {  	_ =	strace $0x80000047;
	s24 =	sadd.s32 s5, s11;
	v22 =	vunpack.c.0.s8.s32 v51;
	[dreg:$0x8] =	wrdreg s12;
	v31 =	vunpack.c.0.s8.s32 v18;
	v18 =	vimm.s32 $0x201001F  }
0x18: {  	s31 =	simm.s32 $0x80;
	s13 =	sadd.s32 s7, s11;
	[dreg:$0x9] =	wrdreg s24;
	v28 =	vunpack.c.0.s8.s32 v18;
	v18 =	vunpack.c.0.s8.s32 v30;
	v30 =	vimm.s32 $0x1F1E1D1C  }
0x19: {  	s25 =	sor.u32 $0x10, s11;
	s23 =	sadd.s32 s6, s11;
	[dreg:$0xa] =	wrdreg s13;
	v20 =	vcombine.low v21, v20;
	v32 =	vunpack.c.0.s8.s32 v30;
	v30 =	vimm.s32 $0x17161514  }
0x1a: {  	s28 =	simm.s32 $0x11000;
	s26 =	sadd.s32 s2, s25;
	v21 =	vimm.s32 $0x76543210;
	[dreg:$0x17] =	wrdreg s23;
	v23 =	vsel vm0, v31, v23;
	v34 =	vunpack.c.0.s8.s32 v30  }
0x1b: {  	s3 =	sadd.s32 $0x1313000, s0;
	s14 =	sadd.s32 s5, s25;
	[dreg:$0xb] =	wrdreg s26;
	v30 =	vsel vm0, v28, v31;
	v22 =	vsel vm0, v22, v28;
	v31 =	vunpack.c.l.s4.s8 v21  }
0x1c: {  	s4 =	sadd.s32 $0xF42600, s0;
	s15 =	sadd.s32 s7, s25;
	[dreg:$0xc] =	wrdreg s14;
	v18 =	vsel vm0, v18, v32;
	v21 =	vcombine.low v23, v22;
	v34 =	vsel vm0, v33, v34  }
0x1d: {  	s16 =	sor.u32 $0x20, s11;
	s12 =	sadd.s32 s6, s25;
	[dreg:$0xd] =	wrdreg s15;
	v22 =	vunpack.c.l.s4.s8 v53;
	v18 =	vcombine.low v34, v18;
	v34 =	vunpack.c.l.s4.s8 v52  }
0x1e: {  	v19 =	vcombine.low v19, v50;
	s19 =	sor.u32 $0x30, s11;
	s17 =	sadd.s32 s2, s16;
	[dreg:$0xe] =	wrdreg s12;
	v23 =	vunpack.c.l.s4.s8 v54;
	v31 =	vunpack.c.0.s8.s32 v31  }
0x1f: {  	s18 =	sadd.s32 s5, s16;
	s2 =	sadd.s32 s2, s19;
	[dreg:$0xf] =	wrdreg s17;
	v33 =	vsel vm0, v32, v33;
	v35 =	vunpack.c.0.s8.s32 v22;
	v34 =	vunpack.c.0.s8.s32 v34  }
0x20: {  	v17 =	vcombine.low v17, v25;
	s20 =	sadd.s32 s5, s19;
	s21 =	sadd.s32 s7, s19;
	[dreg:$0x10] =	wrdreg s18;
	v22 =	vcombine.low v33, v31;
	v33 =	vunpack.c.l.s4.s8 v59  }
0x21: {  	s22 =	sadd.s32 s6, s19;
	s24 =	sadd.s32 s8, s11;
	[dreg:$0x13] =	wrdreg s2;
	v37 =	vunpack.c.0.s8.s32 v23;
	v31 =	vand.u32 $0xF, v35;
	v34 =	vand.u32 $0xF, v34  }
0x22: {  	s25 =	sadd.s32 s9, s11;
	s23 =	sadd.s32 $0x1EC00, s0;
	[dreg:$0x14] =	wrdreg s20;
	v33 =	vunpack.c.0.s8.s32 v33;
	v23 =	vcombine.low v24, v34;
	v24 =	vimm.s32 $0x43218765  }
0x23: {  	s5 =	simm.s32 $0x680;
	s8 =	simm.s32 $0x500;
	[dreg:$0x15] =	wrdreg s21;
	v57 =	vunpack.c.l.s4.s8 v24;
	v24 =	vcombine.low v25, v31;
	v25 =	vimm.s32 $0x54329876  }
0x24: {  	s9 =	simm.s32 $0x700;
	s11 =	simm.s32 $0x380;
	[dreg:$0x16] =	wrdreg s22;
	v56 =	vand.u32 $0xF, v37;
	v33 =	vand.u32 $0xF, v33;
	v25 =	vunpack.c.l.s4.s8 v25  }
0x25: {  	s13 =	simm.s32 $0x780;
	s19 =	simm.s32 $0x2;
	[dreg:$0x18] =	wrdreg s24;
	v35 =	vunpack.c.0.s8.s32 v58;
	v31 =	vimm.s32 $0xB0A0908;
	v33 =	vsel vm14, v33, v28  }
0x26: {  	s14 =	sadd.s32 s7, s16;
	s12 =	sadd.s32 s6, s16;
	[dreg:$0x19] =	wrdreg s25;
	v28 =	vimm.s32 $0xE0D0C0B;
	v34 =	vunpack.c.0.s8.s32 v57;
	v60 =	vunpack.c.0.s8.s32 v25  }
0x27: {  	s24 =	sadd.s32 $0x200, s0;
	s26 =	smax.u32 s10, $0x1;
	s0 =	simm.s32 $0x280;
	v32 =	vsel vm14, v56, v32;
	v31 =	vunpack.c.0.s8.s32 v31;
	v38 =	vunpack.c.0.s8.s32 v28  }
0x28: {  	s2 =	simm.s32 $0x480;
	s6 =	simm.s32 $0x100;
	s7 =	simm.s32 $0x300;
	v28 =	vor.u32 $0x10, v0;
	v34 =	vand.u32 $0xF, v34;
	v36 =	vand.u32 $0xF, v60  }
0x29: {  	s10 =	simm.s32 $0x180;
	s15 =	simm.s32 $0x4800;
	[dreg:$0x11] =	wrdreg s14;
	v34 =	vsel vm14, v34, v26;
	v36 =	vsel vm14, v36, v27;
	v27 =	vimm.s32 $0xD0C0B0A  }
0x2a: {  	s16 =	simm.s32 $0x8800;
	s17 =	simm.s32 $0xC800;
	[dreg:$0x12] =	wrdreg s12;
	v26 =	vcombine.low v29, v30;
	v29 =	vand.u32 $0xF, v35;
	v63 =	vunpack.c.0.s8.s32 v27  }
0x2b: {  	s18 =	simm.s32 $0x1;
	s21 =	simm.s32 $0x0;
	[dreg:$0x1a] =	wrdreg s26;
	v25 =	vadd.s32 $0xF, v0;
	v27 =	vcombine.low v30, v29;
	v29 =	vsel vm15, v31, v32  }
0x2c: {  	s26 =	simm.s32 $0x3;
	s12 =	simm.s32 $0x580;
	s14 =	simm.s32 $0x800;
	v30 =	vsel vm15, v62, v34;
	v32 =	vsel vm15, v38, v33;
	v31 =	vsel vm15, v63, v36  }
.LBB2_1:
0x2d: {  	s20 =	rddreg [dreg:$0x8]  }
0x2e: {  	[tilespmem:s1], [sflag:$0x3] =	stream.linear.gather [hbm4b:s20+s1], $0x80, $0x38;
	[tilespmem:$0x11400] =	vst v63  }
0x2f: {  	_ =	swait.ge [sflag:s26], $0x80  }
0x30: {  	[sflag:s26] =	ssyncset.done $0x0  }
0x31: {  	s25 =	simm.s32 $0x200;
	s22 =	rddreg [dreg:$0x9];
	[sflag:s26] =	ssyncadd.s32 $0xFFFFFF80  }
0x32: {  	[tilespmem:s25], [sflag:$0x3] =	stream.linear.gather [hbm4b:s22+s1], $0x80, $0x38;
	[tilespmem:$0x11400] =	vst v63  }
0x33: {  	_ =	swait.ge [sflag:s26], $0x80  }
0x34: {  	[sflag:s26] =	ssyncset.done $0x0  }
0x35: {  	s22 =	rddreg [dreg:$0xa];
	[sflag:s26] =	ssyncadd.s32 $0xFFFFFF80  }
0x36: {  	[tilespmem:s29], [sflag:$0x3] =	stream.linear.gather [hbm4b:s22+s1], $0x80, $0x38;
	[tilespmem:$0x11400] =	vst v63  }
0x37: {  	_ =	swait.ge [sflag:s26], $0x80  }
0x38: {  	[sflag:s26] =	ssyncset.done $0x0  }
0x39: {  	s22 =	rddreg [dreg:$0x17];
	[sflag:s26] =	ssyncadd.s32 $0xFFFFFF80  }
0x3a: {  	[tilespmem:s30], [sflag:$0x3] =	stream.linear.gather [hbm4b:s22+s1], $0x80, $0x38;
	[tilespmem:$0x11400] =	vst v63  }
0x3b: {  	_ =	swait.ge [sflag:s26], $0x80  }
0x3c: {  	[sflag:s26] =	ssyncset.done $0x0  }
0x3d: {  	s22 =	rddreg [dreg:$0xb];
	[sflag:s26] =	ssyncadd.s32 $0xFFFFFF80  }
0x3e: {  	[tilespmem:s31], [sflag:$0x3] =	stream.linear.gather [hbm4b:s22+s1], $0x80, $0x38;
	[tilespmem:$0x11400] =	vst v63  }
0x3f: {  	_ =	swait.ge [sflag:s26], $0x80  }
0x40: {  	[sflag:s26] =	ssyncset.done $0x0  }
0x41: {  	s22 =	rddreg [dreg:$0xc];
	[sflag:s26] =	ssyncadd.s32 $0xFFFFFF80  }
0x42: {  	[tilespmem:s0], [sflag:$0x3] =	stream.linear.gather [hbm4b:s22+s1], $0x80, $0x38;
	[tilespmem:$0x11400] =	vst v63  }
0x43: {  	_ =	swait.ge [sflag:s26], $0x80  }
0x44: {  	[sflag:s26] =	ssyncset.done $0x0  }
0x45: {  	s22 =	rddreg [dreg:$0xd];
	[sflag:s26] =	ssyncadd.s32 $0xFFFFFF80  }
0x46: {  	[tilespmem:s2], [sflag:$0x3] =	stream.linear.gather [hbm4b:s22+s1], $0x80, $0x38;
	[tilespmem:$0x11400] =	vst v63  }
0x47: {  	_ =	swait.ge [sflag:s26], $0x80  }
0x48: {  	[sflag:s26] =	ssyncset.done $0x0  }
0x49: {  	s22 =	rddreg [dreg:$0xe];
	[sflag:s26] =	ssyncadd.s32 $0xFFFFFF80  }
0x4a: {  	[tilespmem:s5], [sflag:$0x3] =	stream.linear.gather [hbm4b:s22+s1], $0x80, $0x38;
	[tilespmem:$0x11400] =	vst v63  }
0x4b: {  	_ =	swait.ge [sflag:s26], $0x80  }
0x4c: {  	[sflag:s26] =	ssyncset.done $0x0  }
0x4d: {  	s22 =	rddreg [dreg:$0xf];
	[sflag:s26] =	ssyncadd.s32 $0xFFFFFF80  }
0x4e: {  	[tilespmem:s6], [sflag:$0x3] =	stream.linear.gather [hbm4b:s22+s1], $0x80, $0x38;
	[tilespmem:$0x11400] =	vst v63  }
0x4f: {  	_ =	swait.ge [sflag:s26], $0x80  }
0x50: {  	[sflag:s26] =	ssyncset.done $0x0  }
0x51: {  	s22 =	rddreg [dreg:$0x10];
	[sflag:s26] =	ssyncadd.s32 $0xFFFFFF80  }
0x52: {  	[tilespmem:s7], [sflag:$0x3] =	stream.linear.gather [hbm4b:s22+s1], $0x80, $0x38;
	[tilespmem:$0x11400] =	vst v63  }
0x53: {  	_ =	swait.ge [sflag:s26], $0x80  }
0x54: {  	[sflag:s26] =	ssyncset.done $0x0  }
0x55: {  	s22 =	rddreg [dreg:$0x11];
	[sflag:s26] =	ssyncadd.s32 $0xFFFFFF80  }
0x56: {  	[tilespmem:s8], [sflag:$0x3] =	stream.linear.gather [hbm4b:s22+s1], $0x80, $0x38;
	[tilespmem:$0x11400] =	vst v63  }
0x57: {  	_ =	swait.ge [sflag:s26], $0x80  }
0x58: {  	[sflag:s26] =	ssyncset.done $0x0  }
0x59: {  	s22 =	rddreg [dreg:$0x12];
	[sflag:s26] =	ssyncadd.s32 $0xFFFFFF80  }
0x5a: {  	[tilespmem:s9], [sflag:$0x3] =	stream.linear.gather [hbm4b:s22+s1], $0x80, $0x38;
	[tilespmem:$0x11400] =	vst v63  }
0x5b: {  	_ =	swait.ge [sflag:s26], $0x80  }
0x5c: {  	[sflag:s26] =	ssyncset.done $0x0  }
0x5d: {  	s22 =	rddreg [dreg:$0x13];
	[sflag:s26] =	ssyncadd.s32 $0xFFFFFF80  }
0x5e: {  	[tilespmem:s10], [sflag:$0x3] =	stream.linear.gather [hbm4b:s22+s1], $0x80, $0x38;
	[tilespmem:$0x11400] =	vst v63  }
0x5f: {  	_ =	swait.ge [sflag:s26], $0x80  }
0x60: {  	[sflag:s26] =	ssyncset.done $0x0  }
0x61: {  	s22 =	rddreg [dreg:$0x14];
	[sflag:s26] =	ssyncadd.s32 $0xFFFFFF80  }
0x62: {  	[tilespmem:s11], [sflag:$0x3] =	stream.linear.gather [hbm4b:s22+s1], $0x80, $0x38;
	[tilespmem:$0x11400] =	vst v63  }
0x63: {  	_ =	swait.ge [sflag:s26], $0x80  }
0x64: {  	[sflag:s26] =	ssyncset.done $0x0  }
0x65: {  	s22 =	rddreg [dreg:$0x15];
	[sflag:s26] =	ssyncadd.s32 $0xFFFFFF80  }
0x66: {  	[tilespmem:s12], [sflag:$0x3] =	stream.linear.gather [hbm4b:s22+s1], $0x80, $0x38;
	[tilespmem:$0x11400] =	vst v63  }
0x67: {  	_ =	swait.ge [sflag:s26], $0x80  }
0x68: {  	[sflag:s26] =	ssyncset.done $0x0  }
0x69: {  	s22 =	rddreg [dreg:$0x16];
	[sflag:s26] =	ssyncadd.s32 $0xFFFFFF80  }
0x6a: {  	[tilespmem:s13], [sflag:$0x3] =	stream.linear.gather [hbm4b:s22+s1], $0x80, $0x38;
	[tilespmem:$0x11400] =	vst v63  }
0x6b: {  	_ =	swait.ge [sflag:s26], $0x80  }
0x6c: {  	[sflag:s26] =	ssyncset.done $0x0  }
0x6d: {  	[sflag:s26] =	ssyncadd.s32 $0xFFFFFF80  }
0x6e: {  	[tilespmem:s14], [sflag:$0x1] =	stream.indirect.gather [hbm4b:s3+s31], $0x20, s1, s31, $0xb8;
	[tilespmem:$0x11400] =	vst v63  }
0x6f: {  	_ = 	snop  }
0x70: {  	[tilespmem:s15], [sflag:$0x1] =	stream.indirect.gather [hbm4b:s4+s31], $0x20, s25, s31, $0xb8;
	[tilespmem:$0x11400] =	vst v63  }
0x71: {  	s20 =	simm.s32 $0x10800  }
0x72: {  	[tilespmem:s20], [sflag:$0x1] =	stream.indirect.gather [hbm4b:s23+s31], $0x1, s1, s31, $0xb8;
	[tilespmem:$0x11400] =	vst v63  }
0x73: {  	s22 =	simm.s32 $0x10A00  }
0x74: {  	[tilespmem:s22], [sflag:$0x1] =	stream.indirect.gather [hbm4b:s24+s31], $0x1, s25, s31, $0xb8;
	[tilespmem:$0x11400] =	vst v63  }
0x75: {  	s25 =	simm.s32 $0x1800  }
0x76: {  	[tilespmem:s25], [sflag:$0x1] =	stream.indirect.gather [hbm4b:s3+s31], $0x20, s31, s31, $0xb8;
	[tilespmem:$0x11400] =	vst v63  }
0x77: {  	s25 =	simm.s32 $0x5800  }
0x78: {  	[tilespmem:s25], [sflag:$0x1] =	stream.indirect.gather [hbm4b:s4+s31], $0x20, s0, s31, $0xb8;
	[tilespmem:$0x11400] =	vst v63  }
0x79: {  	s25 =	simm.s32 $0x10880  }
0x7a: {  	[tilespmem:s25], [sflag:$0x1] =	stream.indirect.gather [hbm4b:s23+s31], $0x1, s31, s31, $0xb8;
	[tilespmem:$0x11400] =	vst v63  }
0x7b: {  	s25 =	simm.s32 $0x10A80  }
0x7c: {  	[tilespmem:s25], [sflag:$0x1] =	stream.indirect.gather [hbm4b:s24+s31], $0x1, s0, s31, $0xb8;
	[tilespmem:$0x11400] =	vst v63  }
0x7d: {  	s25 =	simm.s32 $0x2800  }
0x7e: {  	[tilespmem:s25], [sflag:$0x1] =	stream.indirect.gather [hbm4b:s3+s31], $0x20, s6, s31, $0xb8;
	[tilespmem:$0x11400] =	vst v63  }
0x7f: {  	s25 =	simm.s32 $0x6800  }
0x80: {  	[tilespmem:s25], [sflag:$0x1] =	stream.indirect.gather [hbm4b:s4+s31], $0x20, s7, s31, $0xb8;
	[tilespmem:$0x11400] =	vst v63  }
0x81: {  	s25 =	simm.s32 $0x10900  }
0x82: {  	[tilespmem:s25], [sflag:$0x1] =	stream.indirect.gather [hbm4b:s23+s31], $0x1, s6, s31, $0xb8;
	[tilespmem:$0x11400] =	vst v63  }
0x83: {  	s25 =	simm.s32 $0x10B00  }
0x84: {  	[tilespmem:s25], [sflag:$0x1] =	stream.indirect.gather [hbm4b:s24+s31], $0x1, s7, s31, $0xb8;
	[tilespmem:$0x11400] =	vst v63  }
0x85: {  	s25 =	simm.s32 $0x3800  }
0x86: {  	[tilespmem:s25], [sflag:$0x1] =	stream.indirect.gather [hbm4b:s3+s31], $0x20, s10, s31, $0xb8;
	[tilespmem:$0x11400] =	vst v63  }
0x87: {  	s25 =	simm.s32 $0x7800  }
0x88: {  	[tilespmem:s25], [sflag:$0x1] =	stream.indirect.gather [hbm4b:s4+s31], $0x20, s11, s31, $0xb8;
	[tilespmem:$0x11400] =	vst v63  }
0x89: {  	s25 =	simm.s32 $0x10980  }
0x8a: {  	[tilespmem:s25], [sflag:$0x1] =	stream.indirect.gather [hbm4b:s23+s31], $0x1, s10, s31, $0xb8;
	[tilespmem:$0x11400] =	vst v63  }
0x8b: {  	s25 =	simm.s32 $0x10B80  }
0x8c: {  	[tilespmem:s25], [sflag:$0x1] =	stream.indirect.gather [hbm4b:s24+s31], $0x1, s11, s31, $0xb8;
	[tilespmem:$0x11400] =	vst v63  }
0x8d: {  	_ = 	snop  }
0x8e: {  	[tilespmem:s16], [sflag:$0x2] =	stream.indirect.gather [hbm4b:s3+s31], $0x20, s29, s31, $0xb8;
	[tilespmem:$0x11400] =	vst v63  }
0x8f: {  	_ = 	snop  }
0x90: {  	[tilespmem:s17], [sflag:$0x2] =	stream.indirect.gather [hbm4b:s4+s31], $0x20, s30, s31, $0xb8;
	[tilespmem:$0x11400] =	vst v63  }
0x91: {  	s25 =	simm.s32 $0x10C00  }
0x92: {  	[tilespmem:s25], [sflag:$0x2] =	stream.indirect.gather [hbm4b:s23+s31], $0x1, s29, s31, $0xb8;
	[tilespmem:$0x11400] =	vst v63  }
0x93: {  	s25 =	simm.s32 $0x10E00  }
0x94: {  	[tilespmem:s25], [sflag:$0x2] =	stream.indirect.gather [hbm4b:s24+s31], $0x1, s30, s31, $0xb8;
	[tilespmem:$0x11400] =	vst v63  }
0x95: {  	s25 =	simm.s32 $0x9800  }
0x96: {  	[tilespmem:s25], [sflag:$0x2] =	stream.indirect.gather [hbm4b:s3+s31], $0x20, s2, s31, $0xb8;
	[tilespmem:$0x11400] =	vst v63  }
0x97: {  	s25 =	simm.s32 $0xD800  }
0x98: {  	[tilespmem:s25], [sflag:$0x2] =	stream.indirect.gather [hbm4b:s4+s31], $0x20, s5, s31, $0xb8;
	[tilespmem:$0x11400] =	vst v63  }
0x99: {  	s25 =	simm.s32 $0x10C80  }
0x9a: {  	[tilespmem:s25], [sflag:$0x2] =	stream.indirect.gather [hbm4b:s23+s31], $0x1, s2, s31, $0xb8;
	[tilespmem:$0x11400] =	vst v63  }
0x9b: {  	s25 =	simm.s32 $0x10E80  }
0x9c: {  	[tilespmem:s25], [sflag:$0x2] =	stream.indirect.gather [hbm4b:s24+s31], $0x1, s5, s31, $0xb8;
	[tilespmem:$0x11400] =	vst v63  }
0x9d: {  	s25 =	simm.s32 $0xA800  }
0x9e: {  	[tilespmem:s25], [sflag:$0x2] =	stream.indirect.gather [hbm4b:s3+s31], $0x20, s8, s31, $0xb8;
	[tilespmem:$0x11400] =	vst v63  }
0x9f: {  	s25 =	simm.s32 $0xE800  }
0xa0: {  	[tilespmem:s25], [sflag:$0x2] =	stream.indirect.gather [hbm4b:s4+s31], $0x20, s9, s31, $0xb8;
	[tilespmem:$0x11400] =	vst v63  }
0xa1: {  	s25 =	simm.s32 $0x10D00  }
0xa2: {  	[tilespmem:s25], [sflag:$0x2] =	stream.indirect.gather [hbm4b:s23+s31], $0x1, s8, s31, $0xb8;
	[tilespmem:$0x11400] =	vst v63  }
0xa3: {  	s25 =	simm.s32 $0x10F00  }
0xa4: {  	[tilespmem:s25], [sflag:$0x2] =	stream.indirect.gather [hbm4b:s24+s31], $0x1, s9, s31, $0xb8;
	[tilespmem:$0x11400] =	vst v63  }
0xa5: {  	s25 =	simm.s32 $0xB800  }
0xa6: {  	[tilespmem:s25], [sflag:$0x2] =	stream.indirect.gather [hbm4b:s3+s31], $0x20, s12, s31, $0xb8;
	[tilespmem:$0x11400] =	vst v63  }
0xa7: {  	s25 =	simm.s32 $0xF800  }
0xa8: {  	[tilespmem:s25], [sflag:$0x2] =	stream.indirect.gather [hbm4b:s4+s31], $0x20, s13, s31, $0xb8;
	[tilespmem:$0x11400] =	vst v63  }
0xa9: {  	s25 =	simm.s32 $0x10D80  }
0xaa: {  	[tilespmem:s25], [sflag:$0x2] =	stream.indirect.gather [hbm4b:s23+s31], $0x1, s12, s31, $0xb8;
	[tilespmem:$0x11400] =	vst v63  }
0xab: {  	s25 =	simm.s32 $0x10F80  }
0xac: {  	[tilespmem:s25], [sflag:$0x2] =	stream.indirect.gather [hbm4b:s24+s31], $0x1, s13, s31, $0xb8;
	[tilespmem:$0x11400] =	vst v63  }
0xad: {  	_ =	swait.ge [sflag:s18], $0x1000  }
0xae: {  	[sflag:s18] =	ssyncset.done $0x0  }
0xaf: {  	[sflag:s18] =	ssyncadd.s32 $0xFFFFF000  }
0xb0: {  	_ =	swait.ge [sflag:s18], $0x1000  }
0xb1: {  	[sflag:s18] =	ssyncset.done $0x0  }
0xb2: {  	[sflag:s18] =	ssyncadd.s32 $0xFFFFF000  }
0xb3: {  	_ =	swait.ge [sflag:s18], $0x80  }
0xb4: {  	[sflag:s18] =	ssyncset.done $0x0  }
0xb5: {  	[sflag:s18] =	ssyncadd.s32 $0xFFFFFF80  }
0xb6: {  	_ =	swait.ge [sflag:s18], $0x80  }
0xb7: {  	[sflag:s18] =	ssyncset.done $0x0  }
0xb8: {  	[sflag:s18] =	ssyncadd.s32 $0xFFFFFF80  }
0xb9: {  	_ =	swait.ge [sflag:s18], $0x1000  }
0xba: {  	[sflag:s18] =	ssyncset.done $0x0  }
0xbb: {  	[sflag:s18] =	ssyncadd.s32 $0xFFFFF000  }
0xbc: {  	_ =	swait.ge [sflag:s18], $0x1000  }
0xbd: {  	[sflag:s18] =	ssyncset.done $0x0  }
0xbe: {  	[sflag:s18] =	ssyncadd.s32 $0xFFFFF000  }
0xbf: {  	_ =	swait.ge [sflag:s18], $0x80  }
0xc0: {  	[sflag:s18] =	ssyncset.done $0x0  }
0xc1: {  	[sflag:s18] =	ssyncadd.s32 $0xFFFFFF80  }
0xc2: {  	_ =	swait.ge [sflag:s18], $0x80  }
0xc3: {  	[sflag:s18] =	ssyncset.done $0x0  }
0xc4: {  	[sflag:s18] =	ssyncadd.s32 $0xFFFFFF80  }
0xc5: {  	_ =	swait.ge [sflag:s18], $0x1000  }
0xc6: {  	[sflag:s18] =	ssyncset.done $0x0  }
0xc7: {  	[sflag:s18] =	ssyncadd.s32 $0xFFFFF000  }
0xc8: {  	_ =	swait.ge [sflag:s18], $0x1000  }
0xc9: {  	[sflag:s18] =	ssyncset.done $0x0  }
0xca: {  	[sflag:s18] =	ssyncadd.s32 $0xFFFFF000  }
0xcb: {  	_ =	swait.ge [sflag:s18], $0x80  }
0xcc: {  	[sflag:s18] =	ssyncset.done $0x0  }
0xcd: {  	[sflag:s18] =	ssyncadd.s32 $0xFFFFFF80  }
0xce: {  	_ =	swait.ge [sflag:s18], $0x80  }
0xcf: {  	[sflag:s18] =	ssyncset.done $0x0  }
0xd0: {  	[sflag:s18] =	ssyncadd.s32 $0xFFFFFF80  }
0xd1: {  	_ =	swait.ge [sflag:s18], $0x1000  }
0xd2: {  	[sflag:s18] =	ssyncset.done $0x0  }
0xd3: {  	[sflag:s18] =	ssyncadd.s32 $0xFFFFF000  }
0xd4: {  	_ =	swait.ge [sflag:s18], $0x1000  }
0xd5: {  	[sflag:s18] =	ssyncset.done $0x0  }
0xd6: {  	v33 =	vmov s1;
	[sflag:s18] =	ssyncadd.s32 $0xFFFFF000  }
0xd7: {  	v33 =	vshll.u32 v33, $0x5;
	_ =	swait.ge [sflag:s18], $0x80  }
0xd8: {  	v33 =	vor.u32 v1, v33;
	[sflag:s18] =	ssyncset.done $0x0  }
0xd9: {  	v34 =	vor.u32 v0, v33;
	[sflag:s18] =	ssyncadd.s32 $0xFFFFFF80  }
0xda: {  	_ =	swait.ge [sflag:s18], $0x80  }
0xdb: {  	[sflag:s18] =	ssyncset.done $0x0  }
0xdc: {  	v35 =	vor.u32 v2, v33;
	[sflag:s18] =	ssyncadd.s32 $0xFFFFFF80  }
0xdd: {  	v36 =	vld [tilespmem:s22+$0x0]  }
0xde: {  	v37 =	vor.u32 v3, v33;
	v38 =	vld.idx.msk [tilespmem:v34+s14+$0x0], $0xffff  }
0xdf: {  	v34 =	vld.idx.msk [tilespmem:v34+s15+$0x0], $0xffff  }
0xe0: {  	v39 =	vor.u32 v4, v33;
	v40 =	vld [tilespmem:s20+$0x0]  }
0xe1: {  	v41 =	vld.idx.msk [tilespmem:v35+s14+$0x0], $0xffff  }
0xe2: {  	v42 =	vor.u32 v5, v33;
	v35 =	vld.idx.msk [tilespmem:v35+s15+$0x0], $0xffff  }
0xe3: {  	v43 =	vld.idx.msk [tilespmem:v37+s14+$0x0], $0xffff  }
0xe4: {  	v44 =	vor.u32 v6, v33;
	v37 =	vld.idx.msk [tilespmem:v37+s15+$0x0], $0xffff  }
0xe5: {  	v45 =	vld.idx.msk [tilespmem:v39+s14+$0x0], $0xffff;
	v36 =	vadd.f32 v36, v40;
	v34 =	vmul.f32 v34, v38  }
0xe6: {  	v57 =	vor.u32 v7, v33;
	v56 =	vld.idx.msk [tilespmem:v39+s15+$0x0], $0xffff  }
0xe7: {  	v58 =	vld.idx.msk [tilespmem:v42+s14+$0x0], $0xffff;
	v35 =	vmul.f32 v35, v41;
	v34 =	vadd.f32 v34, v36  }
0xe8: {  	v60 =	vor.u32 v8, v33;
	v59 =	vld.idx.msk [tilespmem:v42+s15+$0x0], $0xffff  }
0xe9: {  	v61 =	vld.idx.msk [tilespmem:v44+s14+$0x0], $0xffff;
	v62 =	vmul.f32 v37, v43;
	v34 =	vadd.f32 v35, v34  }
0xea: {  	v48 =	vor.u32 v9, v33;
	v63 =	vld.idx.msk [tilespmem:v44+s15+$0x0], $0xffff  }
0xeb: {  	v49 =	vld.idx.msk [tilespmem:v57+s14+$0x0], $0xffff;
	v50 =	vmul.f32 v56, v45;
	v34 =	vadd.f32 v62, v34  }
0xec: {  	v52 =	vor.u32 v10, v33;
	v51 =	vld.idx.msk [tilespmem:v57+s15+$0x0], $0xffff  }
0xed: {  	v53 =	vld.idx.msk [tilespmem:v60+s14+$0x0], $0xffff;
	v54 =	vmul.f32 v59, v58;
	v34 =	vadd.f32 v50, v34  }
0xee: {  	v55 =	vld.idx.msk [tilespmem:v60+s15+$0x0], $0xffff;
	v56 =	vor.u32 v11, v33  }
0xef: {  	v57 =	vld.idx.msk [tilespmem:v48+s14+$0x0], $0xffff;
	v58 =	vmul.f32 v63, v61;
	v34 =	vadd.f32 v54, v34  }
0xf0: {  	v60 =	vor.u32 v12, v33;
	v59 =	vld.idx.msk [tilespmem:v48+s15+$0x0], $0xffff  }
0xf1: {  	v61 =	vld.idx.msk [tilespmem:v52+s14+$0x0], $0xffff;
	v62 =	vmul.f32 v51, v49;
	v34 =	vadd.f32 v58, v34  }
0xf2: {  	v63 =	vld.idx.msk [tilespmem:v52+s15+$0x0], $0xffff;
	v48 =	vor.u32 v13, v33  }
0xf3: {  	v49 =	vld.idx.msk [tilespmem:v56+s14+$0x0], $0xffff;
	v50 =	vmul.f32 v55, v53;
	v34 =	vadd.f32 v62, v34  }
0xf4: {  	v52 =	vor.u32 v14, v33;
	v51 =	vld.idx.msk [tilespmem:v56+s15+$0x0], $0xffff  }
0xf5: {  	v53 =	vld.idx.msk [tilespmem:v60+s14+$0x0], $0xffff;
	v54 =	vmul.f32 v59, v57;
	v34 =	vadd.f32 v50, v34  }
0xf6: {  	v56 =	vor.u32 v15, v33;
	v55 =	vld.idx.msk [tilespmem:v60+s15+$0x0], $0xffff  }
0xf7: {  	v57 =	vld.idx.msk [tilespmem:v48+s14+$0x0], $0xffff;
	v58 =	vmul.f32 v63, v61;
	v34 =	vadd.f32 v54, v34  }
0xf8: {  	v60 =	vor.u32 v25, v33;
	v59 =	vld.idx.msk [tilespmem:v48+s15+$0x0], $0xffff  }
0xf9: {  	v61 =	vld.idx.msk [tilespmem:v52+s14+$0x0], $0xffff;
	v62 =	vmul.f32 v51, v49;
	v34 =	vadd.f32 v58, v34  }
0xfa: {  	v48 =	vor.u32 v28, v33;
	v63 =	vld.idx.msk [tilespmem:v52+s15+$0x0], $0xffff  }
0xfb: {  	v49 =	vld.idx.msk [tilespmem:v56+s14+$0x0], $0xffff;
	v50 =	vmul.f32 v55, v53;
	v34 =	vadd.f32 v62, v34  }
0xfc: {  	v52 =	vor.u32 v16, v33;
	v51 =	vld.idx.msk [tilespmem:v56+s15+$0x0], $0xffff  }
0xfd: {  	v53 =	vld.idx.msk [tilespmem:v60+s14+$0x0], $0xffff;
	v54 =	vmul.f32 v59, v57;
	v34 =	vadd.f32 v50, v34  }
0xfe: {  	v56 =	vor.u32 v17, v33;
	v55 =	vld.idx.msk [tilespmem:v60+s15+$0x0], $0xffff  }
0xff: {  	v57 =	vld.idx.msk [tilespmem:v48+s14+$0x0], $0xffff;
	v58 =	vmul.f32 v63, v61;
	v34 =	vadd.f32 v54, v34  }
0x100: {  	v60 =	vor.u32 v26, v33;
	v59 =	vld.idx.msk [tilespmem:v48+s15+$0x0], $0xffff  }
0x101: {  	v61 =	vld.idx.msk [tilespmem:v52+s14+$0x0], $0xffff;
	v62 =	vmul.f32 v51, v49;
	v34 =	vadd.f32 v58, v34  }
0x102: {  	v48 =	vor.u32 v18, v33;
	v63 =	vld.idx.msk [tilespmem:v52+s15+$0x0], $0xffff  }
0x103: {  	v49 =	vld.idx.msk [tilespmem:v56+s14+$0x0], $0xffff;
	v50 =	vmul.f32 v55, v53;
	v34 =	vadd.f32 v62, v34  }
0x104: {  	v52 =	vor.u32 v19, v33;
	v51 =	vld.idx.msk [tilespmem:v56+s15+$0x0], $0xffff  }
0x105: {  	v53 =	vld.idx.msk [tilespmem:v60+s14+$0x0], $0xffff;
	v54 =	vmul.f32 v59, v57;
	v34 =	vadd.f32 v50, v34  }
0x106: {  	v56 =	vor.u32 v20, v33;
	v55 =	vld.idx.msk [tilespmem:v60+s15+$0x0], $0xffff  }
0x107: {  	v57 =	vld.idx.msk [tilespmem:v48+s14+$0x0], $0xffff;
	v58 =	vmul.f32 v63, v61;
	v34 =	vadd.f32 v54, v34  }
0x108: {  	v60 =	vor.u32 v21, v33;
	v59 =	vld.idx.msk [tilespmem:v48+s15+$0x0], $0xffff  }
0x109: {  	v61 =	vld.idx.msk [tilespmem:v52+s14+$0x0], $0xffff;
	v62 =	vmul.f32 v51, v49;
	v34 =	vadd.f32 v58, v34  }
0x10a: {  	v48 =	vor.u32 v22, v33;
	v63 =	vld.idx.msk [tilespmem:v52+s15+$0x0], $0xffff  }
0x10b: {  	v49 =	vld.idx.msk [tilespmem:v56+s14+$0x0], $0xffff;
	v50 =	vmul.f32 v55, v53;
	v34 =	vadd.f32 v62, v34  }
0x10c: {  	v52 =	vor.u32 v23, v33;
	v51 =	vld.idx.msk [tilespmem:v56+s15+$0x0], $0xffff  }
0x10d: {  	v53 =	vld.idx.msk [tilespmem:v60+s14+$0x0], $0xffff;
	v54 =	vmul.f32 v59, v57;
	v34 =	vadd.f32 v50, v34  }
0x10e: {  	v56 =	vor.u32 v24, v33;
	v55 =	vld.idx.msk [tilespmem:v60+s15+$0x0], $0xffff  }
0x10f: {  	v57 =	vld.idx.msk [tilespmem:v48+s14+$0x0], $0xffff;
	v58 =	vmul.f32 v63, v61;
	v34 =	vadd.f32 v54, v34  }
0x110: {  	v60 =	vor.u32 v27, v33;
	v59 =	vld.idx.msk [tilespmem:v48+s15+$0x0], $0xffff  }
0x111: {  	v61 =	vld.idx.msk [tilespmem:v52+s14+$0x0], $0xffff;
	v62 =	vmul.f32 v51, v49;
	v34 =	vadd.f32 v58, v34  }
0x112: {  	v48 =	vor.u32 v29, v33;
	v63 =	vld.idx.msk [tilespmem:v52+s15+$0x0], $0xffff  }
0x113: {  	v49 =	vld.idx.msk [tilespmem:v56+s14+$0x0], $0xffff;
	v50 =	vmul.f32 v55, v53;
	v34 =	vadd.f32 v62, v34  }
0x114: {  	v52 =	vor.u32 v30, v33;
	v51 =	vld.idx.msk [tilespmem:v56+s15+$0x0], $0xffff  }
0x115: {  	v53 =	vld.idx.msk [tilespmem:v60+s14+$0x0], $0xffff;
	v54 =	vmul.f32 v59, v57;
	v34 =	vadd.f32 v50, v34  }
0x116: {  	v56 =	vor.u32 v31, v33;
	v55 =	vld.idx.msk [tilespmem:v60+s15+$0x0], $0xffff  }
0x117: {  	v57 =	vld.idx.msk [tilespmem:v48+s14+$0x0], $0xffff;
	v58 =	vmul.f32 v63, v61;
	v34 =	vadd.f32 v54, v34  }
0x118: {  	v33 =	vor.u32 v32, v33;
	v59 =	vld.idx.msk [tilespmem:v48+s15+$0x0], $0xffff  }
0x119: {  	v60 =	vld.idx.msk [tilespmem:v52+s14+$0x0], $0xffff;
	v61 =	vmul.f32 v51, v49;
	v34 =	vadd.f32 v58, v34  }
0x11a: {  	v62 =	vld.idx.msk [tilespmem:v52+s15+$0x0], $0xffff  }
0x11b: {  	v45 =	vld.idx.msk [tilespmem:v56+s15+$0x0], $0xffff;
	v44 =	vmul.f32 v55, v53;
	v34 =	vadd.f32 v61, v34  }
0x11c: {  	v63 =	vld.idx.msk [tilespmem:v56+s14+$0x0], $0xffff  }
0x11d: {  	v46 =	vld.idx.msk [tilespmem:v33+s14+$0x0], $0xffff;
	v47 =	vmul.f32 v59, v57;
	v34 =	vadd.f32 v44, v34  }
0x11e: {  	v48 =	vld.idx.msk [tilespmem:v33+s15+$0x0], $0xffff  }
0x11f: {  	v50 =	vmul.f32 v62, v60;
	v49 =	vadd.f32 v47, v34  }
0x120: {  	s25 =	simm.s32 $0x10  }
0x121: {  	v51 =	vmov s25;
	v52 =	vmul.f32 v45, v63;
	v34 =	vadd.f32 v50, v49  }
0x122: {  	v53 =	vshll.u32 v51, $0x5  }
0x123: {  	v33 =	vor.u32 v1, v53;
	v54 =	vmul.f32 v48, v46;
	v34 =	vadd.f32 v52, v34  }
0x124: {  	v55 =	vor.u32 v0, v33  }
0x125: {  	v34 =	vadd.f32 v54, v34;
	_ =	sdelay $0x1  }
0x126: {  	s22 =	simm.s32 $0x10A10;
	v56 =	vor.u32 v2, v33;
	[tilespmem:s28+$0x0] =	vst v34  }
0x127: {  	v34 =	vld [tilespmem:s22+$0x0]  }
0x128: {  	v57 =	vor.u32 v3, v33;
	v58 =	vld.idx.msk [tilespmem:v55+s14+$0x0], $0xffff  }
0x129: {  	s25 =	simm.s32 $0x10810;
	v36 =	vld.idx.msk [tilespmem:v55+s15+$0x0], $0xffff  }
0x12a: {  	v59 =	vor.u32 v4, v33;
	v60 =	vld [tilespmem:s25+$0x0]  }
0x12b: {  	v61 =	vld.idx.msk [tilespmem:v56+s14+$0x0], $0xffff  }
0x12c: {  	v62 =	vor.u32 v5, v33;
	v35 =	vld.idx.msk [tilespmem:v56+s15+$0x0], $0xffff  }
0x12d: {  	v63 =	vld.idx.msk [tilespmem:v57+s14+$0x0], $0xffff  }
0x12e: {  	v48 =	vor.u32 v6, v33;
	v37 =	vld.idx.msk [tilespmem:v57+s15+$0x0], $0xffff  }
0x12f: {  	v49 =	vld.idx.msk [tilespmem:v59+s14+$0x0], $0xffff;
	v34 =	vadd.f32 v34, v60;
	v36 =	vmul.f32 v36, v58  }
0x130: {  	v51 =	vor.u32 v7, v33;
	v50 =	vld.idx.msk [tilespmem:v59+s15+$0x0], $0xffff  }
0x131: {  	v52 =	vld.idx.msk [tilespmem:v62+s14+$0x0], $0xffff;
	v35 =	vmul.f32 v35, v61;
	v34 =	vadd.f32 v36, v34  }
0x132: {  	v54 =	vor.u32 v8, v33;
	v53 =	vld.idx.msk [tilespmem:v62+s15+$0x0], $0xffff  }
0x133: {  	v55 =	vld.idx.msk [tilespmem:v48+s14+$0x0], $0xffff;
	v56 =	vmul.f32 v37, v63;
	v34 =	vadd.f32 v35, v34  }
0x134: {  	v57 =	vld.idx.msk [tilespmem:v48+s15+$0x0], $0xffff;
	v58 =	vor.u32 v9, v33  }
0x135: {  	v59 =	vld.idx.msk [tilespmem:v51+s14+$0x0], $0xffff;
	v60 =	vmul.f32 v50, v49;
	v34 =	vadd.f32 v56, v34  }
0x136: {  	v62 =	vor.u32 v10, v33;
	v61 =	vld.idx.msk [tilespmem:v51+s15+$0x0], $0xffff  }
0x137: {  	v63 =	vld.idx.msk [tilespmem:v54+s14+$0x0], $0xffff;
	v48 =	vmul.f32 v53, v52;
	v34 =	vadd.f32 v60, v34  }
0x138: {  	v49 =	vld.idx.msk [tilespmem:v54+s15+$0x0], $0xffff;
	v50 =	vor.u32 v11, v33  }
0x139: {  	v52 =	vmul.f32 v57, v55;
	v51 =	vld.idx.msk [tilespmem:v58+s14+$0x0], $0xffff;
	v34 =	vadd.f32 v48, v34  }
0x13a: {  	v54 =	vor.u32 v12, v33;
	v53 =	vld.idx.msk [tilespmem:v58+s15+$0x0], $0xffff  }
0x13b: {  	v55 =	vld.idx.msk [tilespmem:v62+s14+$0x0], $0xffff;
	v56 =	vmul.f32 v61, v59;
	v34 =	vadd.f32 v52, v34  }
0x13c: {  	v57 =	vld.idx.msk [tilespmem:v62+s15+$0x0], $0xffff;
	v58 =	vor.u32 v13, v33  }
0x13d: {  	v59 =	vld.idx.msk [tilespmem:v50+s14+$0x0], $0xffff;
	v60 =	vmul.f32 v49, v63;
	v34 =	vadd.f32 v56, v34  }
0x13e: {  	v62 =	vor.u32 v14, v33;
	v61 =	vld.idx.msk [tilespmem:v50+s15+$0x0], $0xffff  }
0x13f: {  	v63 =	vld.idx.msk [tilespmem:v54+s14+$0x0], $0xffff;
	v48 =	vmul.f32 v53, v51;
	v34 =	vadd.f32 v60, v34  }
0x140: {  	v50 =	vor.u32 v15, v33;
	v49 =	vld.idx.msk [tilespmem:v54+s15+$0x0], $0xffff  }
0x141: {  	v51 =	vld.idx.msk [tilespmem:v58+s14+$0x0], $0xffff;
	v52 =	vmul.f32 v57, v55;
	v34 =	vadd.f32 v48, v34  }
0x142: {  	v54 =	vor.u32 v25, v33;
	v53 =	vld.idx.msk [tilespmem:v58+s15+$0x0], $0xffff  }
0x143: {  	v55 =	vld.idx.msk [tilespmem:v62+s14+$0x0], $0xffff;
	v56 =	vmul.f32 v61, v59;
	v34 =	vadd.f32 v52, v34  }
0x144: {  	v58 =	vor.u32 v28, v33;
	v57 =	vld.idx.msk [tilespmem:v62+s15+$0x0], $0xffff  }
0x145: {  	v59 =	vld.idx.msk [tilespmem:v50+s14+$0x0], $0xffff;
	v60 =	vmul.f32 v49, v63;
	v34 =	vadd.f32 v56, v34  }
0x146: {  	v62 =	vor.u32 v16, v33;
	v61 =	vld.idx.msk [tilespmem:v50+s15+$0x0], $0xffff  }
0x147: {  	v63 =	vld.idx.msk [tilespmem:v54+s14+$0x0], $0xffff;
	v48 =	vmul.f32 v53, v51;
	v34 =	vadd.f32 v60, v34  }
0x148: {  	v50 =	vor.u32 v17, v33;
	v49 =	vld.idx.msk [tilespmem:v54+s15+$0x0], $0xffff  }
0x149: {  	v51 =	vld.idx.msk [tilespmem:v58+s14+$0x0], $0xffff;
	v52 =	vmul.f32 v57, v55;
	v34 =	vadd.f32 v48, v34  }
0x14a: {  	v54 =	vor.u32 v26, v33;
	v53 =	vld.idx.msk [tilespmem:v58+s15+$0x0], $0xffff  }
0x14b: {  	v55 =	vld.idx.msk [tilespmem:v62+s14+$0x0], $0xffff;
	v56 =	vmul.f32 v61, v59;
	v34 =	vadd.f32 v52, v34  }
0x14c: {  	v58 =	vor.u32 v18, v33;
	v57 =	vld.idx.msk [tilespmem:v62+s15+$0x0], $0xffff  }
0x14d: {  	v59 =	vld.idx.msk [tilespmem:v50+s14+$0x0], $0xffff;
	v60 =	vmul.f32 v49, v63;
	v34 =	vadd.f32 v56, v34  }
0x14e: {  	v62 =	vor.u32 v19, v33;
	v61 =	vld.idx.msk [tilespmem:v50+s15+$0x0], $0xffff  }
0x14f: {  	v63 =	vld.idx.msk [tilespmem:v54+s14+$0x0], $0xffff;
	v48 =	vmul.f32 v53, v51;
	v34 =	vadd.f32 v60, v34  }
0x150: {  	v50 =	vor.u32 v20, v33;
	v49 =	vld.idx.msk [tilespmem:v54+s15+$0x0], $0xffff  }
0x151: {  	v51 =	vld.idx.msk [tilespmem:v58+s14+$0x0], $0xffff;
	v52 =	vmul.f32 v57, v55;
	v34 =	vadd.f32 v48, v34  }
0x152: {  	v54 =	vor.u32 v21, v33;
	v53 =	vld.idx.msk [tilespmem:v58+s15+$0x0], $0xffff  }
0x153: {  	v55 =	vld.idx.msk [tilespmem:v62+s14+$0x0], $0xffff;
	v56 =	vmul.f32 v61, v59;
	v34 =	vadd.f32 v52, v34  }
0x154: {  	v58 =	vor.u32 v22, v33;
	v57 =	vld.idx.msk [tilespmem:v62+s15+$0x0], $0xffff  }
0x155: {  	v59 =	vld.idx.msk [tilespmem:v50+s14+$0x0], $0xffff;
	v60 =	vmul.f32 v49, v63;
	v34 =	vadd.f32 v56, v34  }
0x156: {  	v62 =	vor.u32 v23, v33;
	v61 =	vld.idx.msk [tilespmem:v50+s15+$0x0], $0xffff  }
0x157: {  	v63 =	vld.idx.msk [tilespmem:v54+s14+$0x0], $0xffff;
	v48 =	vmul.f32 v53, v51;
	v34 =	vadd.f32 v60, v34  }
0x158: {  	v50 =	vor.u32 v24, v33;
	v49 =	vld.idx.msk [tilespmem:v54+s15+$0x0], $0xffff  }
0x159: {  	v51 =	vld.idx.msk [tilespmem:v58+s14+$0x0], $0xffff;
	v52 =	vmul.f32 v57, v55;
	v34 =	vadd.f32 v48, v34  }
0x15a: {  	v54 =	vor.u32 v27, v33;
	v53 =	vld.idx.msk [tilespmem:v58+s15+$0x0], $0xffff  }
0x15b: {  	v55 =	vld.idx.msk [tilespmem:v62+s14+$0x0], $0xffff;
	v56 =	vmul.f32 v61, v59;
	v34 =	vadd.f32 v52, v34  }
0x15c: {  	v58 =	vor.u32 v29, v33;
	v57 =	vld.idx.msk [tilespmem:v62+s15+$0x0], $0xffff  }
0x15d: {  	v59 =	vld.idx.msk [tilespmem:v50+s14+$0x0], $0xffff;
	v60 =	vmul.f32 v49, v63;
	v34 =	vadd.f32 v56, v34  }
0x15e: {  	v62 =	vor.u32 v30, v33;
	v61 =	vld.idx.msk [tilespmem:v50+s15+$0x0], $0xffff  }
0x15f: {  	v47 =	vld.idx.msk [tilespmem:v54+s15+$0x0], $0xffff;
	v46 =	vmul.f32 v53, v51;
	v34 =	vadd.f32 v60, v34  }
0x160: {  	v63 =	vld.idx.msk [tilespmem:v54+s14+$0x0], $0xffff;
	v48 =	vor.u32 v31, v33  }
0x161: {  	v51 =	vld.idx.msk [tilespmem:v58+s15+$0x0], $0xffff;
	v50 =	vmul.f32 v57, v55;
	v34 =	vadd.f32 v46, v34  }
0x162: {  	v49 =	vld.idx.msk [tilespmem:v58+s14+$0x0], $0xffff;
	v33 =	vor.u32 v32, v33  }
0x163: {  	v54 =	vld.idx.msk [tilespmem:v62+s15+$0x0], $0xffff;
	v53 =	vmul.f32 v61, v59;
	v34 =	vadd.f32 v50, v34  }
0x164: {  	v52 =	vld.idx.msk [tilespmem:v62+s14+$0x0], $0xffff  }
0x165: {  	v56 =	vmul.f32 v47, v63;
	v55 =	vld.idx.msk [tilespmem:v48+s14+$0x0], $0xffff;
	v34 =	vadd.f32 v53, v34  }
0x166: {  	v57 =	vld.idx.msk [tilespmem:v48+s15+$0x0], $0xffff  }
0x167: {  	v59 =	vmul.f32 v51, v49;
	v58 =	vld.idx.msk [tilespmem:v33+s14+$0x0], $0xffff;
	v34 =	vadd.f32 v56, v34  }
0x168: {  	v60 =	vld.idx.msk [tilespmem:v33+s15+$0x0], $0xffff  }
0x169: {  	s20 =	simm.s32 $0x20;
	v62 =	vmul.f32 v54, v52;
	v61 =	vadd.f32 v59, v34  }
0x16a: {  	v63 =	vmov s20  }
0x16b: {  	v35 =	vshll.u32 v63, $0x5;
	v38 =	vmul.f32 v57, v55;
	v37 =	vadd.f32 v62, v61  }
0x16c: {  	v33 =	vor.u32 v1, v35  }
0x16d: {  	s28 =	simm.s32 $0x30;
	s20 =	simm.s32 $0x11000;
	v36 =	vmul.f32 v60, v58;
	v34 =	vor.u32 v2, v33;
	v35 =	vadd.f32 v38, v37  }
.LBB2_2:
0x16e: {  	p0 =	sne.s32 s28, $0x1F0  }
0x16f: {  	v37 =	vor.u32 v0, v33;
	v35 =	vadd.f32 v36, v35  }
0x170: {  	s20 =	sadd.s32 $0x10, s20  }
0x171: {  	[tilespmem:s20+$0x0] =	vst v35  }
0x172: {  	s22 =	sadd.s32 $0x10, s22;
	v35 =	vld.idx.msk [tilespmem:v34+s14+$0x0], $0xffff  }
0x173: {  	v38 =	vor.u32 v3, v33;
	v36 =	vld [tilespmem:s22+$0x0]  }
0x174: {  	v39 =	vld.idx.msk [tilespmem:v37+s14+$0x0], $0xffff  }
0x175: {  	v40 =	vor.u32 v4, v33;
	s25 =	sadd.s32 $0x10, s25;
	v37 =	vld.idx.msk [tilespmem:v37+s15+$0x0], $0xffff  }
0x176: {  	v41 =	vld [tilespmem:s25+$0x0]  }
0x177: {  	v42 =	vor.u32 v5, v33;
	v34 =	vld.idx.msk [tilespmem:v34+s15+$0x0], $0xffff  }
0x178: {  	v43 =	vld.idx.msk [tilespmem:v38+s14+$0x0], $0xffff  }
0x179: {  	v44 =	vor.u32 v6, v33;
	v38 =	vld.idx.msk [tilespmem:v38+s15+$0x0], $0xffff  }
0x17a: {  	v45 =	vld.idx.msk [tilespmem:v40+s14+$0x0], $0xffff  }
0x17b: {  	v37 =	vmul.f32 v37, v39;
	v36 =	vadd.f32 v36, v41;
	v39 =	vld.idx.msk [tilespmem:v40+s15+$0x0], $0xffff;
	v40 =	vor.u32 v7, v33  }
0x17c: {  	v41 =	vld.idx.msk [tilespmem:v42+s14+$0x0], $0xffff  }
0x17d: {  	v34 =	vmul.f32 v34, v35;
	v36 =	vadd.f32 v37, v36;
	v35 =	vld.idx.msk [tilespmem:v42+s15+$0x0], $0xffff;
	v37 =	vor.u32 v8, v33  }
0x17e: {  	v42 =	vld.idx.msk [tilespmem:v44+s14+$0x0], $0xffff  }
0x17f: {  	v34 =	vadd.f32 v34, v36;
	v36 =	vmul.f32 v38, v43;
	v38 =	vld.idx.msk [tilespmem:v44+s15+$0x0], $0xffff;
	v43 =	vor.u32 v9, v33  }
0x180: {  	v44 =	vld.idx.msk [tilespmem:v40+s14+$0x0], $0xffff  }
0x181: {  	v34 =	vadd.f32 v36, v34;
	v36 =	vmul.f32 v39, v45;
	v39 =	vld.idx.msk [tilespmem:v40+s15+$0x0], $0xffff;
	v40 =	vor.u32 v10, v33  }
0x182: {  	v45 =	vld.idx.msk [tilespmem:v37+s14+$0x0], $0xffff  }
0x183: {  	v35 =	vmul.f32 v35, v41;
	v34 =	vadd.f32 v36, v34;
	v36 =	vld.idx.msk [tilespmem:v37+s15+$0x0], $0xffff;
	v37 =	vor.u32 v11, v33  }
0x184: {  	v41 =	vld.idx.msk [tilespmem:v43+s14+$0x0], $0xffff  }
0x185: {  	v34 =	vadd.f32 v35, v34;
	v35 =	vmul.f32 v38, v42;
	v38 =	vld.idx.msk [tilespmem:v43+s15+$0x0], $0xffff;
	v42 =	vor.u32 v12, v33  }
0x186: {  	v43 =	vld.idx.msk [tilespmem:v40+s14+$0x0], $0xffff  }
0x187: {  	v34 =	vadd.f32 v35, v34;
	v35 =	vmul.f32 v39, v44;
	v39 =	vld.idx.msk [tilespmem:v40+s15+$0x0], $0xffff;
	v40 =	vor.u32 v13, v33  }
0x188: {  	v44 =	vld.idx.msk [tilespmem:v37+s14+$0x0], $0xffff  }
0x189: {  	v34 =	vadd.f32 v35, v34;
	v35 =	vmul.f32 v36, v45;
	v36 =	vld.idx.msk [tilespmem:v37+s15+$0x0], $0xffff;
	v37 =	vor.u32 v14, v33  }
0x18a: {  	v45 =	vld.idx.msk [tilespmem:v42+s14+$0x0], $0xffff  }
0x18b: {  	v34 =	vadd.f32 v35, v34;
	v35 =	vmul.f32 v38, v41;
	v38 =	vld.idx.msk [tilespmem:v42+s15+$0x0], $0xffff;
	v41 =	vor.u32 v15, v33  }
0x18c: {  	v42 =	vld.idx.msk [tilespmem:v40+s14+$0x0], $0xffff  }
0x18d: {  	v34 =	vadd.f32 v35, v34;
	v35 =	vmul.f32 v39, v43;
	v39 =	vld.idx.msk [tilespmem:v40+s15+$0x0], $0xffff;
	v40 =	vor.u32 v25, v33  }
0x18e: {  	v43 =	vld.idx.msk [tilespmem:v37+s14+$0x0], $0xffff  }
0x18f: {  	v34 =	vadd.f32 v35, v34;
	v35 =	vmul.f32 v36, v44;
	v36 =	vld.idx.msk [tilespmem:v37+s15+$0x0], $0xffff;
	v37 =	vor.u32 v28, v33  }
0x190: {  	v44 =	vld.idx.msk [tilespmem:v41+s14+$0x0], $0xffff  }
0x191: {  	v34 =	vadd.f32 v35, v34;
	v35 =	vmul.f32 v38, v45;
	v38 =	vld.idx.msk [tilespmem:v41+s15+$0x0], $0xffff;
	v41 =	vor.u32 v16, v33  }
0x192: {  	v45 =	vld.idx.msk [tilespmem:v40+s14+$0x0], $0xffff  }
0x193: {  	v34 =	vadd.f32 v35, v34;
	v35 =	vmul.f32 v39, v42;
	v39 =	vld.idx.msk [tilespmem:v40+s15+$0x0], $0xffff;
	v40 =	vor.u32 v17, v33  }
0x194: {  	v42 =	vld.idx.msk [tilespmem:v37+s14+$0x0], $0xffff  }
0x195: {  	v34 =	vadd.f32 v35, v34;
	v35 =	vmul.f32 v36, v43;
	v36 =	vld.idx.msk [tilespmem:v37+s15+$0x0], $0xffff;
	v37 =	vor.u32 v26, v33  }
0x196: {  	v43 =	vld.idx.msk [tilespmem:v41+s14+$0x0], $0xffff  }
0x197: {  	v34 =	vadd.f32 v35, v34;
	v35 =	vmul.f32 v38, v44;
	v38 =	vld.idx.msk [tilespmem:v41+s15+$0x0], $0xffff;
	v41 =	vor.u32 v18, v33  }
0x198: {  	v44 =	vld.idx.msk [tilespmem:v40+s14+$0x0], $0xffff  }
0x199: {  	v34 =	vadd.f32 v35, v34;
	v35 =	vmul.f32 v39, v45;
	v39 =	vld.idx.msk [tilespmem:v40+s15+$0x0], $0xffff;
	v40 =	vor.u32 v19, v33  }
0x19a: {  	v45 =	vld.idx.msk [tilespmem:v37+s14+$0x0], $0xffff  }
0x19b: {  	v34 =	vadd.f32 v35, v34;
	v35 =	vmul.f32 v36, v42;
	v36 =	vld.idx.msk [tilespmem:v37+s15+$0x0], $0xffff;
	v37 =	vor.u32 v20, v33  }
0x19c: {  	v42 =	vld.idx.msk [tilespmem:v41+s14+$0x0], $0xffff  }
0x19d: {  	v34 =	vadd.f32 v35, v34;
	v35 =	vmul.f32 v38, v43;
	v38 =	vld.idx.msk [tilespmem:v41+s15+$0x0], $0xffff;
	v41 =	vor.u32 v21, v33  }
0x19e: {  	v43 =	vld.idx.msk [tilespmem:v40+s14+$0x0], $0xffff  }
0x19f: {  	v34 =	vadd.f32 v35, v34;
	v35 =	vmul.f32 v39, v44;
	v39 =	vld.idx.msk [tilespmem:v40+s15+$0x0], $0xffff;
	v40 =	vor.u32 v22, v33  }
0x1a0: {  	v44 =	vld.idx.msk [tilespmem:v37+s14+$0x0], $0xffff  }
0x1a1: {  	v34 =	vadd.f32 v35, v34;
	v35 =	vmul.f32 v36, v45;
	v36 =	vld.idx.msk [tilespmem:v37+s15+$0x0], $0xffff;
	v37 =	vor.u32 v23, v33  }
0x1a2: {  	v45 =	vld.idx.msk [tilespmem:v41+s14+$0x0], $0xffff  }
0x1a3: {  	v34 =	vadd.f32 v35, v34;
	v35 =	vmul.f32 v38, v42;
	v38 =	vld.idx.msk [tilespmem:v41+s15+$0x0], $0xffff;
	v41 =	vor.u32 v24, v33  }
0x1a4: {  	v42 =	vld.idx.msk [tilespmem:v40+s14+$0x0], $0xffff  }
0x1a5: {  	v34 =	vadd.f32 v35, v34;
	v35 =	vmul.f32 v39, v43;
	v39 =	vld.idx.msk [tilespmem:v40+s15+$0x0], $0xffff;
	v40 =	vor.u32 v27, v33  }
0x1a6: {  	v43 =	vld.idx.msk [tilespmem:v37+s14+$0x0], $0xffff  }
0x1a7: {  	v34 =	vadd.f32 v35, v34;
	v35 =	vmul.f32 v36, v44;
	v36 =	vld.idx.msk [tilespmem:v37+s15+$0x0], $0xffff;
	v37 =	vor.u32 v29, v33  }
0x1a8: {  	v44 =	vld.idx.msk [tilespmem:v41+s14+$0x0], $0xffff  }
0x1a9: {  	v34 =	vadd.f32 v35, v34;
	v35 =	vmul.f32 v38, v45;
	v38 =	vld.idx.msk [tilespmem:v41+s15+$0x0], $0xffff;
	v41 =	vor.u32 v30, v33  }
0x1aa: {  	v45 =	vld.idx.msk [tilespmem:v40+s14+$0x0], $0xffff  }
0x1ab: {  	v34 =	vadd.f32 v35, v34;
	v35 =	vmul.f32 v39, v42;
	v39 =	vld.idx.msk [tilespmem:v40+s15+$0x0], $0xffff;
	v40 =	vor.u32 v31, v33  }
0x1ac: {  	v42 =	vld.idx.msk [tilespmem:v37+s14+$0x0], $0xffff  }
0x1ad: {  	v33 =	vor.u32 v32, v33;
	v34 =	vadd.f32 v35, v34;
	v35 =	vmul.f32 v36, v43;
	v36 =	vld.idx.msk [tilespmem:v37+s15+$0x0], $0xffff  }
0x1ae: {  	v37 =	vld.idx.msk [tilespmem:v41+s14+$0x0], $0xffff  }
0x1af: {  	v34 =	vadd.f32 v35, v34;
	v35 =	vmul.f32 v38, v44;
	v38 =	vld.idx.msk [tilespmem:v41+s15+$0x0], $0xffff  }
0x1b0: {  	v41 =	vld.idx.msk [tilespmem:v40+s14+$0x0], $0xffff  }
0x1b1: {  	v34 =	vadd.f32 v35, v34;
	v35 =	vmul.f32 v39, v45;
	v39 =	vld.idx.msk [tilespmem:v40+s15+$0x0], $0xffff  }
0x1b2: {  	v40 =	vld.idx.msk [tilespmem:v33+s14+$0x0], $0xffff  }
0x1b3: {  	v34 =	vadd.f32 v35, v34;
	v35 =	vmul.f32 v36, v42;
	v36 =	vld.idx.msk [tilespmem:v33+s15+$0x0], $0xffff;
	_ =	sdelay $0x1  }
.Ltmp0:
0x1b4: {  	v33 =	vadd.f32 v35, v34;
	v34 =	vmul.f32 v38, v37;
	(pc) =	sbr.rel @p0 .LBB2_2-.Ltmp0, $4  }
0x1b5: {  	v35 =	vmov s28  }
0x1b6: {  	v35 =	vshll.u32 v35, $0x5;
	v38 =	vmul.f32 v39, v41;
	v37 =	vadd.f32 v34, v33  }
0x1b7: {  	v33 =	vor.u32 v1, v35  }
0x1b8: {  	s28 =	sadd.s32 $0x10, s28;
	v34 =	vor.u32 v2, v33;
	v36 =	vmul.f32 v36, v40;
	v35 =	vadd.f32 v38, v37  }
0x1b9: {  	_ = 	snop  }
0x1ba: {  	v37 =	vor.u32 v0, v33;
	v35 =	vadd.f32 v36, v35  }
0x1bb: {  	s20 =	sadd.s32 $0x10, s20  }
0x1bc: {  	s22 =	sadd.s32 $0x10, s22;
	[tilespmem:s20+$0x0] =	vst v35  }
0x1bd: {  	s25 =	sadd.s32 $0x10, s25;
	v35 =	vld [tilespmem:s22+$0x0]  }
0x1be: {  	v61 =	vor.u32 v3, v33;
	v40 =	vld [tilespmem:s25+$0x0]  }
0x1bf: {  	v38 =	vld.idx.msk [tilespmem:v37+s14+$0x0], $0xffff  }
0x1c0: {  	v39 =	vor.u32 v4, v33;
	v37 =	vld.idx.msk [tilespmem:v37+s15+$0x0], $0xffff  }
0x1c1: {  	v41 =	vld.idx.msk [tilespmem:v34+s14+$0x0], $0xffff  }
0x1c2: {  	v42 =	vor.u32 v5, v33;
	v62 =	vld.idx.msk [tilespmem:v34+s15+$0x0], $0xffff  }
0x1c3: {  	v43 =	vld.idx.msk [tilespmem:v61+s14+$0x0], $0xffff  }
0x1c4: {  	v44 =	vor.u32 v6, v33;
	v36 =	vld.idx.msk [tilespmem:v61+s15+$0x0], $0xffff  }
0x1c5: {  	v45 =	vld.idx.msk [tilespmem:v39+s14+$0x0], $0xffff;
	v35 =	vadd.f32 v35, v40;
	v37 =	vmul.f32 v37, v38  }
0x1c6: {  	v48 =	vor.u32 v7, v33;
	v63 =	vld.idx.msk [tilespmem:v39+s15+$0x0], $0xffff  }
0x1c7: {  	v49 =	vld.idx.msk [tilespmem:v42+s14+$0x0], $0xffff;
	v34 =	vmul.f32 v62, v41;
	v35 =	vadd.f32 v37, v35  }
0x1c8: {  	v51 =	vor.u32 v8, v33;
	v50 =	vld.idx.msk [tilespmem:v42+s15+$0x0], $0xffff  }
0x1c9: {  	v52 =	vld.idx.msk [tilespmem:v44+s14+$0x0], $0xffff;
	v53 =	vmul.f32 v36, v43;
	v34 =	vadd.f32 v34, v35  }
0x1ca: {  	v55 =	vor.u32 v9, v33;
	v54 =	vld.idx.msk [tilespmem:v44+s15+$0x0], $0xffff  }
0x1cb: {  	v56 =	vld.idx.msk [tilespmem:v48+s14+$0x0], $0xffff;
	v57 =	vmul.f32 v63, v45;
	v34 =	vadd.f32 v53, v34  }
0x1cc: {  	v59 =	vor.u32 v10, v33;
	v58 =	vld.idx.msk [tilespmem:v48+s15+$0x0], $0xffff  }
0x1cd: {  	v60 =	vld.idx.msk [tilespmem:v51+s14+$0x0], $0xffff;
	v61 =	vmul.f32 v50, v49;
	v34 =	vadd.f32 v57, v34  }
0x1ce: {  	v62 =	vld.idx.msk [tilespmem:v51+s15+$0x0], $0xffff;
	v63 =	vor.u32 v11, v33  }
0x1cf: {  	v48 =	vld.idx.msk [tilespmem:v55+s14+$0x0], $0xffff;
	v49 =	vmul.f32 v54, v52;
	v34 =	vadd.f32 v61, v34  }
0x1d0: {  	v51 =	vor.u32 v12, v33;
	v50 =	vld.idx.msk [tilespmem:v55+s15+$0x0], $0xffff  }
0x1d1: {  	v52 =	vld.idx.msk [tilespmem:v59+s14+$0x0], $0xffff;
	v53 =	vmul.f32 v58, v56;
	v34 =	vadd.f32 v49, v34  }
0x1d2: {  	v54 =	vld.idx.msk [tilespmem:v59+s15+$0x0], $0xffff;
	v55 =	vor.u32 v13, v33  }
0x1d3: {  	v56 =	vld.idx.msk [tilespmem:v63+s14+$0x0], $0xffff;
	v57 =	vmul.f32 v62, v60;
	v34 =	vadd.f32 v53, v34  }
0x1d4: {  	v59 =	vor.u32 v14, v33;
	v58 =	vld.idx.msk [tilespmem:v63+s15+$0x0], $0xffff  }
0x1d5: {  	v60 =	vld.idx.msk [tilespmem:v51+s14+$0x0], $0xffff;
	v61 =	vmul.f32 v50, v48;
	v34 =	vadd.f32 v57, v34  }
0x1d6: {  	v63 =	vor.u32 v15, v33;
	v62 =	vld.idx.msk [tilespmem:v51+s15+$0x0], $0xffff  }
0x1d7: {  	v48 =	vld.idx.msk [tilespmem:v55+s14+$0x0], $0xffff;
	v49 =	vmul.f32 v54, v52;
	v34 =	vadd.f32 v61, v34  }
0x1d8: {  	v51 =	vor.u32 v25, v33;
	v50 =	vld.idx.msk [tilespmem:v55+s15+$0x0], $0xffff  }
0x1d9: {  	v52 =	vld.idx.msk [tilespmem:v59+s14+$0x0], $0xffff;
	v53 =	vmul.f32 v58, v56;
	v34 =	vadd.f32 v49, v34  }
0x1da: {  	v55 =	vor.u32 v28, v33;
	v54 =	vld.idx.msk [tilespmem:v59+s15+$0x0], $0xffff  }
0x1db: {  	v56 =	vld.idx.msk [tilespmem:v63+s14+$0x0], $0xffff;
	v57 =	vmul.f32 v62, v60;
	v34 =	vadd.f32 v53, v34  }
0x1dc: {  	v59 =	vor.u32 v16, v33;
	v58 =	vld.idx.msk [tilespmem:v63+s15+$0x0], $0xffff  }
0x1dd: {  	v60 =	vld.idx.msk [tilespmem:v51+s14+$0x0], $0xffff;
	v61 =	vmul.f32 v50, v48;
	v34 =	vadd.f32 v57, v34  }
0x1de: {  	v63 =	vor.u32 v17, v33;
	v62 =	vld.idx.msk [tilespmem:v51+s15+$0x0], $0xffff  }
0x1df: {  	v48 =	vld.idx.msk [tilespmem:v55+s14+$0x0], $0xffff;
	v49 =	vmul.f32 v54, v52;
	v34 =	vadd.f32 v61, v34  }
0x1e0: {  	v51 =	vor.u32 v26, v33;
	v50 =	vld.idx.msk [tilespmem:v55+s15+$0x0], $0xffff  }
0x1e1: {  	v52 =	vld.idx.msk [tilespmem:v59+s14+$0x0], $0xffff;
	v53 =	vmul.f32 v58, v56;
	v34 =	vadd.f32 v49, v34  }
0x1e2: {  	v55 =	vor.u32 v18, v33;
	v54 =	vld.idx.msk [tilespmem:v59+s15+$0x0], $0xffff  }
0x1e3: {  	v56 =	vld.idx.msk [tilespmem:v63+s14+$0x0], $0xffff;
	v57 =	vmul.f32 v62, v60;
	v34 =	vadd.f32 v53, v34  }
0x1e4: {  	v59 =	vor.u32 v19, v33;
	v58 =	vld.idx.msk [tilespmem:v63+s15+$0x0], $0xffff  }
0x1e5: {  	v60 =	vld.idx.msk [tilespmem:v51+s14+$0x0], $0xffff;
	v61 =	vmul.f32 v50, v48;
	v34 =	vadd.f32 v57, v34  }
0x1e6: {  	v63 =	vor.u32 v20, v33;
	v62 =	vld.idx.msk [tilespmem:v51+s15+$0x0], $0xffff  }
0x1e7: {  	v48 =	vld.idx.msk [tilespmem:v55+s14+$0x0], $0xffff;
	v49 =	vmul.f32 v54, v52;
	v34 =	vadd.f32 v61, v34  }
0x1e8: {  	v51 =	vor.u32 v21, v33;
	v50 =	vld.idx.msk [tilespmem:v55+s15+$0x0], $0xffff  }
0x1e9: {  	v52 =	vld.idx.msk [tilespmem:v59+s14+$0x0], $0xffff;
	v53 =	vmul.f32 v58, v56;
	v34 =	vadd.f32 v49, v34  }
0x1ea: {  	v55 =	vor.u32 v22, v33;
	v54 =	vld.idx.msk [tilespmem:v59+s15+$0x0], $0xffff  }
0x1eb: {  	v56 =	vld.idx.msk [tilespmem:v63+s14+$0x0], $0xffff;
	v57 =	vmul.f32 v62, v60;
	v34 =	vadd.f32 v53, v34  }
0x1ec: {  	v59 =	vor.u32 v23, v33;
	v58 =	vld.idx.msk [tilespmem:v63+s15+$0x0], $0xffff  }
0x1ed: {  	v60 =	vld.idx.msk [tilespmem:v51+s14+$0x0], $0xffff;
	v61 =	vmul.f32 v50, v48;
	v34 =	vadd.f32 v57, v34  }
0x1ee: {  	v63 =	vor.u32 v24, v33;
	v62 =	vld.idx.msk [tilespmem:v51+s15+$0x0], $0xffff  }
0x1ef: {  	v48 =	vld.idx.msk [tilespmem:v55+s14+$0x0], $0xffff;
	v49 =	vmul.f32 v54, v52;
	v34 =	vadd.f32 v61, v34  }
0x1f0: {  	v51 =	vor.u32 v27, v33;
	v50 =	vld.idx.msk [tilespmem:v55+s15+$0x0], $0xffff  }
0x1f1: {  	v52 =	vld.idx.msk [tilespmem:v59+s14+$0x0], $0xffff;
	v53 =	vmul.f32 v58, v56;
	v34 =	vadd.f32 v49, v34  }
0x1f2: {  	v55 =	vor.u32 v29, v33;
	v54 =	vld.idx.msk [tilespmem:v59+s15+$0x0], $0xffff  }
0x1f3: {  	v56 =	vld.idx.msk [tilespmem:v63+s14+$0x0], $0xffff;
	v57 =	vmul.f32 v62, v60;
	v34 =	vadd.f32 v53, v34  }
0x1f4: {  	v59 =	vor.u32 v30, v33;
	v58 =	vld.idx.msk [tilespmem:v63+s15+$0x0], $0xffff  }
0x1f5: {  	v60 =	vld.idx.msk [tilespmem:v51+s14+$0x0], $0xffff;
	v61 =	vmul.f32 v50, v48;
	v34 =	vadd.f32 v57, v34  }
0x1f6: {  	v63 =	vor.u32 v31, v33;
	v62 =	vld.idx.msk [tilespmem:v51+s15+$0x0], $0xffff  }
0x1f7: {  	v46 =	vld.idx.msk [tilespmem:v55+s14+$0x0], $0xffff;
	v47 =	vmul.f32 v54, v52;
	v34 =	vadd.f32 v61, v34  }
0x1f8: {  	v48 =	vld.idx.msk [tilespmem:v55+s15+$0x0], $0xffff;
	v49 =	vor.u32 v32, v33  }
0x1f9: {  	v52 =	vld.idx.msk [tilespmem:v59+s15+$0x0], $0xffff;
	v51 =	vmul.f32 v58, v56;
	v34 =	vadd.f32 v47, v34  }
0x1fa: {  	v50 =	vld.idx.msk [tilespmem:v59+s14+$0x0], $0xffff  }
0x1fb: {  	v55 =	vld.idx.msk [tilespmem:v63+s15+$0x0], $0xffff;
	v54 =	vmul.f32 v62, v60;
	v34 =	vadd.f32 v51, v34  }
0x1fc: {  	v53 =	vld.idx.msk [tilespmem:v63+s14+$0x0], $0xffff  }
0x1fd: {  	v57 =	vmul.f32 v48, v46;
	v56 =	vld.idx.msk [tilespmem:v49+s14+$0x0], $0xffff;
	v34 =	vadd.f32 v54, v34  }
0x1fe: {  	v33 =	vld.idx.msk [tilespmem:v49+s15+$0x0], $0xffff  }
0x1ff: {  	v58 =	vmul.f32 v52, v50;
	v34 =	vadd.f32 v57, v34;
	_ =	sdelay $0x1  }
0x200: {  	v59 =	vmul.f32 v55, v53;
	v34 =	vadd.f32 v58, v34;
	_ =	sdelay $0x1  }
0x201: {  	v33 =	vmul.f32 v33, v56;
	v34 =	vadd.f32 v59, v34;
	_ =	sdelay $0x1  }
0x202: {  	v33 =	vadd.f32 v33, v34  }
0x203: {  	s20 =	sadd.s32 $0x10, s20  }
0x204: {  	[tilespmem:s20+$0x0] =	vst v33  }
0x205: {  	_ =	swait.ge [sflag:s19], $0x1000  }
0x206: {  	[sflag:s19] =	ssyncset.done $0x0  }
0x207: {  	[sflag:s19] =	ssyncadd.s32 $0xFFFFF000  }
0x208: {  	_ =	swait.ge [sflag:s19], $0x1000  }
0x209: {  	[sflag:s19] =	ssyncset.done $0x0  }
0x20a: {  	[sflag:s19] =	ssyncadd.s32 $0xFFFFF000  }
0x20b: {  	_ =	swait.ge [sflag:s19], $0x80  }
0x20c: {  	[sflag:s19] =	ssyncset.done $0x0  }
0x20d: {  	[sflag:s19] =	ssyncadd.s32 $0xFFFFFF80  }
0x20e: {  	_ =	swait.ge [sflag:s19], $0x80  }
0x20f: {  	[sflag:s19] =	ssyncset.done $0x0  }
0x210: {  	[sflag:s19] =	ssyncadd.s32 $0xFFFFFF80  }
0x211: {  	_ =	swait.ge [sflag:s19], $0x1000  }
0x212: {  	[sflag:s19] =	ssyncset.done $0x0  }
0x213: {  	[sflag:s19] =	ssyncadd.s32 $0xFFFFF000  }
0x214: {  	_ =	swait.ge [sflag:s19], $0x1000  }
0x215: {  	[sflag:s19] =	ssyncset.done $0x0  }
0x216: {  	[sflag:s19] =	ssyncadd.s32 $0xFFFFF000  }
0x217: {  	_ =	swait.ge [sflag:s19], $0x80  }
0x218: {  	[sflag:s19] =	ssyncset.done $0x0  }
0x219: {  	[sflag:s19] =	ssyncadd.s32 $0xFFFFFF80  }
0x21a: {  	_ =	swait.ge [sflag:s19], $0x80  }
0x21b: {  	[sflag:s19] =	ssyncset.done $0x0  }
0x21c: {  	[sflag:s19] =	ssyncadd.s32 $0xFFFFFF80  }
0x21d: {  	_ =	swait.ge [sflag:s19], $0x1000  }
0x21e: {  	[sflag:s19] =	ssyncset.done $0x0  }
0x21f: {  	[sflag:s19] =	ssyncadd.s32 $0xFFFFF000  }
0x220: {  	_ =	swait.ge [sflag:s19], $0x1000  }
0x221: {  	[sflag:s19] =	ssyncset.done $0x0  }
0x222: {  	[sflag:s19] =	ssyncadd.s32 $0xFFFFF000  }
0x223: {  	_ =	swait.ge [sflag:s19], $0x80  }
0x224: {  	[sflag:s19] =	ssyncset.done $0x0  }
0x225: {  	[sflag:s19] =	ssyncadd.s32 $0xFFFFFF80  }
0x226: {  	_ =	swait.ge [sflag:s19], $0x80  }
0x227: {  	[sflag:s19] =	ssyncset.done $0x0  }
0x228: {  	[sflag:s19] =	ssyncadd.s32 $0xFFFFFF80  }
0x229: {  	_ =	swait.ge [sflag:s19], $0x1000  }
0x22a: {  	[sflag:s19] =	ssyncset.done $0x0  }
0x22b: {  	[sflag:s19] =	ssyncadd.s32 $0xFFFFF000  }
0x22c: {  	_ =	swait.ge [sflag:s19], $0x1000  }
0x22d: {  	s22 =	simm.s32 $0x0;
	[sflag:s19] =	ssyncset.done $0x0  }
0x22e: {  	v60 =	vmov s22;
	[sflag:s19] =	ssyncadd.s32 $0xFFFFF000  }
0x22f: {  	v33 =	vshll.u32 v60, $0x5;
	_ =	swait.ge [sflag:s19], $0x80  }
0x230: {  	v33 =	vor.u32 v1, v33;
	[sflag:s19] =	ssyncset.done $0x0  }
0x231: {  	v61 =	vor.u32 v0, v33;
	[sflag:s19] =	ssyncadd.s32 $0xFFFFFF80  }
0x232: {  	_ =	swait.ge [sflag:s19], $0x80  }
0x233: {  	[sflag:s19] =	ssyncset.done $0x0  }
0x234: {  	s25 =	simm.s32 $0x10E00;
	v62 =	vor.u32 v2, v33;
	[sflag:s19] =	ssyncadd.s32 $0xFFFFFF80  }
0x235: {  	v63 =	vld [tilespmem:s25+$0x0]  }
0x236: {  	v47 =	vor.u32 v3, v33;
	v48 =	vld.idx.msk [tilespmem:v61+s16+$0x0], $0xffff  }
0x237: {  	s22 =	simm.s32 $0x10C00;
	v34 =	vld.idx.msk [tilespmem:v61+s17+$0x0], $0xffff  }
0x238: {  	v49 =	vor.u32 v4, v33;
	v50 =	vld [tilespmem:s22+$0x0]  }
0x239: {  	v51 =	vld.idx.msk [tilespmem:v62+s16+$0x0], $0xffff  }
0x23a: {  	v52 =	vor.u32 v5, v33;
	v35 =	vld.idx.msk [tilespmem:v62+s17+$0x0], $0xffff  }
0x23b: {  	v53 =	vld.idx.msk [tilespmem:v47+s16+$0x0], $0xffff  }
0x23c: {  	v54 =	vor.u32 v6, v33;
	v37 =	vld.idx.msk [tilespmem:v47+s17+$0x0], $0xffff  }
0x23d: {  	v55 =	vld.idx.msk [tilespmem:v49+s16+$0x0], $0xffff;
	v36 =	vadd.f32 v63, v50;
	v34 =	vmul.f32 v34, v48  }
0x23e: {  	v57 =	vor.u32 v7, v33;
	v56 =	vld.idx.msk [tilespmem:v49+s17+$0x0], $0xffff  }
0x23f: {  	v58 =	vld.idx.msk [tilespmem:v52+s16+$0x0], $0xffff;
	v35 =	vmul.f32 v35, v51;
	v34 =	vadd.f32 v34, v36  }
0x240: {  	v60 =	vor.u32 v8, v33;
	v59 =	vld.idx.msk [tilespmem:v52+s17+$0x0], $0xffff  }
0x241: {  	v61 =	vld.idx.msk [tilespmem:v54+s16+$0x0], $0xffff;
	v62 =	vmul.f32 v37, v53;
	v34 =	vadd.f32 v35, v34  }
0x242: {  	v63 =	vld.idx.msk [tilespmem:v54+s17+$0x0], $0xffff;
	v48 =	vor.u32 v9, v33  }
0x243: {  	v49 =	vld.idx.msk [tilespmem:v57+s16+$0x0], $0xffff;
	v50 =	vmul.f32 v56, v55;
	v34 =	vadd.f32 v62, v34  }
0x244: {  	v52 =	vor.u32 v10, v33;
	v51 =	vld.idx.msk [tilespmem:v57+s17+$0x0], $0xffff  }
0x245: {  	v53 =	vld.idx.msk [tilespmem:v60+s16+$0x0], $0xffff;
	v54 =	vmul.f32 v59, v58;
	v34 =	vadd.f32 v50, v34  }
0x246: {  	v55 =	vld.idx.msk [tilespmem:v60+s17+$0x0], $0xffff;
	v56 =	vor.u32 v11, v33  }
0x247: {  	v57 =	vld.idx.msk [tilespmem:v48+s16+$0x0], $0xffff;
	v58 =	vmul.f32 v63, v61;
	v34 =	vadd.f32 v54, v34  }
0x248: {  	v60 =	vor.u32 v12, v33;
	v59 =	vld.idx.msk [tilespmem:v48+s17+$0x0], $0xffff  }
0x249: {  	v61 =	vld.idx.msk [tilespmem:v52+s16+$0x0], $0xffff;
	v62 =	vmul.f32 v51, v49;
	v34 =	vadd.f32 v58, v34  }
0x24a: {  	v63 =	vld.idx.msk [tilespmem:v52+s17+$0x0], $0xffff;
	v48 =	vor.u32 v13, v33  }
0x24b: {  	v49 =	vld.idx.msk [tilespmem:v56+s16+$0x0], $0xffff;
	v50 =	vmul.f32 v55, v53;
	v34 =	vadd.f32 v62, v34  }
0x24c: {  	v52 =	vor.u32 v14, v33;
	v51 =	vld.idx.msk [tilespmem:v56+s17+$0x0], $0xffff  }
0x24d: {  	v53 =	vld.idx.msk [tilespmem:v60+s16+$0x0], $0xffff;
	v54 =	vmul.f32 v59, v57;
	v34 =	vadd.f32 v50, v34  }
0x24e: {  	v56 =	vor.u32 v15, v33;
	v55 =	vld.idx.msk [tilespmem:v60+s17+$0x0], $0xffff  }
0x24f: {  	v57 =	vld.idx.msk [tilespmem:v48+s16+$0x0], $0xffff;
	v58 =	vmul.f32 v63, v61;
	v34 =	vadd.f32 v54, v34  }
0x250: {  	v60 =	vor.u32 v25, v33;
	v59 =	vld.idx.msk [tilespmem:v48+s17+$0x0], $0xffff  }
0x251: {  	v61 =	vld.idx.msk [tilespmem:v52+s16+$0x0], $0xffff;
	v62 =	vmul.f32 v51, v49;
	v34 =	vadd.f32 v58, v34  }
0x252: {  	v48 =	vor.u32 v28, v33;
	v63 =	vld.idx.msk [tilespmem:v52+s17+$0x0], $0xffff  }
0x253: {  	v49 =	vld.idx.msk [tilespmem:v56+s16+$0x0], $0xffff;
	v50 =	vmul.f32 v55, v53;
	v34 =	vadd.f32 v62, v34  }
0x254: {  	v52 =	vor.u32 v16, v33;
	v51 =	vld.idx.msk [tilespmem:v56+s17+$0x0], $0xffff  }
0x255: {  	v53 =	vld.idx.msk [tilespmem:v60+s16+$0x0], $0xffff;
	v54 =	vmul.f32 v59, v57;
	v34 =	vadd.f32 v50, v34  }
0x256: {  	v56 =	vor.u32 v17, v33;
	v55 =	vld.idx.msk [tilespmem:v60+s17+$0x0], $0xffff  }
0x257: {  	v57 =	vld.idx.msk [tilespmem:v48+s16+$0x0], $0xffff;
	v58 =	vmul.f32 v63, v61;
	v34 =	vadd.f32 v54, v34  }
0x258: {  	v60 =	vor.u32 v26, v33;
	v59 =	vld.idx.msk [tilespmem:v48+s17+$0x0], $0xffff  }
0x259: {  	v61 =	vld.idx.msk [tilespmem:v52+s16+$0x0], $0xffff;
	v62 =	vmul.f32 v51, v49;
	v34 =	vadd.f32 v58, v34  }
0x25a: {  	v48 =	vor.u32 v18, v33;
	v63 =	vld.idx.msk [tilespmem:v52+s17+$0x0], $0xffff  }
0x25b: {  	v49 =	vld.idx.msk [tilespmem:v56+s16+$0x0], $0xffff;
	v50 =	vmul.f32 v55, v53;
	v34 =	vadd.f32 v62, v34  }
0x25c: {  	v52 =	vor.u32 v19, v33;
	v51 =	vld.idx.msk [tilespmem:v56+s17+$0x0], $0xffff  }
0x25d: {  	v53 =	vld.idx.msk [tilespmem:v60+s16+$0x0], $0xffff;
	v54 =	vmul.f32 v59, v57;
	v34 =	vadd.f32 v50, v34  }
0x25e: {  	v56 =	vor.u32 v20, v33;
	v55 =	vld.idx.msk [tilespmem:v60+s17+$0x0], $0xffff  }
0x25f: {  	v57 =	vld.idx.msk [tilespmem:v48+s16+$0x0], $0xffff;
	v58 =	vmul.f32 v63, v61;
	v34 =	vadd.f32 v54, v34  }
0x260: {  	v60 =	vor.u32 v21, v33;
	v59 =	vld.idx.msk [tilespmem:v48+s17+$0x0], $0xffff  }
0x261: {  	v61 =	vld.idx.msk [tilespmem:v52+s16+$0x0], $0xffff;
	v62 =	vmul.f32 v51, v49;
	v34 =	vadd.f32 v58, v34  }
0x262: {  	v48 =	vor.u32 v22, v33;
	v63 =	vld.idx.msk [tilespmem:v52+s17+$0x0], $0xffff  }
0x263: {  	v49 =	vld.idx.msk [tilespmem:v56+s16+$0x0], $0xffff;
	v50 =	vmul.f32 v55, v53;
	v34 =	vadd.f32 v62, v34  }
0x264: {  	v52 =	vor.u32 v23, v33;
	v51 =	vld.idx.msk [tilespmem:v56+s17+$0x0], $0xffff  }
0x265: {  	v53 =	vld.idx.msk [tilespmem:v60+s16+$0x0], $0xffff;
	v54 =	vmul.f32 v59, v57;
	v34 =	vadd.f32 v50, v34  }
0x266: {  	v56 =	vor.u32 v24, v33;
	v55 =	vld.idx.msk [tilespmem:v60+s17+$0x0], $0xffff  }
0x267: {  	v57 =	vld.idx.msk [tilespmem:v48+s16+$0x0], $0xffff;
	v58 =	vmul.f32 v63, v61;
	v34 =	vadd.f32 v54, v34  }
0x268: {  	v60 =	vor.u32 v27, v33;
	v59 =	vld.idx.msk [tilespmem:v48+s17+$0x0], $0xffff  }
0x269: {  	v61 =	vld.idx.msk [tilespmem:v52+s16+$0x0], $0xffff;
	v62 =	vmul.f32 v51, v49;
	v34 =	vadd.f32 v58, v34  }
0x26a: {  	v48 =	vor.u32 v29, v33;
	v63 =	vld.idx.msk [tilespmem:v52+s17+$0x0], $0xffff  }
0x26b: {  	v49 =	vld.idx.msk [tilespmem:v56+s16+$0x0], $0xffff;
	v50 =	vmul.f32 v55, v53;
	v34 =	vadd.f32 v62, v34  }
0x26c: {  	v52 =	vor.u32 v30, v33;
	v51 =	vld.idx.msk [tilespmem:v56+s17+$0x0], $0xffff  }
0x26d: {  	v53 =	vld.idx.msk [tilespmem:v60+s16+$0x0], $0xffff;
	v54 =	vmul.f32 v59, v57;
	v34 =	vadd.f32 v50, v34  }
0x26e: {  	v56 =	vor.u32 v31, v33;
	v55 =	vld.idx.msk [tilespmem:v60+s17+$0x0], $0xffff  }
0x26f: {  	v57 =	vld.idx.msk [tilespmem:v48+s16+$0x0], $0xffff;
	v58 =	vmul.f32 v63, v61;
	v34 =	vadd.f32 v54, v34  }
0x270: {  	v33 =	vor.u32 v32, v33;
	v59 =	vld.idx.msk [tilespmem:v48+s17+$0x0], $0xffff  }
0x271: {  	v60 =	vld.idx.msk [tilespmem:v52+s16+$0x0], $0xffff;
	v61 =	vmul.f32 v51, v49;
	v34 =	vadd.f32 v58, v34  }
0x272: {  	v62 =	vld.idx.msk [tilespmem:v52+s17+$0x0], $0xffff  }
0x273: {  	v45 =	vld.idx.msk [tilespmem:v56+s17+$0x0], $0xffff;
	v44 =	vmul.f32 v55, v53;
	v34 =	vadd.f32 v61, v34  }
0x274: {  	v63 =	vld.idx.msk [tilespmem:v56+s16+$0x0], $0xffff  }
0x275: {  	v46 =	vld.idx.msk [tilespmem:v33+s16+$0x0], $0xffff;
	v47 =	vmul.f32 v59, v57;
	v34 =	vadd.f32 v44, v34  }
0x276: {  	v48 =	vld.idx.msk [tilespmem:v33+s17+$0x0], $0xffff  }
0x277: {  	v50 =	vmul.f32 v62, v60;
	v49 =	vadd.f32 v47, v34  }
0x278: {  	s25 =	simm.s32 $0x10  }
0x279: {  	v51 =	vmov s25;
	v52 =	vmul.f32 v45, v63;
	v34 =	vadd.f32 v50, v49  }
0x27a: {  	v53 =	vshll.u32 v51, $0x5  }
0x27b: {  	v33 =	vor.u32 v1, v53;
	v54 =	vmul.f32 v48, v46;
	v34 =	vadd.f32 v52, v34  }
0x27c: {  	v55 =	vor.u32 v0, v33  }
0x27d: {  	v34 =	vadd.f32 v54, v34  }
0x27e: {  	s22 =	simm.s32 $0x11200  }
0x27f: {  	s25 =	simm.s32 $0x10E10;
	v56 =	vor.u32 v2, v33;
	[tilespmem:s22+$0x0] =	vst v34  }
0x280: {  	v34 =	vld [tilespmem:s25+$0x0]  }
0x281: {  	v57 =	vor.u32 v3, v33;
	v58 =	vld.idx.msk [tilespmem:v55+s16+$0x0], $0xffff  }
0x282: {  	s20 =	simm.s32 $0x10C10;
	v36 =	vld.idx.msk [tilespmem:v55+s17+$0x0], $0xffff  }
0x283: {  	v59 =	vor.u32 v4, v33;
	v60 =	vld [tilespmem:s20+$0x0]  }
0x284: {  	v61 =	vld.idx.msk [tilespmem:v56+s16+$0x0], $0xffff  }
0x285: {  	v62 =	vor.u32 v5, v33;
	v35 =	vld.idx.msk [tilespmem:v56+s17+$0x0], $0xffff  }
0x286: {  	v63 =	vld.idx.msk [tilespmem:v57+s16+$0x0], $0xffff  }
0x287: {  	v48 =	vor.u32 v6, v33;
	v37 =	vld.idx.msk [tilespmem:v57+s17+$0x0], $0xffff  }
0x288: {  	v49 =	vld.idx.msk [tilespmem:v59+s16+$0x0], $0xffff;
	v34 =	vadd.f32 v34, v60;
	v36 =	vmul.f32 v36, v58  }
0x289: {  	v51 =	vor.u32 v7, v33;
	v50 =	vld.idx.msk [tilespmem:v59+s17+$0x0], $0xffff  }
0x28a: {  	v52 =	vld.idx.msk [tilespmem:v62+s16+$0x0], $0xffff;
	v35 =	vmul.f32 v35, v61;
	v34 =	vadd.f32 v36, v34  }
0x28b: {  	v54 =	vor.u32 v8, v33;
	v53 =	vld.idx.msk [tilespmem:v62+s17+$0x0], $0xffff  }
0x28c: {  	v55 =	vld.idx.msk [tilespmem:v48+s16+$0x0], $0xffff;
	v56 =	vmul.f32 v37, v63;
	v34 =	vadd.f32 v35, v34  }
0x28d: {  	v57 =	vld.idx.msk [tilespmem:v48+s17+$0x0], $0xffff;
	v58 =	vor.u32 v9, v33  }
0x28e: {  	v59 =	vld.idx.msk [tilespmem:v51+s16+$0x0], $0xffff;
	v60 =	vmul.f32 v50, v49;
	v34 =	vadd.f32 v56, v34  }
0x28f: {  	v62 =	vor.u32 v10, v33;
	v61 =	vld.idx.msk [tilespmem:v51+s17+$0x0], $0xffff  }
0x290: {  	v63 =	vld.idx.msk [tilespmem:v54+s16+$0x0], $0xffff;
	v48 =	vmul.f32 v53, v52;
	v34 =	vadd.f32 v60, v34  }
0x291: {  	v49 =	vld.idx.msk [tilespmem:v54+s17+$0x0], $0xffff;
	v50 =	vor.u32 v11, v33  }
0x292: {  	v52 =	vmul.f32 v57, v55;
	v51 =	vld.idx.msk [tilespmem:v58+s16+$0x0], $0xffff;
	v34 =	vadd.f32 v48, v34  }
0x293: {  	v54 =	vor.u32 v12, v33;
	v53 =	vld.idx.msk [tilespmem:v58+s17+$0x0], $0xffff  }
0x294: {  	v55 =	vld.idx.msk [tilespmem:v62+s16+$0x0], $0xffff;
	v56 =	vmul.f32 v61, v59;
	v34 =	vadd.f32 v52, v34  }
0x295: {  	v57 =	vld.idx.msk [tilespmem:v62+s17+$0x0], $0xffff;
	v58 =	vor.u32 v13, v33  }
0x296: {  	v59 =	vld.idx.msk [tilespmem:v50+s16+$0x0], $0xffff;
	v60 =	vmul.f32 v49, v63;
	v34 =	vadd.f32 v56, v34  }
0x297: {  	v62 =	vor.u32 v14, v33;
	v61 =	vld.idx.msk [tilespmem:v50+s17+$0x0], $0xffff  }
0x298: {  	v63 =	vld.idx.msk [tilespmem:v54+s16+$0x0], $0xffff;
	v48 =	vmul.f32 v53, v51;
	v34 =	vadd.f32 v60, v34  }
0x299: {  	v50 =	vor.u32 v15, v33;
	v49 =	vld.idx.msk [tilespmem:v54+s17+$0x0], $0xffff  }
0x29a: {  	v51 =	vld.idx.msk [tilespmem:v58+s16+$0x0], $0xffff;
	v52 =	vmul.f32 v57, v55;
	v34 =	vadd.f32 v48, v34  }
0x29b: {  	v54 =	vor.u32 v25, v33;
	v53 =	vld.idx.msk [tilespmem:v58+s17+$0x0], $0xffff  }
0x29c: {  	v55 =	vld.idx.msk [tilespmem:v62+s16+$0x0], $0xffff;
	v56 =	vmul.f32 v61, v59;
	v34 =	vadd.f32 v52, v34  }
0x29d: {  	v58 =	vor.u32 v28, v33;
	v57 =	vld.idx.msk [tilespmem:v62+s17+$0x0], $0xffff  }
0x29e: {  	v59 =	vld.idx.msk [tilespmem:v50+s16+$0x0], $0xffff;
	v60 =	vmul.f32 v49, v63;
	v34 =	vadd.f32 v56, v34  }
0x29f: {  	v62 =	vor.u32 v16, v33;
	v61 =	vld.idx.msk [tilespmem:v50+s17+$0x0], $0xffff  }
0x2a0: {  	v63 =	vld.idx.msk [tilespmem:v54+s16+$0x0], $0xffff;
	v48 =	vmul.f32 v53, v51;
	v34 =	vadd.f32 v60, v34  }
0x2a1: {  	v50 =	vor.u32 v17, v33;
	v49 =	vld.idx.msk [tilespmem:v54+s17+$0x0], $0xffff  }
0x2a2: {  	v51 =	vld.idx.msk [tilespmem:v58+s16+$0x0], $0xffff;
	v52 =	vmul.f32 v57, v55;
	v34 =	vadd.f32 v48, v34  }
0x2a3: {  	v54 =	vor.u32 v26, v33;
	v53 =	vld.idx.msk [tilespmem:v58+s17+$0x0], $0xffff  }
0x2a4: {  	v55 =	vld.idx.msk [tilespmem:v62+s16+$0x0], $0xffff;
	v56 =	vmul.f32 v61, v59;
	v34 =	vadd.f32 v52, v34  }
0x2a5: {  	v58 =	vor.u32 v18, v33;
	v57 =	vld.idx.msk [tilespmem:v62+s17+$0x0], $0xffff  }
0x2a6: {  	v59 =	vld.idx.msk [tilespmem:v50+s16+$0x0], $0xffff;
	v60 =	vmul.f32 v49, v63;
	v34 =	vadd.f32 v56, v34  }
0x2a7: {  	v62 =	vor.u32 v19, v33;
	v61 =	vld.idx.msk [tilespmem:v50+s17+$0x0], $0xffff  }
0x2a8: {  	v63 =	vld.idx.msk [tilespmem:v54+s16+$0x0], $0xffff;
	v48 =	vmul.f32 v53, v51;
	v34 =	vadd.f32 v60, v34  }
0x2a9: {  	v50 =	vor.u32 v20, v33;
	v49 =	vld.idx.msk [tilespmem:v54+s17+$0x0], $0xffff  }
0x2aa: {  	v51 =	vld.idx.msk [tilespmem:v58+s16+$0x0], $0xffff;
	v52 =	vmul.f32 v57, v55;
	v34 =	vadd.f32 v48, v34  }
0x2ab: {  	v54 =	vor.u32 v21, v33;
	v53 =	vld.idx.msk [tilespmem:v58+s17+$0x0], $0xffff  }
0x2ac: {  	v55 =	vld.idx.msk [tilespmem:v62+s16+$0x0], $0xffff;
	v56 =	vmul.f32 v61, v59;
	v34 =	vadd.f32 v52, v34  }
0x2ad: {  	v58 =	vor.u32 v22, v33;
	v57 =	vld.idx.msk [tilespmem:v62+s17+$0x0], $0xffff  }
0x2ae: {  	v59 =	vld.idx.msk [tilespmem:v50+s16+$0x0], $0xffff;
	v60 =	vmul.f32 v49, v63;
	v34 =	vadd.f32 v56, v34  }
0x2af: {  	v62 =	vor.u32 v23, v33;
	v61 =	vld.idx.msk [tilespmem:v50+s17+$0x0], $0xffff  }
0x2b0: {  	v63 =	vld.idx.msk [tilespmem:v54+s16+$0x0], $0xffff;
	v48 =	vmul.f32 v53, v51;
	v34 =	vadd.f32 v60, v34  }
0x2b1: {  	v50 =	vor.u32 v24, v33;
	v49 =	vld.idx.msk [tilespmem:v54+s17+$0x0], $0xffff  }
0x2b2: {  	v51 =	vld.idx.msk [tilespmem:v58+s16+$0x0], $0xffff;
	v52 =	vmul.f32 v57, v55;
	v34 =	vadd.f32 v48, v34  }
0x2b3: {  	v54 =	vor.u32 v27, v33;
	v53 =	vld.idx.msk [tilespmem:v58+s17+$0x0], $0xffff  }
0x2b4: {  	v55 =	vld.idx.msk [tilespmem:v62+s16+$0x0], $0xffff;
	v56 =	vmul.f32 v61, v59;
	v34 =	vadd.f32 v52, v34  }
0x2b5: {  	v58 =	vor.u32 v29, v33;
	v57 =	vld.idx.msk [tilespmem:v62+s17+$0x0], $0xffff  }
0x2b6: {  	v59 =	vld.idx.msk [tilespmem:v50+s16+$0x0], $0xffff;
	v60 =	vmul.f32 v49, v63;
	v34 =	vadd.f32 v56, v34  }
0x2b7: {  	v62 =	vor.u32 v30, v33;
	v61 =	vld.idx.msk [tilespmem:v50+s17+$0x0], $0xffff  }
0x2b8: {  	v47 =	vld.idx.msk [tilespmem:v54+s17+$0x0], $0xffff;
	v46 =	vmul.f32 v53, v51;
	v34 =	vadd.f32 v60, v34  }
0x2b9: {  	v63 =	vld.idx.msk [tilespmem:v54+s16+$0x0], $0xffff;
	v48 =	vor.u32 v31, v33  }
0x2ba: {  	v51 =	vld.idx.msk [tilespmem:v58+s17+$0x0], $0xffff;
	v50 =	vmul.f32 v57, v55;
	v34 =	vadd.f32 v46, v34  }
0x2bb: {  	v49 =	vld.idx.msk [tilespmem:v58+s16+$0x0], $0xffff;
	v33 =	vor.u32 v32, v33  }
0x2bc: {  	v54 =	vld.idx.msk [tilespmem:v62+s17+$0x0], $0xffff;
	v53 =	vmul.f32 v61, v59;
	v34 =	vadd.f32 v50, v34  }
0x2bd: {  	v52 =	vld.idx.msk [tilespmem:v62+s16+$0x0], $0xffff  }
0x2be: {  	v56 =	vmul.f32 v47, v63;
	v55 =	vld.idx.msk [tilespmem:v48+s16+$0x0], $0xffff;
	v34 =	vadd.f32 v53, v34  }
0x2bf: {  	v57 =	vld.idx.msk [tilespmem:v48+s17+$0x0], $0xffff  }
0x2c0: {  	v59 =	vmul.f32 v51, v49;
	v58 =	vld.idx.msk [tilespmem:v33+s16+$0x0], $0xffff;
	v34 =	vadd.f32 v56, v34  }
0x2c1: {  	v60 =	vld.idx.msk [tilespmem:v33+s17+$0x0], $0xffff  }
0x2c2: {  	s28 =	simm.s32 $0x20;
	v62 =	vmul.f32 v54, v52;
	v61 =	vadd.f32 v59, v34  }
0x2c3: {  	v63 =	vmov s28  }
0x2c4: {  	v35 =	vshll.u32 v63, $0x5;
	v38 =	vmul.f32 v57, v55;
	v37 =	vadd.f32 v62, v61  }
0x2c5: {  	v33 =	vor.u32 v1, v35  }
0x2c6: {  	s28 =	simm.s32 $0x30;
	v36 =	vmul.f32 v60, v58;
	v34 =	vor.u32 v2, v33;
	v35 =	vadd.f32 v38, v37  }
.LBB2_4:
0x2c7: {  	p0 =	sne.s32 s28, $0x1F0  }
0x2c8: {  	v37 =	vor.u32 v0, v33;
	v35 =	vadd.f32 v36, v35  }
0x2c9: {  	s22 =	sadd.s32 $0x10, s22  }
0x2ca: {  	[tilespmem:s22+$0x0] =	vst v35  }
0x2cb: {  	s25 =	sadd.s32 $0x10, s25;
	v35 =	vld.idx.msk [tilespmem:v34+s16+$0x0], $0xffff  }
0x2cc: {  	v38 =	vor.u32 v3, v33;
	v36 =	vld [tilespmem:s25+$0x0]  }
0x2cd: {  	v39 =	vld.idx.msk [tilespmem:v37+s16+$0x0], $0xffff  }
0x2ce: {  	v40 =	vor.u32 v4, v33;
	s20 =	sadd.s32 $0x10, s20;
	v37 =	vld.idx.msk [tilespmem:v37+s17+$0x0], $0xffff  }
0x2cf: {  	v41 =	vld [tilespmem:s20+$0x0]  }
0x2d0: {  	v42 =	vor.u32 v5, v33;
	v34 =	vld.idx.msk [tilespmem:v34+s17+$0x0], $0xffff  }
0x2d1: {  	v43 =	vld.idx.msk [tilespmem:v38+s16+$0x0], $0xffff  }
0x2d2: {  	v44 =	vor.u32 v6, v33;
	v38 =	vld.idx.msk [tilespmem:v38+s17+$0x0], $0xffff  }
0x2d3: {  	v45 =	vld.idx.msk [tilespmem:v40+s16+$0x0], $0xffff  }
0x2d4: {  	v37 =	vmul.f32 v37, v39;
	v36 =	vadd.f32 v36, v41;
	v39 =	vld.idx.msk [tilespmem:v40+s17+$0x0], $0xffff;
	v40 =	vor.u32 v7, v33  }
0x2d5: {  	v41 =	vld.idx.msk [tilespmem:v42+s16+$0x0], $0xffff  }
0x2d6: {  	v34 =	vmul.f32 v34, v35;
	v36 =	vadd.f32 v37, v36;
	v35 =	vld.idx.msk [tilespmem:v42+s17+$0x0], $0xffff;
	v37 =	vor.u32 v8, v33  }
0x2d7: {  	v42 =	vld.idx.msk [tilespmem:v44+s16+$0x0], $0xffff  }
0x2d8: {  	v34 =	vadd.f32 v34, v36;
	v36 =	vmul.f32 v38, v43;
	v38 =	vld.idx.msk [tilespmem:v44+s17+$0x0], $0xffff;
	v43 =	vor.u32 v9, v33  }
0x2d9: {  	v44 =	vld.idx.msk [tilespmem:v40+s16+$0x0], $0xffff  }
0x2da: {  	v34 =	vadd.f32 v36, v34;
	v36 =	vmul.f32 v39, v45;
	v39 =	vld.idx.msk [tilespmem:v40+s17+$0x0], $0xffff;
	v40 =	vor.u32 v10, v33  }
0x2db: {  	v45 =	vld.idx.msk [tilespmem:v37+s16+$0x0], $0xffff  }
0x2dc: {  	v35 =	vmul.f32 v35, v41;
	v34 =	vadd.f32 v36, v34;
	v36 =	vld.idx.msk [tilespmem:v37+s17+$0x0], $0xffff;
	v37 =	vor.u32 v11, v33  }
0x2dd: {  	v41 =	vld.idx.msk [tilespmem:v43+s16+$0x0], $0xffff  }
0x2de: {  	v34 =	vadd.f32 v35, v34;
	v35 =	vmul.f32 v38, v42;
	v38 =	vld.idx.msk [tilespmem:v43+s17+$0x0], $0xffff;
	v42 =	vor.u32 v12, v33  }
0x2df: {  	v43 =	vld.idx.msk [tilespmem:v40+s16+$0x0], $0xffff  }
0x2e0: {  	v34 =	vadd.f32 v35, v34;
	v35 =	vmul.f32 v39, v44;
	v39 =	vld.idx.msk [tilespmem:v40+s17+$0x0], $0xffff;
	v40 =	vor.u32 v13, v33  }
0x2e1: {  	v44 =	vld.idx.msk [tilespmem:v37+s16+$0x0], $0xffff  }
0x2e2: {  	v34 =	vadd.f32 v35, v34;
	v35 =	vmul.f32 v36, v45;
	v36 =	vld.idx.msk [tilespmem:v37+s17+$0x0], $0xffff;
	v37 =	vor.u32 v14, v33  }
0x2e3: {  	v45 =	vld.idx.msk [tilespmem:v42+s16+$0x0], $0xffff  }
0x2e4: {  	v34 =	vadd.f32 v35, v34;
	v35 =	vmul.f32 v38, v41;
	v38 =	vld.idx.msk [tilespmem:v42+s17+$0x0], $0xffff;
	v41 =	vor.u32 v15, v33  }
0x2e5: {  	v42 =	vld.idx.msk [tilespmem:v40+s16+$0x0], $0xffff  }
0x2e6: {  	v34 =	vadd.f32 v35, v34;
	v35 =	vmul.f32 v39, v43;
	v39 =	vld.idx.msk [tilespmem:v40+s17+$0x0], $0xffff;
	v40 =	vor.u32 v25, v33  }
0x2e7: {  	v43 =	vld.idx.msk [tilespmem:v37+s16+$0x0], $0xffff  }
0x2e8: {  	v34 =	vadd.f32 v35, v34;
	v35 =	vmul.f32 v36, v44;
	v36 =	vld.idx.msk [tilespmem:v37+s17+$0x0], $0xffff;
	v37 =	vor.u32 v28, v33  }
0x2e9: {  	v44 =	vld.idx.msk [tilespmem:v41+s16+$0x0], $0xffff  }
0x2ea: {  	v34 =	vadd.f32 v35, v34;
	v35 =	vmul.f32 v38, v45;
	v38 =	vld.idx.msk [tilespmem:v41+s17+$0x0], $0xffff;
	v41 =	vor.u32 v16, v33  }
0x2eb: {  	v45 =	vld.idx.msk [tilespmem:v40+s16+$0x0], $0xffff  }
0x2ec: {  	v34 =	vadd.f32 v35, v34;
	v35 =	vmul.f32 v39, v42;
	v39 =	vld.idx.msk [tilespmem:v40+s17+$0x0], $0xffff;
	v40 =	vor.u32 v17, v33  }
0x2ed: {  	v42 =	vld.idx.msk [tilespmem:v37+s16+$0x0], $0xffff  }
0x2ee: {  	v34 =	vadd.f32 v35, v34;
	v35 =	vmul.f32 v36, v43;
	v36 =	vld.idx.msk [tilespmem:v37+s17+$0x0], $0xffff;
	v37 =	vor.u32 v26, v33  }
0x2ef: {  	v43 =	vld.idx.msk [tilespmem:v41+s16+$0x0], $0xffff  }
0x2f0: {  	v34 =	vadd.f32 v35, v34;
	v35 =	vmul.f32 v38, v44;
	v38 =	vld.idx.msk [tilespmem:v41+s17+$0x0], $0xffff;
	v41 =	vor.u32 v18, v33  }
0x2f1: {  	v44 =	vld.idx.msk [tilespmem:v40+s16+$0x0], $0xffff  }
0x2f2: {  	v34 =	vadd.f32 v35, v34;
	v35 =	vmul.f32 v39, v45;
	v39 =	vld.idx.msk [tilespmem:v40+s17+$0x0], $0xffff;
	v40 =	vor.u32 v19, v33  }
0x2f3: {  	v45 =	vld.idx.msk [tilespmem:v37+s16+$0x0], $0xffff  }
0x2f4: {  	v34 =	vadd.f32 v35, v34;
	v35 =	vmul.f32 v36, v42;
	v36 =	vld.idx.msk [tilespmem:v37+s17+$0x0], $0xffff;
	v37 =	vor.u32 v20, v33  }
0x2f5: {  	v42 =	vld.idx.msk [tilespmem:v41+s16+$0x0], $0xffff  }
0x2f6: {  	v34 =	vadd.f32 v35, v34;
	v35 =	vmul.f32 v38, v43;
	v38 =	vld.idx.msk [tilespmem:v41+s17+$0x0], $0xffff;
	v41 =	vor.u32 v21, v33  }
0x2f7: {  	v43 =	vld.idx.msk [tilespmem:v40+s16+$0x0], $0xffff  }
0x2f8: {  	v34 =	vadd.f32 v35, v34;
	v35 =	vmul.f32 v39, v44;
	v39 =	vld.idx.msk [tilespmem:v40+s17+$0x0], $0xffff;
	v40 =	vor.u32 v22, v33  }
0x2f9: {  	v44 =	vld.idx.msk [tilespmem:v37+s16+$0x0], $0xffff  }
0x2fa: {  	v34 =	vadd.f32 v35, v34;
	v35 =	vmul.f32 v36, v45;
	v36 =	vld.idx.msk [tilespmem:v37+s17+$0x0], $0xffff;
	v37 =	vor.u32 v23, v33  }
0x2fb: {  	v45 =	vld.idx.msk [tilespmem:v41+s16+$0x0], $0xffff  }
0x2fc: {  	v34 =	vadd.f32 v35, v34;
	v35 =	vmul.f32 v38, v42;
	v38 =	vld.idx.msk [tilespmem:v41+s17+$0x0], $0xffff;
	v41 =	vor.u32 v24, v33  }
0x2fd: {  	v42 =	vld.idx.msk [tilespmem:v40+s16+$0x0], $0xffff  }
0x2fe: {  	v34 =	vadd.f32 v35, v34;
	v35 =	vmul.f32 v39, v43;
	v39 =	vld.idx.msk [tilespmem:v40+s17+$0x0], $0xffff;
	v40 =	vor.u32 v27, v33  }
0x2ff: {  	v43 =	vld.idx.msk [tilespmem:v37+s16+$0x0], $0xffff  }
0x300: {  	v34 =	vadd.f32 v35, v34;
	v35 =	vmul.f32 v36, v44;
	v36 =	vld.idx.msk [tilespmem:v37+s17+$0x0], $0xffff;
	v37 =	vor.u32 v29, v33  }
0x301: {  	v44 =	vld.idx.msk [tilespmem:v41+s16+$0x0], $0xffff  }
0x302: {  	v34 =	vadd.f32 v35, v34;
	v35 =	vmul.f32 v38, v45;
	v38 =	vld.idx.msk [tilespmem:v41+s17+$0x0], $0xffff;
	v41 =	vor.u32 v30, v33  }
0x303: {  	v45 =	vld.idx.msk [tilespmem:v40+s16+$0x0], $0xffff  }
0x304: {  	v34 =	vadd.f32 v35, v34;
	v35 =	vmul.f32 v39, v42;
	v39 =	vld.idx.msk [tilespmem:v40+s17+$0x0], $0xffff;
	v40 =	vor.u32 v31, v33  }
0x305: {  	v42 =	vld.idx.msk [tilespmem:v37+s16+$0x0], $0xffff  }
0x306: {  	v33 =	vor.u32 v32, v33;
	v34 =	vadd.f32 v35, v34;
	v35 =	vmul.f32 v36, v43;
	v36 =	vld.idx.msk [tilespmem:v37+s17+$0x0], $0xffff  }
0x307: {  	v37 =	vld.idx.msk [tilespmem:v41+s16+$0x0], $0xffff  }
0x308: {  	v34 =	vadd.f32 v35, v34;
	v35 =	vmul.f32 v38, v44;
	v38 =	vld.idx.msk [tilespmem:v41+s17+$0x0], $0xffff  }
0x309: {  	v41 =	vld.idx.msk [tilespmem:v40+s16+$0x0], $0xffff  }
0x30a: {  	v34 =	vadd.f32 v35, v34;
	v35 =	vmul.f32 v39, v45;
	v39 =	vld.idx.msk [tilespmem:v40+s17+$0x0], $0xffff  }
0x30b: {  	v40 =	vld.idx.msk [tilespmem:v33+s16+$0x0], $0xffff  }
0x30c: {  	v34 =	vadd.f32 v35, v34;
	v35 =	vmul.f32 v36, v42;
	v36 =	vld.idx.msk [tilespmem:v33+s17+$0x0], $0xffff;
	_ =	sdelay $0x1  }
.Ltmp1:
0x30d: {  	v33 =	vadd.f32 v35, v34;
	v34 =	vmul.f32 v38, v37;
	(pc) =	sbr.rel @p0 .LBB2_4-.Ltmp1, $4  }
0x30e: {  	v35 =	vmov s28  }
0x30f: {  	v35 =	vshll.u32 v35, $0x5;
	v38 =	vmul.f32 v39, v41;
	v37 =	vadd.f32 v34, v33  }
0x310: {  	v33 =	vor.u32 v1, v35  }
0x311: {  	s28 =	sadd.s32 $0x10, s28;
	v34 =	vor.u32 v2, v33;
	v36 =	vmul.f32 v36, v40;
	v35 =	vadd.f32 v38, v37  }
0x312: {  	_ = 	snop  }
0x313: {  	v37 =	vor.u32 v0, v33;
	v35 =	vadd.f32 v36, v35  }
0x314: {  	s22 =	sadd.s32 $0x10, s22  }
0x315: {  	s25 =	sadd.s32 $0x10, s25;
	[tilespmem:s22+$0x0] =	vst v35  }
0x316: {  	s20 =	sadd.s32 $0x10, s20;
	v35 =	vld [tilespmem:s25+$0x0]  }
0x317: {  	v48 =	vor.u32 v3, v33;
	v40 =	vld [tilespmem:s20+$0x0]  }
0x318: {  	v38 =	vld.idx.msk [tilespmem:v37+s16+$0x0], $0xffff  }
0x319: {  	v39 =	vor.u32 v4, v33;
	v37 =	vld.idx.msk [tilespmem:v37+s17+$0x0], $0xffff  }
0x31a: {  	v41 =	vld.idx.msk [tilespmem:v34+s16+$0x0], $0xffff  }
0x31b: {  	v42 =	vor.u32 v5, v33;
	v49 =	vld.idx.msk [tilespmem:v34+s17+$0x0], $0xffff  }
0x31c: {  	v43 =	vld.idx.msk [tilespmem:v48+s16+$0x0], $0xffff  }
0x31d: {  	v44 =	vor.u32 v6, v33;
	v36 =	vld.idx.msk [tilespmem:v48+s17+$0x0], $0xffff  }
0x31e: {  	v45 =	vld.idx.msk [tilespmem:v39+s16+$0x0], $0xffff;
	v35 =	vadd.f32 v35, v40;
	v37 =	vmul.f32 v37, v38  }
0x31f: {  	v51 =	vor.u32 v7, v33;
	v50 =	vld.idx.msk [tilespmem:v39+s17+$0x0], $0xffff  }
0x320: {  	v52 =	vld.idx.msk [tilespmem:v42+s16+$0x0], $0xffff;
	v34 =	vmul.f32 v49, v41;
	v35 =	vadd.f32 v37, v35  }
0x321: {  	v54 =	vor.u32 v8, v33;
	v53 =	vld.idx.msk [tilespmem:v42+s17+$0x0], $0xffff  }
0x322: {  	v55 =	vld.idx.msk [tilespmem:v44+s16+$0x0], $0xffff;
	v56 =	vmul.f32 v36, v43;
	v34 =	vadd.f32 v34, v35  }
0x323: {  	v58 =	vor.u32 v9, v33;
	v57 =	vld.idx.msk [tilespmem:v44+s17+$0x0], $0xffff  }
0x324: {  	v59 =	vld.idx.msk [tilespmem:v51+s16+$0x0], $0xffff;
	v60 =	vmul.f32 v50, v45;
	v34 =	vadd.f32 v56, v34  }
0x325: {  	v62 =	vor.u32 v10, v33;
	v61 =	vld.idx.msk [tilespmem:v51+s17+$0x0], $0xffff  }
0x326: {  	v63 =	vld.idx.msk [tilespmem:v54+s16+$0x0], $0xffff;
	v48 =	vmul.f32 v53, v52;
	v34 =	vadd.f32 v60, v34  }
0x327: {  	v49 =	vld.idx.msk [tilespmem:v54+s17+$0x0], $0xffff;
	v50 =	vor.u32 v11, v33  }
0x328: {  	v51 =	vld.idx.msk [tilespmem:v58+s16+$0x0], $0xffff;
	v52 =	vmul.f32 v57, v55;
	v34 =	vadd.f32 v48, v34  }
0x329: {  	v54 =	vor.u32 v12, v33;
	v53 =	vld.idx.msk [tilespmem:v58+s17+$0x0], $0xffff  }
0x32a: {  	v55 =	vld.idx.msk [tilespmem:v62+s16+$0x0], $0xffff;
	v56 =	vmul.f32 v61, v59;
	v34 =	vadd.f32 v52, v34  }
0x32b: {  	v57 =	vld.idx.msk [tilespmem:v62+s17+$0x0], $0xffff;
	v58 =	vor.u32 v13, v33  }
0x32c: {  	v59 =	vld.idx.msk [tilespmem:v50+s16+$0x0], $0xffff;
	v60 =	vmul.f32 v49, v63;
	v34 =	vadd.f32 v56, v34  }
0x32d: {  	v62 =	vor.u32 v14, v33;
	v61 =	vld.idx.msk [tilespmem:v50+s17+$0x0], $0xffff  }
0x32e: {  	v63 =	vld.idx.msk [tilespmem:v54+s16+$0x0], $0xffff;
	v48 =	vmul.f32 v53, v51;
	v34 =	vadd.f32 v60, v34  }
0x32f: {  	v50 =	vor.u32 v15, v33;
	v49 =	vld.idx.msk [tilespmem:v54+s17+$0x0], $0xffff  }
0x330: {  	v51 =	vld.idx.msk [tilespmem:v58+s16+$0x0], $0xffff;
	v52 =	vmul.f32 v57, v55;
	v34 =	vadd.f32 v48, v34  }
0x331: {  	v54 =	vor.u32 v25, v33;
	v53 =	vld.idx.msk [tilespmem:v58+s17+$0x0], $0xffff  }
0x332: {  	v55 =	vld.idx.msk [tilespmem:v62+s16+$0x0], $0xffff;
	v56 =	vmul.f32 v61, v59;
	v34 =	vadd.f32 v52, v34  }
0x333: {  	v58 =	vor.u32 v28, v33;
	v57 =	vld.idx.msk [tilespmem:v62+s17+$0x0], $0xffff  }
0x334: {  	v59 =	vld.idx.msk [tilespmem:v50+s16+$0x0], $0xffff;
	v60 =	vmul.f32 v49, v63;
	v34 =	vadd.f32 v56, v34  }
0x335: {  	v62 =	vor.u32 v16, v33;
	v61 =	vld.idx.msk [tilespmem:v50+s17+$0x0], $0xffff  }
0x336: {  	v63 =	vld.idx.msk [tilespmem:v54+s16+$0x0], $0xffff;
	v48 =	vmul.f32 v53, v51;
	v34 =	vadd.f32 v60, v34  }
0x337: {  	v50 =	vor.u32 v17, v33;
	v49 =	vld.idx.msk [tilespmem:v54+s17+$0x0], $0xffff  }
0x338: {  	v51 =	vld.idx.msk [tilespmem:v58+s16+$0x0], $0xffff;
	v52 =	vmul.f32 v57, v55;
	v34 =	vadd.f32 v48, v34  }
0x339: {  	v54 =	vor.u32 v26, v33;
	v53 =	vld.idx.msk [tilespmem:v58+s17+$0x0], $0xffff  }
0x33a: {  	v55 =	vld.idx.msk [tilespmem:v62+s16+$0x0], $0xffff;
	v56 =	vmul.f32 v61, v59;
	v34 =	vadd.f32 v52, v34  }
0x33b: {  	v58 =	vor.u32 v18, v33;
	v57 =	vld.idx.msk [tilespmem:v62+s17+$0x0], $0xffff  }
0x33c: {  	v59 =	vld.idx.msk [tilespmem:v50+s16+$0x0], $0xffff;
	v60 =	vmul.f32 v49, v63;
	v34 =	vadd.f32 v56, v34  }
0x33d: {  	v62 =	vor.u32 v19, v33;
	v61 =	vld.idx.msk [tilespmem:v50+s17+$0x0], $0xffff  }
0x33e: {  	v63 =	vld.idx.msk [tilespmem:v54+s16+$0x0], $0xffff;
	v48 =	vmul.f32 v53, v51;
	v34 =	vadd.f32 v60, v34  }
0x33f: {  	v50 =	vor.u32 v20, v33;
	v49 =	vld.idx.msk [tilespmem:v54+s17+$0x0], $0xffff  }
0x340: {  	v51 =	vld.idx.msk [tilespmem:v58+s16+$0x0], $0xffff;
	v52 =	vmul.f32 v57, v55;
	v34 =	vadd.f32 v48, v34  }
0x341: {  	v54 =	vor.u32 v21, v33;
	v53 =	vld.idx.msk [tilespmem:v58+s17+$0x0], $0xffff  }
0x342: {  	v55 =	vld.idx.msk [tilespmem:v62+s16+$0x0], $0xffff;
	v56 =	vmul.f32 v61, v59;
	v34 =	vadd.f32 v52, v34  }
0x343: {  	v58 =	vor.u32 v22, v33;
	v57 =	vld.idx.msk [tilespmem:v62+s17+$0x0], $0xffff  }
0x344: {  	v59 =	vld.idx.msk [tilespmem:v50+s16+$0x0], $0xffff;
	v60 =	vmul.f32 v49, v63;
	v34 =	vadd.f32 v56, v34  }
0x345: {  	v62 =	vor.u32 v23, v33;
	v61 =	vld.idx.msk [tilespmem:v50+s17+$0x0], $0xffff  }
0x346: {  	v63 =	vld.idx.msk [tilespmem:v54+s16+$0x0], $0xffff;
	v48 =	vmul.f32 v53, v51;
	v34 =	vadd.f32 v60, v34  }
0x347: {  	v50 =	vor.u32 v24, v33;
	v49 =	vld.idx.msk [tilespmem:v54+s17+$0x0], $0xffff  }
0x348: {  	v51 =	vld.idx.msk [tilespmem:v58+s16+$0x0], $0xffff;
	v52 =	vmul.f32 v57, v55;
	v34 =	vadd.f32 v48, v34  }
0x349: {  	v54 =	vor.u32 v27, v33;
	v53 =	vld.idx.msk [tilespmem:v58+s17+$0x0], $0xffff  }
0x34a: {  	v55 =	vld.idx.msk [tilespmem:v62+s16+$0x0], $0xffff;
	v56 =	vmul.f32 v61, v59;
	v34 =	vadd.f32 v52, v34  }
0x34b: {  	v58 =	vor.u32 v29, v33;
	v57 =	vld.idx.msk [tilespmem:v62+s17+$0x0], $0xffff  }
0x34c: {  	v59 =	vld.idx.msk [tilespmem:v50+s16+$0x0], $0xffff;
	v60 =	vmul.f32 v49, v63;
	v34 =	vadd.f32 v56, v34  }
0x34d: {  	v62 =	vor.u32 v30, v33;
	v61 =	vld.idx.msk [tilespmem:v50+s17+$0x0], $0xffff  }
0x34e: {  	v47 =	vmul.f32 v53, v51;
	v63 =	vld.idx.msk [tilespmem:v54+s16+$0x0], $0xffff;
	v34 =	vadd.f32 v60, v34  }
0x34f: {  	v49 =	vor.u32 v31, v33;
	v48 =	vld.idx.msk [tilespmem:v54+s17+$0x0], $0xffff  }
0x350: {  	v50 =	vld.idx.msk [tilespmem:v58+s16+$0x0], $0xffff;
	v51 =	vmul.f32 v57, v55;
	v34 =	vadd.f32 v47, v34  }
0x351: {  	v53 =	vor.u32 v32, v33;
	v52 =	vld.idx.msk [tilespmem:v58+s17+$0x0], $0xffff  }
0x352: {  	v54 =	vld.idx.msk [tilespmem:v62+s16+$0x0], $0xffff;
	v55 =	vmul.f32 v61, v59;
	v34 =	vadd.f32 v51, v34  }
0x353: {  	v56 =	vld.idx.msk [tilespmem:v62+s17+$0x0], $0xffff  }
0x354: {  	v57 =	vld.idx.msk [tilespmem:v49+s16+$0x0], $0xffff;
	v58 =	vmul.f32 v48, v63;
	v34 =	vadd.f32 v55, v34  }
0x355: {  	v59 =	vld.idx.msk [tilespmem:v49+s17+$0x0], $0xffff  }
0x356: {  	v33 =	vld.idx.msk [tilespmem:v53+s17+$0x0], $0xffff;
	v61 =	vmul.f32 v52, v50;
	v34 =	vadd.f32 v58, v34  }
0x357: {  	v60 =	vld.idx.msk [tilespmem:v53+s16+$0x0], $0xffff  }
0x358: {  	v62 =	vmul.f32 v56, v54;
	v34 =	vadd.f32 v61, v34;
	_ =	sdelay $0x1  }
0x359: {  	v63 =	vmul.f32 v59, v57;
	v34 =	vadd.f32 v62, v34;
	_ =	sdelay $0x1  }
0x35a: {  	v33 =	vmul.f32 v33, v60;
	v34 =	vadd.f32 v63, v34;
	_ =	sdelay $0x1  }
0x35b: {  	v33 =	vadd.f32 v33, v34  }
0x35c: {  	s22 =	sadd.s32 $0x10, s22  }
0x35d: {  	s28 =	simm.s32 $0x11000;
	s25 =	rddreg [dreg:$0x18];
	[tilespmem:s22+$0x0] =	vst v33  }
0x35e: {  	[hbm4b:s25+s1] =	stream.linear.scatter [tilespmem:s28], [sflag:$0x3], $0x200, $0x38;
	[tilespmem:$0x11400] =	vst v63  }
0x35f: {  	_ =	swait.ge [sflag:s26], $0x200  }
0x360: {  	[sflag:s26] =	ssyncset.done $0x0  }
0x361: {  	s25 =	simm.s32 $0x11200;
	s22 =	rddreg [dreg:$0x19];
	[sflag:s26] =	ssyncadd.s32 $0xFFFFFE00  }
0x362: {  	[hbm4b:s22+s1] =	stream.linear.scatter [tilespmem:s25], [sflag:$0x3], $0x200, $0x38;
	[tilespmem:$0x11400] =	vst v63  }
0x363: {  	_ =	swait.ge [sflag:s26], $0x200  }
0x364: {  	s21 =	sadd.s32 $0x1, s21;
	s25 =	rddreg [dreg:$0x1a]  }
0x365: {  	p0 =	sne.s32 s21, s25  }
.Ltmp2:
0x366: {  	_ = 	snop;
	(pc) =	sbr.rel @p0 .LBB2_1-.Ltmp2, $3  }
0x367: {  	_ =	sdelay $0x1  }
0x368: {  	[sflag:s26] =	ssyncset.done $0x0  }
0x369: {  	[sflag:s26] =	ssyncadd.s32 $0xFFFFFE00  }
0x36a: {  	_ =	sfence.sel $0x180000  }
0x36b: {  	[bflag:$0x0] =	sbarrier.arrive $0xFFFF  }
0x36c: {  	_ =	strace $0x90000047  }
0x36d: {  	s0 =	stileid.u32;
	[bflag:$0x2] =	sbarrier.arrive $0xFFFF  }
0x36e: {  	p0 =	sne.s32 s0, $0x0;
	s0 =	rddreg [dreg:$0x7]  }
0x36f: {  	s0 =	sadd.s32 @!p0 $0x100000, s0  }
0x370: {  	[sflag:s0] =	ssyncadd.tile.s32 @!p0 $0x1;
	_ =	shalt  }
.Lfunc_end2:
_tile_overlayer_lowered:
.L_overlay_start_2:
0x371: {  	(tag) =	ssettag $0x2  }
0x372: {  	s0 =	rddreg [dreg:$0x0];
	s2 =	stileid.u32  }
0x373: {  	s1 =	rddreg [dreg:$0x1];
	p0 =	sne.s32 s2, $0x0  }
0x374: {  	s3 =	rddreg [dreg:$0x2];
	[bflag:$0x3] =	sbarrier.arrive $0xFFFF;
	s2 =	simm.s32 @!p0 $0x1C03  }
0x375: {  	[timem:s3], [sflag:s2] =	dma.local @!p0 [hbm:s0], s1  }
0x376: {  	s0 =	simm.s32 @!p0 $0x3  }
0x377: {  	_ =	swait.ge @!p0 [sflag:s0], s1  }
0x378: {  	s1 =	ssub.s32 @!p0 $0x0, s1;
	[sflag:s0] =	ssyncset.done @!p0 $0x0  }
0x379: {  	[sflag:s0] =	ssyncadd.s32 @!p0 s1  }
0x37a: {  	[bflag:$0x3] =	sbarrier.arrive $0xFFFF  }
0x37b: {  	_ =	shalt  }

</sc_bundles>
